<compile_context>
chip_gen: v7x
topology: tpu7x:2x2x1
jax: 0.10.2.dev20260603
libtpu: 0.0.44.dev20260713+nightly
codegen_flags: <defaults>
</compile_context>

<pallas_src>
import functools

import jax
import jax.numpy as jnp
from jax import lax
from jax.experimental import pallas as pl
from jax.experimental.pallas import tpu as pltpu
from jax.experimental.pallas import tpu_sc as plsc

N_NODES = 10000
N_EDGES = 320000
D = 128

NC = 2
NS = 16
NW = NC * NS

N_PAD = 10240
NODES_PER_TILE = N_PAD // NS

N_PAD_E = 10112
NODES_PER_TILE_E = N_PAD_E // NS
CHUNK = 128
ROWS_PER_TILE = 80
E_PAD = NW * ROWS_PER_TILE * CHUNK

_mesh = plsc.VectorSubcoreMesh(core_axis_name="c", subcore_axis_name="s")


EDGES_PER_TILE = N_EDGES // NW
HVEC = 16


@functools.partial(
    pl.kernel,
    mesh=_mesh,
    compiler_params=pltpu.CompilerParams(needs_layout_passes=False),
    out_type=jax.ShapeDtypeStruct((NC, N_PAD), jnp.float32),
    scratch_types=[
        pltpu.VMEM((EDGES_PER_TILE,), jnp.int32),
        pltpu.VMEM((N_PAD,), jnp.float32),
        pltpu.VMEM((NS, NODES_PER_TILE), jnp.float32),
        pltpu.VMEM_SHARED((NS, N_PAD), jnp.float32),
    ],
)
def _deg_kernel(dst_hbm, zeros_hbm, degp_hbm, idx_v, hist, tbuf, stage):
    c = lax.axis_index("c")
    s = lax.axis_index("s")
    tid = c * NS + s
    pltpu.sync_copy(zeros_hbm, hist)
    pltpu.sync_copy(dst_hbm.at[pl.ds(tid * EDGES_PER_TILE, EDGES_PER_TILE)], idx_v)
    ones16 = jnp.full((HVEC,), 1.0, jnp.float32)

    def body(j, carry):
        v = idx_v[pl.ds(j * HVEC, HVEC)]
        plsc.addupdate_scatter(hist, [v], ones16)
        return carry

    lax.fori_loop(0, EDGES_PER_TILE // HVEC, body, 0)
    pltpu.sync_copy(hist, stage.at[s])
    plsc.subcore_barrier()
    for t in range(NS):
        pltpu.sync_copy(
            stage.at[t, pl.ds(s * NODES_PER_TILE, NODES_PER_TILE)], tbuf.at[t]
        )

    def red(i, carry):
        acc = tbuf[0, pl.ds(i * HVEC, HVEC)]
        for t in range(1, NS):
            acc = acc + tbuf[t, pl.ds(i * HVEC, HVEC)]
        hist[pl.ds(s * NODES_PER_TILE + i * HVEC, HVEC)] = acc
        return carry

    lax.fori_loop(0, NODES_PER_TILE // HVEC, red, 0)
    pltpu.sync_copy(
        hist.at[pl.ds(s * NODES_PER_TILE, NODES_PER_TILE)],
        degp_hbm.at[c, pl.ds(s * NODES_PER_TILE, NODES_PER_TILE)],
    )


@functools.partial(
    pl.kernel,
    mesh=_mesh,
    out_type=jax.ShapeDtypeStruct((NC, N_PAD_E, D), jnp.float32),
    scratch_types=[
        pltpu.VMEM((ROWS_PER_TILE, CHUNK), jnp.int32),
        pltpu.VMEM((ROWS_PER_TILE, CHUNK), jnp.int32),
        pltpu.VMEM((CHUNK, D), jnp.float32),
        pltpu.VMEM_SHARED((N_PAD_E, D), jnp.float32),
        pltpu.SemaphoreType.DMA,
    ],
)
def _edge_kernel(g_hbm, src_hbm, dst_hbm, acc_hbm, src_v, dst_v, rbuf, accs, sem):
    c = lax.axis_index("c")
    s = lax.axis_index("s")
    tid = c * NS + s

    r0 = s * NODES_PER_TILE_E
    for k in range(4):
        rk = r0 + k * CHUNK
        pltpu.sync_copy(g_hbm.at[pl.ds(rk, CHUNK)], rbuf)
        pltpu.sync_copy(rbuf, accs.at[pl.ds(rk, CHUNK)])
    rk = r0 + 4 * CHUNK
    pltpu.sync_copy(g_hbm.at[pl.ds(rk, 120)], rbuf.at[pl.ds(0, 120)])
    pltpu.sync_copy(rbuf.at[pl.ds(0, 120)], accs.at[pl.ds(rk, 120)])
    pltpu.sync_copy(src_hbm.at[tid], src_v)
    pltpu.sync_copy(dst_hbm.at[tid], dst_v)
    plsc.subcore_barrier()

    def body(j, carry):
        pltpu.async_copy(g_hbm.at[src_v.at[j]], rbuf, sem).wait()
        pltpu.sync_copy(rbuf, accs.at[dst_v.at[j]], add=True)
        return carry

    lax.fori_loop(0, ROWS_PER_TILE, body, 0)
    plsc.subcore_barrier()
    for k in range(4):
        rk = r0 + k * CHUNK
        pltpu.sync_copy(accs.at[pl.ds(rk, CHUNK)], rbuf)
        pltpu.sync_copy(rbuf, acc_hbm.at[c, pl.ds(rk, CHUNK)])
    rk = r0 + 4 * CHUNK
    pltpu.sync_copy(accs.at[pl.ds(rk, 120)], rbuf.at[pl.ds(0, 120)])
    pltpu.sync_copy(rbuf.at[pl.ds(0, 120)], acc_hbm.at[c, pl.ds(rk, 120)])


_BLK = 1000


def _transform_body(x_ref, w_ref, dp_ref, g_ref, dv_ref):
    h = jnp.dot(x_ref[...], w_ref[...], preferred_element_type=jnp.float32)
    deg = dp_ref[0] + dp_ref[1] + 1.0
    dinv = lax.rsqrt(jnp.maximum(deg, 1.0))
    g_ref[...] = h * dinv
    dv_ref[...] = jnp.broadcast_to(dinv, h.shape)


def _transform(x, W, degp):
    grid = (N_NODES // _BLK,)
    return pl.pallas_call(
        _transform_body,
        grid=grid,
        in_specs=[
            pl.BlockSpec((_BLK, D), lambda i: (i, 0)),
            pl.BlockSpec((D, D), lambda i: (0, 0)),
            pl.BlockSpec((NC, _BLK, 1), lambda i: (0, i, 0)),
        ],
        out_specs=[
            pl.BlockSpec((_BLK, D), lambda i: (i, 0)),
            pl.BlockSpec((_BLK, D), lambda i: (i, 0)),
        ],
        out_shape=[
            jax.ShapeDtypeStruct((N_NODES, D), jnp.float32),
            jax.ShapeDtypeStruct((N_NODES, D), jnp.float32),
        ],
    )(x, W, degp)


def _final_body(acc_ref, g_ref, dv_ref, b_ref, o_ref):
    t = acc_ref[0] + acc_ref[1] - g_ref[...]
    o_ref[...] = jnp.maximum(dv_ref[...] * t + b_ref[...], 0.0)


def _finalize(acc, g, dv, b2):
    grid = (N_NODES // _BLK,)
    return pl.pallas_call(
        _final_body,
        grid=grid,
        in_specs=[
            pl.BlockSpec((NC, _BLK, D), lambda i: (0, i, 0)),
            pl.BlockSpec((_BLK, D), lambda i: (i, 0)),
            pl.BlockSpec((_BLK, D), lambda i: (i, 0)),
            pl.BlockSpec((1, D), lambda i: (0, 0)),
        ],
        out_specs=pl.BlockSpec((_BLK, D), lambda i: (i, 0)),
        out_shape=jax.ShapeDtypeStruct((N_NODES, D), jnp.float32),
    )(acc, g, dv, b2)


def kernel(x, edge_index, W, b):
    ei = edge_index.astype(jnp.int32)
    pad_idx = N_NODES + jnp.arange(E_PAD - N_EDGES, dtype=jnp.int32) % (
        N_PAD_E - N_NODES)
    ei_pad = jnp.concatenate([ei, jnp.stack([pad_idx, pad_idx])], axis=1)
    src = ei_pad[0].reshape(NW, ROWS_PER_TILE, CHUNK)
    dst = ei_pad[1].reshape(NW, ROWS_PER_TILE, CHUNK)
    dst_flat = ei[1]
    zeros_h = jnp.zeros((N_PAD,), jnp.float32)
    degp = _deg_kernel(dst_flat, zeros_h)
    g, dv = _transform(x, W, degp[:, :N_NODES, None])
    g_pad = jnp.concatenate(
        [g, jnp.zeros((N_PAD_E - N_NODES, D), jnp.float32)], axis=0
    )
    acc = _edge_kernel(g_pad, src, dst)
    return _finalize(acc[:, :N_NODES], g, dv, b.reshape(1, D))

# --- scband reference (transcript-rebuilt; emitter-appended) ---
"""Pipeline reference for scband-gnn-layer-22608707846197 (READ-ONLY COPY).

The authoritative reference and input builder live on the scoring server;
editing this copy changes nothing except your own understanding.
"""

import jax, jax.numpy as jnp
import numpy as np

N_NODES = 10000
N_EDGES = 320000
D_IN = 128
D_OUT = 128


def setup_inputs(seed: int = 0) -> dict:
    key = jax.random.key(seed)
    k1, k2, k3 = jax.random.split(key, 3)
    x = jax.random.normal(k1, (N_NODES, D_IN), dtype=jnp.float32)
    edge_index = jax.random.randint(k2, (2, N_EDGES), 0, N_NODES, dtype=jnp.int64)
    W = jax.random.normal(k3, (D_IN, D_OUT), dtype=jnp.float32) * (1.0 / np.sqrt(D_IN))
    b = jnp.zeros((D_OUT,), dtype=jnp.float32)
    return {"x": x, "edge_index": edge_index, "W": W, "b": b}


def reference(x, edge_index, W, b):
    # GCNConv (add self-loops, symmetric normalization) + ReLU activation
    N = x.shape[0]
    ar = jnp.arange(N, dtype=edge_index.dtype)
    ei = jnp.concatenate([edge_index, jnp.stack([ar, ar])], axis=1)
    src, dst = ei[0], ei[1]
    # linear transform first (standard GCNConv order)
    h = x @ W
    # degree of destination nodes (with self-loops)
    ones = jnp.ones(src.shape[0], dtype=h.dtype)
    deg = jax.ops.segment_sum(ones, dst, num_segments=N)
    dinv = jax.lax.rsqrt(jnp.maximum(deg, 1.0))
    norm = dinv[src] * dinv[dst]
    # gather messages, normalize, scatter-add to destinations
    msg = h[src] * norm[:, None]
    out = jax.ops.segment_sum(msg, dst, num_segments=N) + b
    return jax.nn.relu(out)

if __name__ == "__main__":
    import jax
    _d = setup_inputs()
    print(jax.jit(kernel)(*tuple(_d.values())))

</pallas_src>

<mosaic_0001>
#map = affine_map<(d0, d1) -> (0)>
#map1 = affine_map<(d0, d1) -> (0, 0)>
module attributes {stable_mosaic.version = 14 : i64} {
  func.func @_deg_kernel(%arg0: i32, %arg1: i32, %arg2: memref<320000xi32, #tpu.memory_space<hbm>>, %arg3: memref<10240xf32, #tpu.memory_space<hbm>>, %arg4: memref<2x10240xf32, #tpu.memory_space<hbm>>, %arg5: memref<10000xi32, #tpu.memory_space<vmem>>, %arg6: memref<10240xf32, #tpu.memory_space<vmem>>, %arg7: memref<16x640xf32, #tpu.memory_space<vmem>>, %arg8: memref<16x10240xf32, #tpu.memory_space<vmem_shared>>) attributes {dimension_semantics = [#tpu.dimension_semantics<core_parallel>, #tpu.dimension_semantics<subcore_parallel>], iteration_bounds = array<i64: 2, 16>, scalar_prefetch = 0 : i64, scratch_operands = 4 : i64, tpu.core_type = #tpu.core_type<sc_vector_subcore>, window_params = [{transform_indices = #map}, {transform_indices = #map}, {transform_indices = #map1}]} {
    %mul3A = arith.constant 16 : i32
    %mul3A_0 = arith.muli %arg0, %mul3A : i32
    %add3A = arith.addi %mul3A_0, %arg1 : i32
    "tpu.region"() ({
      %run_scoped3A_82 = tpu.sem_alloc : memref<!tpu.dma_semaphore, #tpu.memory_space<semaphore_mem>>
      tpu.enqueue_dma source(%arg3 : memref<10240xf32, #tpu.memory_space<hbm>>) target(%arg6 : memref<10240xf32, #tpu.memory_space<vmem>>) target_semaphore(%run_scoped3A_82 : memref<!tpu.dma_semaphore, #tpu.memory_space<semaphore_mem>>)
      tpu.wait_dma2 semaphore(%run_scoped3A_82 : memref<!tpu.dma_semaphore, #tpu.memory_space<semaphore_mem>>) src(%arg3 : memref<10240xf32, #tpu.memory_space<hbm>>) dst(%arg6 : memref<10240xf32, #tpu.memory_space<vmem>>)
      tpu.yield
    }) : () -> ()
    %mul3A_1 = arith.constant 10000 : i32
    %mul3A_2 = arith.muli %add3A, %mul3A_1 : i32
    "tpu.region"() ({
      %run_scoped3A_82 = tpu.sem_alloc : memref<!tpu.dma_semaphore, #tpu.memory_space<semaphore_mem>>
      %dma_start3A = tpu.memref_slice %arg2[%mul3A_2] : memref<320000xi32, #tpu.memory_space<hbm>> -> memref<10000xi32, #tpu.memory_space<hbm>>
      %dma_start3A_83 = tpu.memref_slice %arg2[%mul3A_2] : memref<320000xi32, #tpu.memory_space<hbm>> -> memref<10000xi32, #tpu.memory_space<hbm>>
      tpu.enqueue_dma source(%dma_start3A_83 : memref<10000xi32, #tpu.memory_space<hbm>>) target(%arg5 : memref<10000xi32, #tpu.memory_space<vmem>>) target_semaphore(%run_scoped3A_82 : memref<!tpu.dma_semaphore, #tpu.memory_space<semaphore_mem>>)
      %dma_wait3A = tpu.memref_slice %arg2[%mul3A_2] : memref<320000xi32, #tpu.memory_space<hbm>> -> memref<10000xi32, #tpu.memory_space<hbm>>
      %dma_wait3A_84 = tpu.memref_slice %arg2[%mul3A_2] : memref<320000xi32, #tpu.memory_space<hbm>> -> memref<10000xi32, #tpu.memory_space<hbm>>
      tpu.wait_dma2 semaphore(%run_scoped3A_82 : memref<!tpu.dma_semaphore, #tpu.memory_space<semaphore_mem>>) src(%dma_wait3A_84 : memref<10000xi32, #tpu.memory_space<hbm>>) dst(%arg5 : memref<10000xi32, #tpu.memory_space<vmem>>)
      tpu.yield
    }) : () -> ()
    %broadcast_in_dim3A = arith.constant 1.000000e+00 : f32
    %broadcast_in_dim3A_3 = vector.broadcast %broadcast_in_dim3A : f32 to vector<16xf32>
    %scan3A = arith.constant 0 : i32
    %scan3A_4 = arith.constant 0 : i32
    %scan3A_5 = arith.constant 625 : i32
    %scan3A_6 = arith.addi %scan3A_4, %scan3A_5 : i32
    %scan3A_7 = arith.constant 1 : i32
    scf.for %scan3A_82 = %scan3A_4 to %scan3A_6 step %scan3A_7  : i32 {
      %mul3A_83 = arith.constant 16 : i32
      %mul3A_84 = arith.muli %scan3A_82, %mul3A_83 : i32
      %get3A = arith.index_cast %mul3A_84 : i32 to index
      %get3A_85 = tpu.vector_load %arg5[%get3A] {strides = array<i32>} : memref<10000xi32, #tpu.memory_space<vmem>>, vector<16xi32>,
      tpu.vector_store_idx %arg6[%get3A_85], %broadcast_in_dim3A_3 {add = true} : memref<10240xf32, #tpu.memory_space<vmem>>[vector<16xi32>], vector<16xf32>,
    }
    %scan3A_8 = arith.constant 625 : i32
    "tpu.region"() ({
      %run_scoped3A_82 = tpu.sem_alloc : memref<!tpu.dma_semaphore, #tpu.memory_space<semaphore_mem>>
      %dma_start3A = arith.constant 0 : i32
      %dma_start3A_83 = tpu.memref_slice %arg8[%arg1, %dma_start3A] : memref<16x10240xf32, #tpu.memory_space<vmem_shared>> -> memref<1x10240xf32, #tpu.memory_space<vmem_shared>>
      %dma_start3A_84 = tpu.memref_squeeze %dma_start3A_83 : memref<1x10240xf32, #tpu.memory_space<vmem_shared>> -> memref<10240xf32, #tpu.memory_space<vmem_shared>>
      %dma_start3A_85 = arith.constant 0 : i32
      %dma_start3A_86 = tpu.memref_slice %arg8[%arg1, %dma_start3A_85] : memref<16x10240xf32, #tpu.memory_space<vmem_shared>> -> memref<1x10240xf32, #tpu.memory_space<vmem_shared>>
      %dma_start3A_87 = tpu.memref_squeeze %dma_start3A_86 : memref<1x10240xf32, #tpu.memory_space<vmem_shared>> -> memref<10240xf32, #tpu.memory_space<vmem_shared>>
      tpu.enqueue_dma source(%arg6 : memref<10240xf32, #tpu.memory_space<vmem>>) target(%dma_start3A_87 : memref<10240xf32, #tpu.memory_space<vmem_shared>>) target_semaphore(%run_scoped3A_82 : memref<!tpu.dma_semaphore, #tpu.memory_space<semaphore_mem>>)
      %dma_wait3A = arith.constant 0 : i32
      %dma_wait3A_88 = tpu.memref_slice %arg8[%arg1, %dma_wait3A] : memref<16x10240xf32, #tpu.memory_space<vmem_shared>> -> memref<1x10240xf32, #tpu.memory_space<vmem_shared>>
      %dma_wait3A_89 = tpu.memref_squeeze %dma_wait3A_88 : memref<1x10240xf32, #tpu.memory_space<vmem_shared>> -> memref<10240xf32, #tpu.memory_space<vmem_shared>>
      %dma_wait3A_90 = arith.constant 0 : i32
      %dma_wait3A_91 = tpu.memref_slice %arg8[%arg1, %dma_wait3A_90] : memref<16x10240xf32, #tpu.memory_space<vmem_shared>> -> memref<1x10240xf32, #tpu.memory_space<vmem_shared>>
      %dma_wait3A_92 = tpu.memref_squeeze %dma_wait3A_91 : memref<1x10240xf32, #tpu.memory_space<vmem_shared>> -> memref<10240xf32, #tpu.memory_space<vmem_shared>>
      tpu.wait_dma2 semaphore(%run_scoped3A_82 : memref<!tpu.dma_semaphore, #tpu.memory_space<semaphore_mem>>) src(%arg6 : memref<10240xf32, #tpu.memory_space<vmem>>) dst(%dma_wait3A_92 : memref<10240xf32, #tpu.memory_space<vmem_shared>>)
      tpu.yield
    }) : () -> ()
    %barrier3A = arith.constant 0 : index
    tpu.barrier barrier_id(%barrier3A)
    %mul3A_9 = arith.constant 640 : i32
    %mul3A_10 = arith.muli %arg1, %mul3A_9 : i32
    %run_scoped3A = arith.constant 0 : i32
    %run_scoped3A_11 = arith.constant 0 : i32
    "tpu.region"() ({
      %run_scoped3A_82 = tpu.sem_alloc : memref<!tpu.dma_semaphore, #tpu.memory_space<semaphore_mem>>
      %dma_start3A = arith.constant 0 : i32
      %dma_start3A_83 = tpu.memref_slice %arg7[%run_scoped3A_11, %dma_start3A] : memref<16x640xf32, #tpu.memory_space<vmem>> -> memref<1x640xf32, #tpu.memory_space<vmem>>
      %dma_start3A_84 = tpu.memref_squeeze %dma_start3A_83 : memref<1x640xf32, #tpu.memory_space<vmem>> -> memref<640xf32, #tpu.memory_space<vmem>>
      %dma_start3A_85 = tpu.memref_slice %arg8[%run_scoped3A, %mul3A_10] : memref<16x10240xf32, #tpu.memory_space<vmem_shared>> -> memref<1x640xf32, #tpu.memory_space<vmem_shared>>
      %dma_start3A_86 = tpu.memref_squeeze %dma_start3A_85 : memref<1x640xf32, #tpu.memory_space<vmem_shared>> -> memref<640xf32, #tpu.memory_space<vmem_shared>>
      %dma_start3A_87 = arith.constant 0 : i32
      %dma_start3A_88 = tpu.memref_slice %arg7[%run_scoped3A_11, %dma_start3A_87] : memref<16x640xf32, #tpu.memory_space<vmem>> -> memref<1x640xf32, #tpu.memory_space<vmem>>
      %dma_start3A_89 = tpu.memref_squeeze %dma_start3A_88 : memref<1x640xf32, #tpu.memory_space<vmem>> -> memref<640xf32, #tpu.memory_space<vmem>>
      %dma_start3A_90 = tpu.memref_slice %arg8[%run_scoped3A, %mul3A_10] : memref<16x10240xf32, #tpu.memory_space<vmem_shared>> -> memref<1x640xf32, #tpu.memory_space<vmem_shared>>
      %dma_start3A_91 = tpu.memref_squeeze %dma_start3A_90 : memref<1x640xf32, #tpu.memory_space<vmem_shared>> -> memref<640xf32, #tpu.memory_space<vmem_shared>>
      tpu.enqueue_dma source(%dma_start3A_91 : memref<640xf32, #tpu.memory_space<vmem_shared>>) target(%dma_start3A_89 : memref<640xf32, #tpu.memory_space<vmem>>) target_semaphore(%run_scoped3A_82 : memref<!tpu.dma_semaphore, #tpu.memory_space<semaphore_mem>>)
      %dma_wait3A = arith.constant 0 : i32
      %dma_wait3A_92 = tpu.memref_slice %arg7[%run_scoped3A_11, %dma_wait3A] : memref<16x640xf32, #tpu.memory_space<vmem>> -> memref<1x640xf32, #tpu.memory_space<vmem>>
      %dma_wait3A_93 = tpu.memref_squeeze %dma_wait3A_92 : memref<1x640xf32, #tpu.memory_space<vmem>> -> memref<640xf32, #tpu.memory_space<vmem>>
      %dma_wait3A_94 = tpu.memref_slice %arg8[%run_scoped3A, %mul3A_10] : memref<16x10240xf32, #tpu.memory_space<vmem_shared>> -> memref<1x640xf32, #tpu.memory_space<vmem_shared>>
      %dma_wait3A_95 = tpu.memref_squeeze %dma_wait3A_94 : memref<1x640xf32, #tpu.memory_space<vmem_shared>> -> memref<640xf32, #tpu.memory_space<vmem_shared>>
      %dma_wait3A_96 = arith.constant 0 : i32
      %dma_wait3A_97 = tpu.memref_slice %arg7[%run_scoped3A_11, %dma_wait3A_96] : memref<16x640xf32, #tpu.memory_space<vmem>> -> memref<1x640xf32, #tpu.memory_space<vmem>>
      %dma_wait3A_98 = tpu.memref_squeeze %dma_wait3A_97 : memref<1x640xf32, #tpu.memory_space<vmem>> -> memref<640xf32, #tpu.memory_space<vmem>>
      %dma_wait3A_99 = tpu.memref_slice %arg8[%run_scoped3A, %mul3A_10] : memref<16x10240xf32, #tpu.memory_space<vmem_shared>> -> memref<1x640xf32, #tpu.memory_space<vmem_shared>>
      %dma_wait3A_100 = tpu.memref_squeeze %dma_wait3A_99 : memref<1x640xf32, #tpu.memory_space<vmem_shared>> -> memref<640xf32, #tpu.memory_space<vmem_shared>>
      tpu.wait_dma2 semaphore(%run_scoped3A_82 : memref<!tpu.dma_semaphore, #tpu.memory_space<semaphore_mem>>) src(%dma_wait3A_100 : memref<640xf32, #tpu.memory_space<vmem_shared>>) dst(%dma_wait3A_98 : memref<640xf32, #tpu.memory_space<vmem>>)
      tpu.yield
    }) : () -> ()
    %mul3A_12 = arith.constant 640 : i32
    %mul3A_13 = arith.muli %arg1, %mul3A_12 : i32
    %run_scoped3A_14 = arith.constant 1 : i32
    %run_scoped3A_15 = arith.constant 1 : i32
    "tpu.region"() ({
      %run_scoped3A_82 = tpu.sem_alloc : memref<!tpu.dma_semaphore, #tpu.memory_space<semaphore_mem>>
      %dma_start3A = arith.constant 0 : i32
      %dma_start3A_83 = tpu.memref_slice %arg7[%run_scoped3A_15, %dma_start3A] : memref<16x640xf32, #tpu.memory_space<vmem>> -> memref<1x640xf32, #tpu.memory_space<vmem>>
      %dma_start3A_84 = tpu.memref_squeeze %dma_start3A_83 : memref<1x640xf32, #tpu.memory_space<vmem>> -> memref<640xf32, #tpu.memory_space<vmem>>
      %dma_start3A_85 = tpu.memref_slice %arg8[%run_scoped3A_14, %mul3A_13] : memref<16x10240xf32, #tpu.memory_space<vmem_shared>> -> memref<1x640xf32, #tpu.memory_space<vmem_shared>>
      %dma_start3A_86 = tpu.memref_squeeze %dma_start3A_85 : memref<1x640xf32, #tpu.memory_space<vmem_shared>> -> memref<640xf32, #tpu.memory_space<vmem_shared>>
      %dma_start3A_87 = arith.constant 0 : i32
      %dma_start3A_88 = tpu.memref_slice %arg7[%run_scoped3A_15, %dma_start3A_87] : memref<16x640xf32, #tpu.memory_space<vmem>> -> memref<1x640xf32, #tpu.memory_space<vmem>>
      %dma_start3A_89 = tpu.memref_squeeze %dma_start3A_88 : memref<1x640xf32, #tpu.memory_space<vmem>> -> memref<640xf32, #tpu.memory_space<vmem>>
      %dma_start3A_90 = tpu.memref_slice %arg8[%run_scoped3A_14, %mul3A_13] : memref<16x10240xf32, #tpu.memory_space<vmem_shared>> -> memref<1x640xf32, #tpu.memory_space<vmem_shared>>
      %dma_start3A_91 = tpu.memref_squeeze %dma_start3A_90 : memref<1x640xf32, #tpu.memory_space<vmem_shared>> -> memref<640xf32, #tpu.memory_space<vmem_shared>>
      tpu.enqueue_dma source(%dma_start3A_91 : memref<640xf32, #tpu.memory_space<vmem_shared>>) target(%dma_start3A_89 : memref<640xf32, #tpu.memory_space<vmem>>) target_semaphore(%run_scoped3A_82 : memref<!tpu.dma_semaphore, #tpu.memory_space<semaphore_mem>>)
      %dma_wait3A = arith.constant 0 : i32
      %dma_wait3A_92 = tpu.memref_slice %arg7[%run_scoped3A_15, %dma_wait3A] : memref<16x640xf32, #tpu.memory_space<vmem>> -> memref<1x640xf32, #tpu.memory_space<vmem>>
      %dma_wait3A_93 = tpu.memref_squeeze %dma_wait3A_92 : memref<1x640xf32, #tpu.memory_space<vmem>> -> memref<640xf32, #tpu.memory_space<vmem>>
      %dma_wait3A_94 = tpu.memref_slice %arg8[%run_scoped3A_14, %mul3A_13] : memref<16x10240xf32, #tpu.memory_space<vmem_shared>> -> memref<1x640xf32, #tpu.memory_space<vmem_shared>>
      %dma_wait3A_95 = tpu.memref_squeeze %dma_wait3A_94 : memref<1x640xf32, #tpu.memory_space<vmem_shared>> -> memref<640xf32, #tpu.memory_space<vmem_shared>>
      %dma_wait3A_96 = arith.constant 0 : i32
      %dma_wait3A_97 = tpu.memref_slice %arg7[%run_scoped3A_15, %dma_wait3A_96] : memref<16x640xf32, #tpu.memory_space<vmem>> -> memref<1x640xf32, #tpu.memory_space<vmem>>
      %dma_wait3A_98 = tpu.memref_squeeze %dma_wait3A_97 : memref<1x640xf32, #tpu.memory_space<vmem>> -> memref<640xf32, #tpu.memory_space<vmem>>
      %dma_wait3A_99 = tpu.memref_slice %arg8[%run_scoped3A_14, %mul3A_13] : memref<16x10240xf32, #tpu.memory_space<vmem_shared>> -> memref<1x640xf32, #tpu.memory_space<vmem_shared>>
      %dma_wait3A_100 = tpu.memref_squeeze %dma_wait3A_99 : memref<1x640xf32, #tpu.memory_space<vmem_shared>> -> memref<640xf32, #tpu.memory_space<vmem_shared>>
      tpu.wait_dma2 semaphore(%run_scoped3A_82 : memref<!tpu.dma_semaphore, #tpu.memory_space<semaphore_mem>>) src(%dma_wait3A_100 : memref<640xf32, #tpu.memory_space<vmem_shared>>) dst(%dma_wait3A_98 : memref<640xf32, #tpu.memory_space<vmem>>)
      tpu.yield
    }) : () -> ()
    %mul3A_16 = arith.constant 640 : i32
    %mul3A_17 = arith.muli %arg1, %mul3A_16 : i32
    %run_scoped3A_18 = arith.constant 2 : i32
    %run_scoped3A_19 = arith.constant 2 : i32
    "tpu.region"() ({
      %run_scoped3A_82 = tpu.sem_alloc : memref<!tpu.dma_semaphore, #tpu.memory_space<semaphore_mem>>
      %dma_start3A = arith.constant 0 : i32
      %dma_start3A_83 = tpu.memref_slice %arg7[%run_scoped3A_19, %dma_start3A] : memref<16x640xf32, #tpu.memory_space<vmem>> -> memref<1x640xf32, #tpu.memory_space<vmem>>
      %dma_start3A_84 = tpu.memref_squeeze %dma_start3A_83 : memref<1x640xf32, #tpu.memory_space<vmem>> -> memref<640xf32, #tpu.memory_space<vmem>>
      %dma_start3A_85 = tpu.memref_slice %arg8[%run_scoped3A_18, %mul3A_17] : memref<16x10240xf32, #tpu.memory_space<vmem_shared>> -> memref<1x640xf32, #tpu.memory_space<vmem_shared>>
      %dma_start3A_86 = tpu.memref_squeeze %dma_start3A_85 : memref<1x640xf32, #tpu.memory_space<vmem_shared>> -> memref<640xf32, #tpu.memory_space<vmem_shared>>
      %dma_start3A_87 = arith.constant 0 : i32
      %dma_start3A_88 = tpu.memref_slice %arg7[%run_scoped3A_19, %dma_start3A_87] : memref<16x640xf32, #tpu.memory_space<vmem>> -> memref<1x640xf32, #tpu.memory_space<vmem>>
      %dma_start3A_89 = tpu.memref_squeeze %dma_start3A_88 : memref<1x640xf32, #tpu.memory_space<vmem>> -> memref<640xf32, #tpu.memory_space<vmem>>
      %dma_start3A_90 = tpu.memref_slice %arg8[%run_scoped3A_18, %mul3A_17] : memref<16x10240xf32, #tpu.memory_space<vmem_shared>> -> memref<1x640xf32, #tpu.memory_space<vmem_shared>>
      %dma_start3A_91 = tpu.memref_squeeze %dma_start3A_90 : memref<1x640xf32, #tpu.memory_space<vmem_shared>> -> memref<640xf32, #tpu.memory_space<vmem_shared>>
      tpu.enqueue_dma source(%dma_start3A_91 : memref<640xf32, #tpu.memory_space<vmem_shared>>) target(%dma_start3A_89 : memref<640xf32, #tpu.memory_space<vmem>>) target_semaphore(%run_scoped3A_82 : memref<!tpu.dma_semaphore, #tpu.memory_space<semaphore_mem>>)
      %dma_wait3A = arith.constant 0 : i32
      %dma_wait3A_92 = tpu.memref_slice %arg7[%run_scoped3A_19, %dma_wait3A] : memref<16x640xf32, #tpu.memory_space<vmem>> -> memref<1x640xf32, #tpu.memory_space<vmem>>
      %dma_wait3A_93 = tpu.memref_squeeze %dma_wait3A_92 : memref<1x640xf32, #tpu.memory_space<vmem>> -> memref<640xf32, #tpu.memory_space<vmem>>
      %dma_wait3A_94 = tpu.memref_slice %arg8[%run_scoped3A_18, %mul3A_17] : memref<16x10240xf32, #tpu.memory_space<vmem_shared>> -> memref<1x640xf32, #tpu.memory_space<vmem_shared>>
      %dma_wait3A_95 = tpu.memref_squeeze %dma_wait3A_94 : memref<1x640xf32, #tpu.memory_space<vmem_shared>> -> memref<640xf32, #tpu.memory_space<vmem_shared>>
      %dma_wait3A_96 = arith.constant 0 : i32
      %dma_wait3A_97 = tpu.memref_slice %arg7[%run_scoped3A_19, %dma_wait3A_96] : memref<16x640xf32, #tpu.memory_space<vmem>> -> memref<1x640xf32, #tpu.memory_space<vmem>>
      %dma_wait3A_98 = tpu.memref_squeeze %dma_wait3A_97 : memref<1x640xf32, #tpu.memory_space<vmem>> -> memref<640xf32, #tpu.memory_space<vmem>>
      %dma_wait3A_99 = tpu.memref_slice %arg8[%run_scoped3A_18, %mul3A_17] : memref<16x10240xf32, #tpu.memory_space<vmem_shared>> -> memref<1x640xf32, #tpu.memory_space<vmem_shared>>
      %dma_wait3A_100 = tpu.memref_squeeze %dma_wait3A_99 : memref<1x640xf32, #tpu.memory_space<vmem_shared>> -> memref<640xf32, #tpu.memory_space<vmem_shared>>
      tpu.wait_dma2 semaphore(%run_scoped3A_82 : memref<!tpu.dma_semaphore, #tpu.memory_space<semaphore_mem>>) src(%dma_wait3A_100 : memref<640xf32, #tpu.memory_space<vmem_shared>>) dst(%dma_wait3A_98 : memref<640xf32, #tpu.memory_space<vmem>>)
      tpu.yield
    }) : () -> ()
    %mul3A_20 = arith.constant 640 : i32
    %mul3A_21 = arith.muli %arg1, %mul3A_20 : i32
    %run_scoped3A_22 = arith.constant 3 : i32
    %run_scoped3A_23 = arith.constant 3 : i32
    "tpu.region"() ({
      %run_scoped3A_82 = tpu.sem_alloc : memref<!tpu.dma_semaphore, #tpu.memory_space<semaphore_mem>>
      %dma_start3A = arith.constant 0 : i32
      %dma_start3A_83 = tpu.memref_slice %arg7[%run_scoped3A_23, %dma_start3A] : memref<16x640xf32, #tpu.memory_space<vmem>> -> memref<1x640xf32, #tpu.memory_space<vmem>>
      %dma_start3A_84 = tpu.memref_squeeze %dma_start3A_83 : memref<1x640xf32, #tpu.memory_space<vmem>> -> memref<640xf32, #tpu.memory_space<vmem>>
      %dma_start3A_85 = tpu.memref_slice %arg8[%run_scoped3A_22, %mul3A_21] : memref<16x10240xf32, #tpu.memory_space<vmem_shared>> -> memref<1x640xf32, #tpu.memory_space<vmem_shared>>
      %dma_start3A_86 = tpu.memref_squeeze %dma_start3A_85 : memref<1x640xf32, #tpu.memory_space<vmem_shared>> -> memref<640xf32, #tpu.memory_space<vmem_shared>>
      %dma_start3A_87 = arith.constant 0 : i32
      %dma_start3A_88 = tpu.memref_slice %arg7[%run_scoped3A_23, %dma_start3A_87] : memref<16x640xf32, #tpu.memory_space<vmem>> -> memref<1x640xf32, #tpu.memory_space<vmem>>
      %dma_start3A_89 = tpu.memref_squeeze %dma_start3A_88 : memref<1x640xf32, #tpu.memory_space<vmem>> -> memref<640xf32, #tpu.memory_space<vmem>>
      %dma_start3A_90 = tpu.memref_slice %arg8[%run_scoped3A_22, %mul3A_21] : memref<16x10240xf32, #tpu.memory_space<vmem_shared>> -> memref<1x640xf32, #tpu.memory_space<vmem_shared>>
      %dma_start3A_91 = tpu.memref_squeeze %dma_start3A_90 : memref<1x640xf32, #tpu.memory_space<vmem_shared>> -> memref<640xf32, #tpu.memory_space<vmem_shared>>
      tpu.enqueue_dma source(%dma_start3A_91 : memref<640xf32, #tpu.memory_space<vmem_shared>>) target(%dma_start3A_89 : memref<640xf32, #tpu.memory_space<vmem>>) target_semaphore(%run_scoped3A_82 : memref<!tpu.dma_semaphore, #tpu.memory_space<semaphore_mem>>)
      %dma_wait3A = arith.constant 0 : i32
      %dma_wait3A_92 = tpu.memref_slice %arg7[%run_scoped3A_23, %dma_wait3A] : memref<16x640xf32, #tpu.memory_space<vmem>> -> memref<1x640xf32, #tpu.memory_space<vmem>>
      %dma_wait3A_93 = tpu.memref_squeeze %dma_wait3A_92 : memref<1x640xf32, #tpu.memory_space<vmem>> -> memref<640xf32, #tpu.memory_space<vmem>>
      %dma_wait3A_94 = tpu.memref_slice %arg8[%run_scoped3A_22, %mul3A_21] : memref<16x10240xf32, #tpu.memory_space<vmem_shared>> -> memref<1x640xf32, #tpu.memory_space<vmem_shared>>
      %dma_wait3A_95 = tpu.memref_squeeze %dma_wait3A_94 : memref<1x640xf32, #tpu.memory_space<vmem_shared>> -> memref<640xf32, #tpu.memory_space<vmem_shared>>
      %dma_wait3A_96 = arith.constant 0 : i32
      %dma_wait3A_97 = tpu.memref_slice %arg7[%run_scoped3A_23, %dma_wait3A_96] : memref<16x640xf32, #tpu.memory_space<vmem>> -> memref<1x640xf32, #tpu.memory_space<vmem>>
      %dma_wait3A_98 = tpu.memref_squeeze %dma_wait3A_97 : memref<1x640xf32, #tpu.memory_space<vmem>> -> memref<640xf32, #tpu.memory_space<vmem>>
      %dma_wait3A_99 = tpu.memref_slice %arg8[%run_scoped3A_22, %mul3A_21] : memref<16x10240xf32, #tpu.memory_space<vmem_shared>> -> memref<1x640xf32, #tpu.memory_space<vmem_shared>>
      %dma_wait3A_100 = tpu.memref_squeeze %dma_wait3A_99 : memref<1x640xf32, #tpu.memory_space<vmem_shared>> -> memref<640xf32, #tpu.memory_space<vmem_shared>>
      tpu.wait_dma2 semaphore(%run_scoped3A_82 : memref<!tpu.dma_semaphore, #tpu.memory_space<semaphore_mem>>) src(%dma_wait3A_100 : memref<640xf32, #tpu.memory_space<vmem_shared>>) dst(%dma_wait3A_98 : memref<640xf32, #tpu.memory_space<vmem>>)
      tpu.yield
    }) : () -> ()
    %mul3A_24 = arith.constant 640 : i32
    %mul3A_25 = arith.muli %arg1, %mul3A_24 : i32
    %run_scoped3A_26 = arith.constant 4 : i32
    %run_scoped3A_27 = arith.constant 4 : i32
    "tpu.region"() ({
      %run_scoped3A_82 = tpu.sem_alloc : memref<!tpu.dma_semaphore, #tpu.memory_space<semaphore_mem>>
      %dma_start3A = arith.constant 0 : i32
      %dma_start3A_83 = tpu.memref_slice %arg7[%run_scoped3A_27, %dma_start3A] : memref<16x640xf32, #tpu.memory_space<vmem>> -> memref<1x640xf32, #tpu.memory_space<vmem>>
      %dma_start3A_84 = tpu.memref_squeeze %dma_start3A_83 : memref<1x640xf32, #tpu.memory_space<vmem>> -> memref<640xf32, #tpu.memory_space<vmem>>
      %dma_start3A_85 = tpu.memref_slice %arg8[%run_scoped3A_26, %mul3A_25] : memref<16x10240xf32, #tpu.memory_space<vmem_shared>> -> memref<1x640xf32, #tpu.memory_space<vmem_shared>>
      %dma_start3A_86 = tpu.memref_squeeze %dma_start3A_85 : memref<1x640xf32, #tpu.memory_space<vmem_shared>> -> memref<640xf32, #tpu.memory_space<vmem_shared>>
      %dma_start3A_87 = arith.constant 0 : i32
      %dma_start3A_88 = tpu.memref_slice %arg7[%run_scoped3A_27, %dma_start3A_87] : memref<16x640xf32, #tpu.memory_space<vmem>> -> memref<1x640xf32, #tpu.memory_space<vmem>>
      %dma_start3A_89 = tpu.memref_squeeze %dma_start3A_88 : memref<1x640xf32, #tpu.memory_space<vmem>> -> memref<640xf32, #tpu.memory_space<vmem>>
      %dma_start3A_90 = tpu.memref_slice %arg8[%run_scoped3A_26, %mul3A_25] : memref<16x10240xf32, #tpu.memory_space<vmem_shared>> -> memref<1x640xf32, #tpu.memory_space<vmem_shared>>
      %dma_start3A_91 = tpu.memref_squeeze %dma_start3A_90 : memref<1x640xf32, #tpu.memory_space<vmem_shared>> -> memref<640xf32, #tpu.memory_space<vmem_shared>>
      tpu.enqueue_dma source(%dma_start3A_91 : memref<640xf32, #tpu.memory_space<vmem_shared>>) target(%dma_start3A_89 : memref<640xf32, #tpu.memory_space<vmem>>) target_semaphore(%run_scoped3A_82 : memref<!tpu.dma_semaphore, #tpu.memory_space<semaphore_mem>>)
      %dma_wait3A = arith.constant 0 : i32
      %dma_wait3A_92 = tpu.memref_slice %arg7[%run_scoped3A_27, %dma_wait3A] : memref<16x640xf32, #tpu.memory_space<vmem>> -> memref<1x640xf32, #tpu.memory_space<vmem>>
      %dma_wait3A_93 = tpu.memref_squeeze %dma_wait3A_92 : memref<1x640xf32, #tpu.memory_space<vmem>> -> memref<640xf32, #tpu.memory_space<vmem>>
      %dma_wait3A_94 = tpu.memref_slice %arg8[%run_scoped3A_26, %mul3A_25] : memref<16x10240xf32, #tpu.memory_space<vmem_shared>> -> memref<1x640xf32, #tpu.memory_space<vmem_shared>>
      %dma_wait3A_95 = tpu.memref_squeeze %dma_wait3A_94 : memref<1x640xf32, #tpu.memory_space<vmem_shared>> -> memref<640xf32, #tpu.memory_space<vmem_shared>>
      %dma_wait3A_96 = arith.constant 0 : i32
      %dma_wait3A_97 = tpu.memref_slice %arg7[%run_scoped3A_27, %dma_wait3A_96] : memref<16x640xf32, #tpu.memory_space<vmem>> -> memref<1x640xf32, #tpu.memory_space<vmem>>
      %dma_wait3A_98 = tpu.memref_squeeze %dma_wait3A_97 : memref<1x640xf32, #tpu.memory_space<vmem>> -> memref<640xf32, #tpu.memory_space<vmem>>
      %dma_wait3A_99 = tpu.memref_slice %arg8[%run_scoped3A_26, %mul3A_25] : memref<16x10240xf32, #tpu.memory_space<vmem_shared>> -> memref<1x640xf32, #tpu.memory_space<vmem_shared>>
      %dma_wait3A_100 = tpu.memref_squeeze %dma_wait3A_99 : memref<1x640xf32, #tpu.memory_space<vmem_shared>> -> memref<640xf32, #tpu.memory_space<vmem_shared>>
      tpu.wait_dma2 semaphore(%run_scoped3A_82 : memref<!tpu.dma_semaphore, #tpu.memory_space<semaphore_mem>>) src(%dma_wait3A_100 : memref<640xf32, #tpu.memory_space<vmem_shared>>) dst(%dma_wait3A_98 : memref<640xf32, #tpu.memory_space<vmem>>)
      tpu.yield
    }) : () -> ()
    %mul3A_28 = arith.constant 640 : i32
    %mul3A_29 = arith.muli %arg1, %mul3A_28 : i32
    %run_scoped3A_30 = arith.constant 5 : i32
    %run_scoped3A_31 = arith.constant 5 : i32
    "tpu.region"() ({
      %run_scoped3A_82 = tpu.sem_alloc : memref<!tpu.dma_semaphore, #tpu.memory_space<semaphore_mem>>
      %dma_start3A = arith.constant 0 : i32
      %dma_start3A_83 = tpu.memref_slice %arg7[%run_scoped3A_31, %dma_start3A] : memref<16x640xf32, #tpu.memory_space<vmem>> -> memref<1x640xf32, #tpu.memory_space<vmem>>
      %dma_start3A_84 = tpu.memref_squeeze %dma_start3A_83 : memref<1x640xf32, #tpu.memory_space<vmem>> -> memref<640xf32, #tpu.memory_space<vmem>>
      %dma_start3A_85 = tpu.memref_slice %arg8[%run_scoped3A_30, %mul3A_29] : memref<16x10240xf32, #tpu.memory_space<vmem_shared>> -> memref<1x640xf32, #tpu.memory_space<vmem_shared>>
      %dma_start3A_86 = tpu.memref_squeeze %dma_start3A_85 : memref<1x640xf32, #tpu.memory_space<vmem_shared>> -> memref<640xf32, #tpu.memory_space<vmem_shared>>
      %dma_start3A_87 = arith.constant 0 : i32
      %dma_start3A_88 = tpu.memref_slice %arg7[%run_scoped3A_31, %dma_start3A_87] : memref<16x640xf32, #tpu.memory_space<vmem>> -> memref<1x640xf32, #tpu.memory_space<vmem>>
      %dma_start3A_89 = tpu.memref_squeeze %dma_start3A_88 : memref<1x640xf32, #tpu.memory_space<vmem>> -> memref<640xf32, #tpu.memory_space<vmem>>
      %dma_start3A_90 = tpu.memref_slice %arg8[%run_scoped3A_30, %mul3A_29] : memref<16x10240xf32, #tpu.memory_space<vmem_shared>> -> memref<1x640xf32, #tpu.memory_space<vmem_shared>>
      %dma_start3A_91 = tpu.memref_squeeze %dma_start3A_90 : memref<1x640xf32, #tpu.memory_space<vmem_shared>> -> memref<640xf32, #tpu.memory_space<vmem_shared>>
      tpu.enqueue_dma source(%dma_start3A_91 : memref<640xf32, #tpu.memory_space<vmem_shared>>) target(%dma_start3A_89 : memref<640xf32, #tpu.memory_space<vmem>>) target_semaphore(%run_scoped3A_82 : memref<!tpu.dma_semaphore, #tpu.memory_space<semaphore_mem>>)
      %dma_wait3A = arith.constant 0 : i32
      %dma_wait3A_92 = tpu.memref_slice %arg7[%run_scoped3A_31, %dma_wait3A] : memref<16x640xf32, #tpu.memory_space<vmem>> -> memref<1x640xf32, #tpu.memory_space<vmem>>
      %dma_wait3A_93 = tpu.memref_squeeze %dma_wait3A_92 : memref<1x640xf32, #tpu.memory_space<vmem>> -> memref<640xf32, #tpu.memory_space<vmem>>
      %dma_wait3A_94 = tpu.memref_slice %arg8[%run_scoped3A_30, %mul3A_29] : memref<16x10240xf32, #tpu.memory_space<vmem_shared>> -> memref<1x640xf32, #tpu.memory_space<vmem_shared>>
      %dma_wait3A_95 = tpu.memref_squeeze %dma_wait3A_94 : memref<1x640xf32, #tpu.memory_space<vmem_shared>> -> memref<640xf32, #tpu.memory_space<vmem_shared>>
      %dma_wait3A_96 = arith.constant 0 : i32
      %dma_wait3A_97 = tpu.memref_slice %arg7[%run_scoped3A_31, %dma_wait3A_96] : memref<16x640xf32, #tpu.memory_space<vmem>> -> memref<1x640xf32, #tpu.memory_space<vmem>>
      %dma_wait3A_98 = tpu.memref_squeeze %dma_wait3A_97 : memref<1x640xf32, #tpu.memory_space<vmem>> -> memref<640xf32, #tpu.memory_space<vmem>>
      %dma_wait3A_99 = tpu.memref_slice %arg8[%run_scoped3A_30, %mul3A_29] : memref<16x10240xf32, #tpu.memory_space<vmem_shared>> -> memref<1x640xf32, #tpu.memory_space<vmem_shared>>
      %dma_wait3A_100 = tpu.memref_squeeze %dma_wait3A_99 : memref<1x640xf32, #tpu.memory_space<vmem_shared>> -> memref<640xf32, #tpu.memory_space<vmem_shared>>
      tpu.wait_dma2 semaphore(%run_scoped3A_82 : memref<!tpu.dma_semaphore, #tpu.memory_space<semaphore_mem>>) src(%dma_wait3A_100 : memref<640xf32, #tpu.memory_space<vmem_shared>>) dst(%dma_wait3A_98 : memref<640xf32, #tpu.memory_space<vmem>>)
      tpu.yield
    }) : () -> ()
    %mul3A_32 = arith.constant 640 : i32
    %mul3A_33 = arith.muli %arg1, %mul3A_32 : i32
    %run_scoped3A_34 = arith.constant 6 : i32
    %run_scoped3A_35 = arith.constant 6 : i32
    "tpu.region"() ({
      %run_scoped3A_82 = tpu.sem_alloc : memref<!tpu.dma_semaphore, #tpu.memory_space<semaphore_mem>>
      %dma_start3A = arith.constant 0 : i32
      %dma_start3A_83 = tpu.memref_slice %arg7[%run_scoped3A_35, %dma_start3A] : memref<16x640xf32, #tpu.memory_space<vmem>> -> memref<1x640xf32, #tpu.memory_space<vmem>>
      %dma_start3A_84 = tpu.memref_squeeze %dma_start3A_83 : memref<1x640xf32, #tpu.memory_space<vmem>> -> memref<640xf32, #tpu.memory_space<vmem>>
      %dma_start3A_85 = tpu.memref_slice %arg8[%run_scoped3A_34, %mul3A_33] : memref<16x10240xf32, #tpu.memory_space<vmem_shared>> -> memref<1x640xf32, #tpu.memory_space<vmem_shared>>
      %dma_start3A_86 = tpu.memref_squeeze %dma_start3A_85 : memref<1x640xf32, #tpu.memory_space<vmem_shared>> -> memref<640xf32, #tpu.memory_space<vmem_shared>>
      %dma_start3A_87 = arith.constant 0 : i32
      %dma_start3A_88 = tpu.memref_slice %arg7[%run_scoped3A_35, %dma_start3A_87] : memref<16x640xf32, #tpu.memory_space<vmem>> -> memref<1x640xf32, #tpu.memory_space<vmem>>
      %dma_start3A_89 = tpu.memref_squeeze %dma_start3A_88 : memref<1x640xf32, #tpu.memory_space<vmem>> -> memref<640xf32, #tpu.memory_space<vmem>>
      %dma_start3A_90 = tpu.memref_slice %arg8[%run_scoped3A_34, %mul3A_33] : memref<16x10240xf32, #tpu.memory_space<vmem_shared>> -> memref<1x640xf32, #tpu.memory_space<vmem_shared>>
      %dma_start3A_91 = tpu.memref_squeeze %dma_start3A_90 : memref<1x640xf32, #tpu.memory_space<vmem_shared>> -> memref<640xf32, #tpu.memory_space<vmem_shared>>
      tpu.enqueue_dma source(%dma_start3A_91 : memref<640xf32, #tpu.memory_space<vmem_shared>>) target(%dma_start3A_89 : memref<640xf32, #tpu.memory_space<vmem>>) target_semaphore(%run_scoped3A_82 : memref<!tpu.dma_semaphore, #tpu.memory_space<semaphore_mem>>)
      %dma_wait3A = arith.constant 0 : i32
      %dma_wait3A_92 = tpu.memref_slice %arg7[%run_scoped3A_35, %dma_wait3A] : memref<16x640xf32, #tpu.memory_space<vmem>> -> memref<1x640xf32, #tpu.memory_space<vmem>>
      %dma_wait3A_93 = tpu.memref_squeeze %dma_wait3A_92 : memref<1x640xf32, #tpu.memory_space<vmem>> -> memref<640xf32, #tpu.memory_space<vmem>>
      %dma_wait3A_94 = tpu.memref_slice %arg8[%run_scoped3A_34, %mul3A_33] : memref<16x10240xf32, #tpu.memory_space<vmem_shared>> -> memref<1x640xf32, #tpu.memory_space<vmem_shared>>
      %dma_wait3A_95 = tpu.memref_squeeze %dma_wait3A_94 : memref<1x640xf32, #tpu.memory_space<vmem_shared>> -> memref<640xf32, #tpu.memory_space<vmem_shared>>
      %dma_wait3A_96 = arith.constant 0 : i32
      %dma_wait3A_97 = tpu.memref_slice %arg7[%run_scoped3A_35, %dma_wait3A_96] : memref<16x640xf32, #tpu.memory_space<vmem>> -> memref<1x640xf32, #tpu.memory_space<vmem>>
      %dma_wait3A_98 = tpu.memref_squeeze %dma_wait3A_97 : memref<1x640xf32, #tpu.memory_space<vmem>> -> memref<640xf32, #tpu.memory_space<vmem>>
      %dma_wait3A_99 = tpu.memref_slice %arg8[%run_scoped3A_34, %mul3A_33] : memref<16x10240xf32, #tpu.memory_space<vmem_shared>> -> memref<1x640xf32, #tpu.memory_space<vmem_shared>>
      %dma_wait3A_100 = tpu.memref_squeeze %dma_wait3A_99 : memref<1x640xf32, #tpu.memory_space<vmem_shared>> -> memref<640xf32, #tpu.memory_space<vmem_shared>>
      tpu.wait_dma2 semaphore(%run_scoped3A_82 : memref<!tpu.dma_semaphore, #tpu.memory_space<semaphore_mem>>) src(%dma_wait3A_100 : memref<640xf32, #tpu.memory_space<vmem_shared>>) dst(%dma_wait3A_98 : memref<640xf32, #tpu.memory_space<vmem>>)
      tpu.yield
    }) : () -> ()
    %mul3A_36 = arith.constant 640 : i32
    %mul3A_37 = arith.muli %arg1, %mul3A_36 : i32
    %run_scoped3A_38 = arith.constant 7 : i32
    %run_scoped3A_39 = arith.constant 7 : i32
    "tpu.region"() ({
      %run_scoped3A_82 = tpu.sem_alloc : memref<!tpu.dma_semaphore, #tpu.memory_space<semaphore_mem>>
      %dma_start3A = arith.constant 0 : i32
      %dma_start3A_83 = tpu.memref_slice %arg7[%run_scoped3A_39, %dma_start3A] : memref<16x640xf32, #tpu.memory_space<vmem>> -> memref<1x640xf32, #tpu.memory_space<vmem>>
      %dma_start3A_84 = tpu.memref_squeeze %dma_start3A_83 : memref<1x640xf32, #tpu.memory_space<vmem>> -> memref<640xf32, #tpu.memory_space<vmem>>
      %dma_start3A_85 = tpu.memref_slice %arg8[%run_scoped3A_38, %mul3A_37] : memref<16x10240xf32, #tpu.memory_space<vmem_shared>> -> memref<1x640xf32, #tpu.memory_space<vmem_shared>>
      %dma_start3A_86 = tpu.memref_squeeze %dma_start3A_85 : memref<1x640xf32, #tpu.memory_space<vmem_shared>> -> memref<640xf32, #tpu.memory_space<vmem_shared>>
      %dma_start3A_87 = arith.constant 0 : i32
      %dma_start3A_88 = tpu.memref_slice %arg7[%run_scoped3A_39, %dma_start3A_87] : memref<16x640xf32, #tpu.memory_space<vmem>> -> memref<1x640xf32, #tpu.memory_space<vmem>>
      %dma_start3A_89 = tpu.memref_squeeze %dma_start3A_88 : memref<1x640xf32, #tpu.memory_space<vmem>> -> memref<640xf32, #tpu.memory_space<vmem>>
      %dma_start3A_90 = tpu.memref_slice %arg8[%run_scoped3A_38, %mul3A_37] : memref<16x10240xf32, #tpu.memory_space<vmem_shared>> -> memref<1x640xf32, #tpu.memory_space<vmem_shared>>
      %dma_start3A_91 = tpu.memref_squeeze %dma_start3A_90 : memref<1x640xf32, #tpu.memory_space<vmem_shared>> -> memref<640xf32, #tpu.memory_space<vmem_shared>>
      tpu.enqueue_dma source(%dma_start3A_91 : memref<640xf32, #tpu.memory_space<vmem_shared>>) target(%dma_start3A_89 : memref<640xf32, #tpu.memory_space<vmem>>) target_semaphore(%run_scoped3A_82 : memref<!tpu.dma_semaphore, #tpu.memory_space<semaphore_mem>>)
      %dma_wait3A = arith.constant 0 : i32
      %dma_wait3A_92 = tpu.memref_slice %arg7[%run_scoped3A_39, %dma_wait3A] : memref<16x640xf32, #tpu.memory_space<vmem>> -> memref<1x640xf32, #tpu.memory_space<vmem>>
      %dma_wait3A_93 = tpu.memref_squeeze %dma_wait3A_92 : memref<1x640xf32, #tpu.memory_space<vmem>> -> memref<640xf32, #tpu.memory_space<vmem>>
      %dma_wait3A_94 = tpu.memref_slice %arg8[%run_scoped3A_38, %mul3A_37] : memref<16x10240xf32, #tpu.memory_space<vmem_shared>> -> memref<1x640xf32, #tpu.memory_space<vmem_shared>>
      %dma_wait3A_95 = tpu.memref_squeeze %dma_wait3A_94 : memref<1x640xf32, #tpu.memory_space<vmem_shared>> -> memref<640xf32, #tpu.memory_space<vmem_shared>>
      %dma_wait3A_96 = arith.constant 0 : i32
      %dma_wait3A_97 = tpu.memref_slice %arg7[%run_scoped3A_39, %dma_wait3A_96] : memref<16x640xf32, #tpu.memory_space<vmem>> -> memref<1x640xf32, #tpu.memory_space<vmem>>
      %dma_wait3A_98 = tpu.memref_squeeze %dma_wait3A_97 : memref<1x640xf32, #tpu.memory_space<vmem>> -> memref<640xf32, #tpu.memory_space<vmem>>
      %dma_wait3A_99 = tpu.memref_slice %arg8[%run_scoped3A_38, %mul3A_37] : memref<16x10240xf32, #tpu.memory_space<vmem_shared>> -> memref<1x640xf32, #tpu.memory_space<vmem_shared>>
      %dma_wait3A_100 = tpu.memref_squeeze %dma_wait3A_99 : memref<1x640xf32, #tpu.memory_space<vmem_shared>> -> memref<640xf32, #tpu.memory_space<vmem_shared>>
      tpu.wait_dma2 semaphore(%run_scoped3A_82 : memref<!tpu.dma_semaphore, #tpu.memory_space<semaphore_mem>>) src(%dma_wait3A_100 : memref<640xf32, #tpu.memory_space<vmem_shared>>) dst(%dma_wait3A_98 : memref<640xf32, #tpu.memory_space<vmem>>)
      tpu.yield
    }) : () -> ()
    %mul3A_40 = arith.constant 640 : i32
    %mul3A_41 = arith.muli %arg1, %mul3A_40 : i32
    %run_scoped3A_42 = arith.constant 8 : i32
    %run_scoped3A_43 = arith.constant 8 : i32
    "tpu.region"() ({
      %run_scoped3A_82 = tpu.sem_alloc : memref<!tpu.dma_semaphore, #tpu.memory_space<semaphore_mem>>
      %dma_start3A = arith.constant 0 : i32
      %dma_start3A_83 = tpu.memref_slice %arg7[%run_scoped3A_43, %dma_start3A] : memref<16x640xf32, #tpu.memory_space<vmem>> -> memref<1x640xf32, #tpu.memory_space<vmem>>
      %dma_start3A_84 = tpu.memref_squeeze %dma_start3A_83 : memref<1x640xf32, #tpu.memory_space<vmem>> -> memref<640xf32, #tpu.memory_space<vmem>>
      %dma_start3A_85 = tpu.memref_slice %arg8[%run_scoped3A_42, %mul3A_41] : memref<16x10240xf32, #tpu.memory_space<vmem_shared>> -> memref<1x640xf32, #tpu.memory_space<vmem_shared>>
      %dma_start3A_86 = tpu.memref_squeeze %dma_start3A_85 : memref<1x640xf32, #tpu.memory_space<vmem_shared>> -> memref<640xf32, #tpu.memory_space<vmem_shared>>
      %dma_start3A_87 = arith.constant 0 : i32
      %dma_start3A_88 = tpu.memref_slice %arg7[%run_scoped3A_43, %dma_start3A_87] : memref<16x640xf32, #tpu.memory_space<vmem>> -> memref<1x640xf32, #tpu.memory_space<vmem>>
      %dma_start3A_89 = tpu.memref_squeeze %dma_start3A_88 : memref<1x640xf32, #tpu.memory_space<vmem>> -> memref<640xf32, #tpu.memory_space<vmem>>
      %dma_start3A_90 = tpu.memref_slice %arg8[%run_scoped3A_42, %mul3A_41] : memref<16x10240xf32, #tpu.memory_space<vmem_shared>> -> memref<1x640xf32, #tpu.memory_space<vmem_shared>>
      %dma_start3A_91 = tpu.memref_squeeze %dma_start3A_90 : memref<1x640xf32, #tpu.memory_space<vmem_shared>> -> memref<640xf32, #tpu.memory_space<vmem_shared>>
      tpu.enqueue_dma source(%dma_start3A_91 : memref<640xf32, #tpu.memory_space<vmem_shared>>) target(%dma_start3A_89 : memref<640xf32, #tpu.memory_space<vmem>>) target_semaphore(%run_scoped3A_82 : memref<!tpu.dma_semaphore, #tpu.memory_space<semaphore_mem>>)
      %dma_wait3A = arith.constant 0 : i32
      %dma_wait3A_92 = tpu.memref_slice %arg7[%run_scoped3A_43, %dma_wait3A] : memref<16x640xf32, #tpu.memory_space<vmem>> -> memref<1x640xf32, #tpu.memory_space<vmem>>
      %dma_wait3A_93 = tpu.memref_squeeze %dma_wait3A_92 : memref<1x640xf32, #tpu.memory_space<vmem>> -> memref<640xf32, #tpu.memory_space<vmem>>
      %dma_wait3A_94 = tpu.memref_slice %arg8[%run_scoped3A_42, %mul3A_41] : memref<16x10240xf32, #tpu.memory_space<vmem_shared>> -> memref<1x640xf32, #tpu.memory_space<vmem_shared>>
      %dma_wait3A_95 = tpu.memref_squeeze %dma_wait3A_94 : memref<1x640xf32, #tpu.memory_space<vmem_shared>> -> memref<640xf32, #tpu.memory_space<vmem_shared>>
      %dma_wait3A_96 = arith.constant 0 : i32
      %dma_wait3A_97 = tpu.memref_slice %arg7[%run_scoped3A_43, %dma_wait3A_96] : memref<16x640xf32, #tpu.memory_space<vmem>> -> memref<1x640xf32, #tpu.memory_space<vmem>>
      %dma_wait3A_98 = tpu.memref_squeeze %dma_wait3A_97 : memref<1x640xf32, #tpu.memory_space<vmem>> -> memref<640xf32, #tpu.memory_space<vmem>>
      %dma_wait3A_99 = tpu.memref_slice %arg8[%run_scoped3A_42, %mul3A_41] : memref<16x10240xf32, #tpu.memory_space<vmem_shared>> -> memref<1x640xf32, #tpu.memory_space<vmem_shared>>
      %dma_wait3A_100 = tpu.memref_squeeze %dma_wait3A_99 : memref<1x640xf32, #tpu.memory_space<vmem_shared>> -> memref<640xf32, #tpu.memory_space<vmem_shared>>
      tpu.wait_dma2 semaphore(%run_scoped3A_82 : memref<!tpu.dma_semaphore, #tpu.memory_space<semaphore_mem>>) src(%dma_wait3A_100 : memref<640xf32, #tpu.memory_space<vmem_shared>>) dst(%dma_wait3A_98 : memref<640xf32, #tpu.memory_space<vmem>>)
      tpu.yield
    }) : () -> ()
    %mul3A_44 = arith.constant 640 : i32
    %mul3A_45 = arith.muli %arg1, %mul3A_44 : i32
    %run_scoped3A_46 = arith.constant 9 : i32
    %run_scoped3A_47 = arith.constant 9 : i32
    "tpu.region"() ({
      %run_scoped3A_82 = tpu.sem_alloc : memref<!tpu.dma_semaphore, #tpu.memory_space<semaphore_mem>>
      %dma_start3A = arith.constant 0 : i32
      %dma_start3A_83 = tpu.memref_slice %arg7[%run_scoped3A_47, %dma_start3A] : memref<16x640xf32, #tpu.memory_space<vmem>> -> memref<1x640xf32, #tpu.memory_space<vmem>>
      %dma_start3A_84 = tpu.memref_squeeze %dma_start3A_83 : memref<1x640xf32, #tpu.memory_space<vmem>> -> memref<640xf32, #tpu.memory_space<vmem>>
      %dma_start3A_85 = tpu.memref_slice %arg8[%run_scoped3A_46, %mul3A_45] : memref<16x10240xf32, #tpu.memory_space<vmem_shared>> -> memref<1x640xf32, #tpu.memory_space<vmem_shared>>
      %dma_start3A_86 = tpu.memref_squeeze %dma_start3A_85 : memref<1x640xf32, #tpu.memory_space<vmem_shared>> -> memref<640xf32, #tpu.memory_space<vmem_shared>>
      %dma_start3A_87 = arith.constant 0 : i32
      %dma_start3A_88 = tpu.memref_slice %arg7[%run_scoped3A_47, %dma_start3A_87] : memref<16x640xf32, #tpu.memory_space<vmem>> -> memref<1x640xf32, #tpu.memory_space<vmem>>
      %dma_start3A_89 = tpu.memref_squeeze %dma_start3A_88 : memref<1x640xf32, #tpu.memory_space<vmem>> -> memref<640xf32, #tpu.memory_space<vmem>>
      %dma_start3A_90 = tpu.memref_slice %arg8[%run_scoped3A_46, %mul3A_45] : memref<16x10240xf32, #tpu.memory_space<vmem_shared>> -> memref<1x640xf32, #tpu.memory_space<vmem_shared>>
      %dma_start3A_91 = tpu.memref_squeeze %dma_start3A_90 : memref<1x640xf32, #tpu.memory_space<vmem_shared>> -> memref<640xf32, #tpu.memory_space<vmem_shared>>
      tpu.enqueue_dma source(%dma_start3A_91 : memref<640xf32, #tpu.memory_space<vmem_shared>>) target(%dma_start3A_89 : memref<640xf32, #tpu.memory_space<vmem>>) target_semaphore(%run_scoped3A_82 : memref<!tpu.dma_semaphore, #tpu.memory_space<semaphore_mem>>)
      %dma_wait3A = arith.constant 0 : i32
      %dma_wait3A_92 = tpu.memref_slice %arg7[%run_scoped3A_47, %dma_wait3A] : memref<16x640xf32, #tpu.memory_space<vmem>> -> memref<1x640xf32, #tpu.memory_space<vmem>>
      %dma_wait3A_93 = tpu.memref_squeeze %dma_wait3A_92 : memref<1x640xf32, #tpu.memory_space<vmem>> -> memref<640xf32, #tpu.memory_space<vmem>>
      %dma_wait3A_94 = tpu.memref_slice %arg8[%run_scoped3A_46, %mul3A_45] : memref<16x10240xf32, #tpu.memory_space<vmem_shared>> -> memref<1x640xf32, #tpu.memory_space<vmem_shared>>
      %dma_wait3A_95 = tpu.memref_squeeze %dma_wait3A_94 : memref<1x640xf32, #tpu.memory_space<vmem_shared>> -> memref<640xf32, #tpu.memory_space<vmem_shared>>
      %dma_wait3A_96 = arith.constant 0 : i32
      %dma_wait3A_97 = tpu.memref_slice %arg7[%run_scoped3A_47, %dma_wait3A_96] : memref<16x640xf32, #tpu.memory_space<vmem>> -> memref<1x640xf32, #tpu.memory_space<vmem>>
      %dma_wait3A_98 = tpu.memref_squeeze %dma_wait3A_97 : memref<1x640xf32, #tpu.memory_space<vmem>> -> memref<640xf32, #tpu.memory_space<vmem>>
      %dma_wait3A_99 = tpu.memref_slice %arg8[%run_scoped3A_46, %mul3A_45] : memref<16x10240xf32, #tpu.memory_space<vmem_shared>> -> memref<1x640xf32, #tpu.memory_space<vmem_shared>>
      %dma_wait3A_100 = tpu.memref_squeeze %dma_wait3A_99 : memref<1x640xf32, #tpu.memory_space<vmem_shared>> -> memref<640xf32, #tpu.memory_space<vmem_shared>>
      tpu.wait_dma2 semaphore(%run_scoped3A_82 : memref<!tpu.dma_semaphore, #tpu.memory_space<semaphore_mem>>) src(%dma_wait3A_100 : memref<640xf32, #tpu.memory_space<vmem_shared>>) dst(%dma_wait3A_98 : memref<640xf32, #tpu.memory_space<vmem>>)
      tpu.yield
    }) : () -> ()
    %mul3A_48 = arith.constant 640 : i32
    %mul3A_49 = arith.muli %arg1, %mul3A_48 : i32
    %run_scoped3A_50 = arith.constant 10 : i32
    %run_scoped3A_51 = arith.constant 10 : i32
    "tpu.region"() ({
      %run_scoped3A_82 = tpu.sem_alloc : memref<!tpu.dma_semaphore, #tpu.memory_space<semaphore_mem>>
      %dma_start3A = arith.constant 0 : i32
      %dma_start3A_83 = tpu.memref_slice %arg7[%run_scoped3A_51, %dma_start3A] : memref<16x640xf32, #tpu.memory_space<vmem>> -> memref<1x640xf32, #tpu.memory_space<vmem>>
      %dma_start3A_84 = tpu.memref_squeeze %dma_start3A_83 : memref<1x640xf32, #tpu.memory_space<vmem>> -> memref<640xf32, #tpu.memory_space<vmem>>
      %dma_start3A_85 = tpu.memref_slice %arg8[%run_scoped3A_50, %mul3A_49] : memref<16x10240xf32, #tpu.memory_space<vmem_shared>> -> memref<1x640xf32, #tpu.memory_space<vmem_shared>>
      %dma_start3A_86 = tpu.memref_squeeze %dma_start3A_85 : memref<1x640xf32, #tpu.memory_space<vmem_shared>> -> memref<640xf32, #tpu.memory_space<vmem_shared>>
      %dma_start3A_87 = arith.constant 0 : i32
      %dma_start3A_88 = tpu.memref_slice %arg7[%run_scoped3A_51, %dma_start3A_87] : memref<16x640xf32, #tpu.memory_space<vmem>> -> memref<1x640xf32, #tpu.memory_space<vmem>>
      %dma_start3A_89 = tpu.memref_squeeze %dma_start3A_88 : memref<1x640xf32, #tpu.memory_space<vmem>> -> memref<640xf32, #tpu.memory_space<vmem>>
      %dma_start3A_90 = tpu.memref_slice %arg8[%run_scoped3A_50, %mul3A_49] : memref<16x10240xf32, #tpu.memory_space<vmem_shared>> -> memref<1x640xf32, #tpu.memory_space<vmem_shared>>
      %dma_start3A_91 = tpu.memref_squeeze %dma_start3A_90 : memref<1x640xf32, #tpu.memory_space<vmem_shared>> -> memref<640xf32, #tpu.memory_space<vmem_shared>>
      tpu.enqueue_dma source(%dma_start3A_91 : memref<640xf32, #tpu.memory_space<vmem_shared>>) target(%dma_start3A_89 : memref<640xf32, #tpu.memory_space<vmem>>) target_semaphore(%run_scoped3A_82 : memref<!tpu.dma_semaphore, #tpu.memory_space<semaphore_mem>>)
      %dma_wait3A = arith.constant 0 : i32
      %dma_wait3A_92 = tpu.memref_slice %arg7[%run_scoped3A_51, %dma_wait3A] : memref<16x640xf32, #tpu.memory_space<vmem>> -> memref<1x640xf32, #tpu.memory_space<vmem>>
      %dma_wait3A_93 = tpu.memref_squeeze %dma_wait3A_92 : memref<1x640xf32, #tpu.memory_space<vmem>> -> memref<640xf32, #tpu.memory_space<vmem>>
      %dma_wait3A_94 = tpu.memref_slice %arg8[%run_scoped3A_50, %mul3A_49] : memref<16x10240xf32, #tpu.memory_space<vmem_shared>> -> memref<1x640xf32, #tpu.memory_space<vmem_shared>>
      %dma_wait3A_95 = tpu.memref_squeeze %dma_wait3A_94 : memref<1x640xf32, #tpu.memory_space<vmem_shared>> -> memref<640xf32, #tpu.memory_space<vmem_shared>>
      %dma_wait3A_96 = arith.constant 0 : i32
      %dma_wait3A_97 = tpu.memref_slice %arg7[%run_scoped3A_51, %dma_wait3A_96] : memref<16x640xf32, #tpu.memory_space<vmem>> -> memref<1x640xf32, #tpu.memory_space<vmem>>
      %dma_wait3A_98 = tpu.memref_squeeze %dma_wait3A_97 : memref<1x640xf32, #tpu.memory_space<vmem>> -> memref<640xf32, #tpu.memory_space<vmem>>
      %dma_wait3A_99 = tpu.memref_slice %arg8[%run_scoped3A_50, %mul3A_49] : memref<16x10240xf32, #tpu.memory_space<vmem_shared>> -> memref<1x640xf32, #tpu.memory_space<vmem_shared>>
      %dma_wait3A_100 = tpu.memref_squeeze %dma_wait3A_99 : memref<1x640xf32, #tpu.memory_space<vmem_shared>> -> memref<640xf32, #tpu.memory_space<vmem_shared>>
      tpu.wait_dma2 semaphore(%run_scoped3A_82 : memref<!tpu.dma_semaphore, #tpu.memory_space<semaphore_mem>>) src(%dma_wait3A_100 : memref<640xf32, #tpu.memory_space<vmem_shared>>) dst(%dma_wait3A_98 : memref<640xf32, #tpu.memory_space<vmem>>)
      tpu.yield
    }) : () -> ()
    %mul3A_52 = arith.constant 640 : i32
    %mul3A_53 = arith.muli %arg1, %mul3A_52 : i32
    %run_scoped3A_54 = arith.constant 11 : i32
    %run_scoped3A_55 = arith.constant 11 : i32
    "tpu.region"() ({
      %run_scoped3A_82 = tpu.sem_alloc : memref<!tpu.dma_semaphore, #tpu.memory_space<semaphore_mem>>
      %dma_start3A = arith.constant 0 : i32
      %dma_start3A_83 = tpu.memref_slice %arg7[%run_scoped3A_55, %dma_start3A] : memref<16x640xf32, #tpu.memory_space<vmem>> -> memref<1x640xf32, #tpu.memory_space<vmem>>
      %dma_start3A_84 = tpu.memref_squeeze %dma_start3A_83 : memref<1x640xf32, #tpu.memory_space<vmem>> -> memref<640xf32, #tpu.memory_space<vmem>>
      %dma_start3A_85 = tpu.memref_slice %arg8[%run_scoped3A_54, %mul3A_53] : memref<16x10240xf32, #tpu.memory_space<vmem_shared>> -> memref<1x640xf32, #tpu.memory_space<vmem_shared>>
      %dma_start3A_86 = tpu.memref_squeeze %dma_start3A_85 : memref<1x640xf32, #tpu.memory_space<vmem_shared>> -> memref<640xf32, #tpu.memory_space<vmem_shared>>
      %dma_start3A_87 = arith.constant 0 : i32
      %dma_start3A_88 = tpu.memref_slice %arg7[%run_scoped3A_55, %dma_start3A_87] : memref<16x640xf32, #tpu.memory_space<vmem>> -> memref<1x640xf32, #tpu.memory_space<vmem>>
      %dma_start3A_89 = tpu.memref_squeeze %dma_start3A_88 : memref<1x640xf32, #tpu.memory_space<vmem>> -> memref<640xf32, #tpu.memory_space<vmem>>
      %dma_start3A_90 = tpu.memref_slice %arg8[%run_scoped3A_54, %mul3A_53] : memref<16x10240xf32, #tpu.memory_space<vmem_shared>> -> memref<1x640xf32, #tpu.memory_space<vmem_shared>>
      %dma_start3A_91 = tpu.memref_squeeze %dma_start3A_90 : memref<1x640xf32, #tpu.memory_space<vmem_shared>> -> memref<640xf32, #tpu.memory_space<vmem_shared>>
      tpu.enqueue_dma source(%dma_start3A_91 : memref<640xf32, #tpu.memory_space<vmem_shared>>) target(%dma_start3A_89 : memref<640xf32, #tpu.memory_space<vmem>>) target_semaphore(%run_scoped3A_82 : memref<!tpu.dma_semaphore, #tpu.memory_space<semaphore_mem>>)
      %dma_wait3A = arith.constant 0 : i32
      %dma_wait3A_92 = tpu.memref_slice %arg7[%run_scoped3A_55, %dma_wait3A] : memref<16x640xf32, #tpu.memory_space<vmem>> -> memref<1x640xf32, #tpu.memory_space<vmem>>
      %dma_wait3A_93 = tpu.memref_squeeze %dma_wait3A_92 : memref<1x640xf32, #tpu.memory_space<vmem>> -> memref<640xf32, #tpu.memory_space<vmem>>
      %dma_wait3A_94 = tpu.memref_slice %arg8[%run_scoped3A_54, %mul3A_53] : memref<16x10240xf32, #tpu.memory_space<vmem_shared>> -> memref<1x640xf32, #tpu.memory_space<vmem_shared>>
      %dma_wait3A_95 = tpu.memref_squeeze %dma_wait3A_94 : memref<1x640xf32, #tpu.memory_space<vmem_shared>> -> memref<640xf32, #tpu.memory_space<vmem_shared>>
      %dma_wait3A_96 = arith.constant 0 : i32
      %dma_wait3A_97 = tpu.memref_slice %arg7[%run_scoped3A_55, %dma_wait3A_96] : memref<16x640xf32, #tpu.memory_space<vmem>> -> memref<1x640xf32, #tpu.memory_space<vmem>>
      %dma_wait3A_98 = tpu.memref_squeeze %dma_wait3A_97 : memref<1x640xf32, #tpu.memory_space<vmem>> -> memref<640xf32, #tpu.memory_space<vmem>>
      %dma_wait3A_99 = tpu.memref_slice %arg8[%run_scoped3A_54, %mul3A_53] : memref<16x10240xf32, #tpu.memory_space<vmem_shared>> -> memref<1x640xf32, #tpu.memory_space<vmem_shared>>
      %dma_wait3A_100 = tpu.memref_squeeze %dma_wait3A_99 : memref<1x640xf32, #tpu.memory_space<vmem_shared>> -> memref<640xf32, #tpu.memory_space<vmem_shared>>
      tpu.wait_dma2 semaphore(%run_scoped3A_82 : memref<!tpu.dma_semaphore, #tpu.memory_space<semaphore_mem>>) src(%dma_wait3A_100 : memref<640xf32, #tpu.memory_space<vmem_shared>>) dst(%dma_wait3A_98 : memref<640xf32, #tpu.memory_space<vmem>>)
      tpu.yield
    }) : () -> ()
    %mul3A_56 = arith.constant 640 : i32
    %mul3A_57 = arith.muli %arg1, %mul3A_56 : i32
    %run_scoped3A_58 = arith.constant 12 : i32
    %run_scoped3A_59 = arith.constant 12 : i32
    "tpu.region"() ({
      %run_scoped3A_82 = tpu.sem_alloc : memref<!tpu.dma_semaphore, #tpu.memory_space<semaphore_mem>>
      %dma_start3A = arith.constant 0 : i32
      %dma_start3A_83 = tpu.memref_slice %arg7[%run_scoped3A_59, %dma_start3A] : memref<16x640xf32, #tpu.memory_space<vmem>> -> memref<1x640xf32, #tpu.memory_space<vmem>>
      %dma_start3A_84 = tpu.memref_squeeze %dma_start3A_83 : memref<1x640xf32, #tpu.memory_space<vmem>> -> memref<640xf32, #tpu.memory_space<vmem>>
      %dma_start3A_85 = tpu.memref_slice %arg8[%run_scoped3A_58, %mul3A_57] : memref<16x10240xf32, #tpu.memory_space<vmem_shared>> -> memref<1x640xf32, #tpu.memory_space<vmem_shared>>
      %dma_start3A_86 = tpu.memref_squeeze %dma_start3A_85 : memref<1x640xf32, #tpu.memory_space<vmem_shared>> -> memref<640xf32, #tpu.memory_space<vmem_shared>>
      %dma_start3A_87 = arith.constant 0 : i32
      %dma_start3A_88 = tpu.memref_slice %arg7[%run_scoped3A_59, %dma_start3A_87] : memref<16x640xf32, #tpu.memory_space<vmem>> -> memref<1x640xf32, #tpu.memory_space<vmem>>
      %dma_start3A_89 = tpu.memref_squeeze %dma_start3A_88 : memref<1x640xf32, #tpu.memory_space<vmem>> -> memref<640xf32, #tpu.memory_space<vmem>>
      %dma_start3A_90 = tpu.memref_slice %arg8[%run_scoped3A_58, %mul3A_57] : memref<16x10240xf32, #tpu.memory_space<vmem_shared>> -> memref<1x640xf32, #tpu.memory_space<vmem_shared>>
      %dma_start3A_91 = tpu.memref_squeeze %dma_start3A_90 : memref<1x640xf32, #tpu.memory_space<vmem_shared>> -> memref<640xf32, #tpu.memory_space<vmem_shared>>
      tpu.enqueue_dma source(%dma_start3A_91 : memref<640xf32, #tpu.memory_space<vmem_shared>>) target(%dma_start3A_89 : memref<640xf32, #tpu.memory_space<vmem>>) target_semaphore(%run_scoped3A_82 : memref<!tpu.dma_semaphore, #tpu.memory_space<semaphore_mem>>)
      %dma_wait3A = arith.constant 0 : i32
      %dma_wait3A_92 = tpu.memref_slice %arg7[%run_scoped3A_59, %dma_wait3A] : memref<16x640xf32, #tpu.memory_space<vmem>> -> memref<1x640xf32, #tpu.memory_space<vmem>>
      %dma_wait3A_93 = tpu.memref_squeeze %dma_wait3A_92 : memref<1x640xf32, #tpu.memory_space<vmem>> -> memref<640xf32, #tpu.memory_space<vmem>>
      %dma_wait3A_94 = tpu.memref_slice %arg8[%run_scoped3A_58, %mul3A_57] : memref<16x10240xf32, #tpu.memory_space<vmem_shared>> -> memref<1x640xf32, #tpu.memory_space<vmem_shared>>
      %dma_wait3A_95 = tpu.memref_squeeze %dma_wait3A_94 : memref<1x640xf32, #tpu.memory_space<vmem_shared>> -> memref<640xf32, #tpu.memory_space<vmem_shared>>
      %dma_wait3A_96 = arith.constant 0 : i32
      %dma_wait3A_97 = tpu.memref_slice %arg7[%run_scoped3A_59, %dma_wait3A_96] : memref<16x640xf32, #tpu.memory_space<vmem>> -> memref<1x640xf32, #tpu.memory_space<vmem>>
      %dma_wait3A_98 = tpu.memref_squeeze %dma_wait3A_97 : memref<1x640xf32, #tpu.memory_space<vmem>> -> memref<640xf32, #tpu.memory_space<vmem>>
      %dma_wait3A_99 = tpu.memref_slice %arg8[%run_scoped3A_58, %mul3A_57] : memref<16x10240xf32, #tpu.memory_space<vmem_shared>> -> memref<1x640xf32, #tpu.memory_space<vmem_shared>>
      %dma_wait3A_100 = tpu.memref_squeeze %dma_wait3A_99 : memref<1x640xf32, #tpu.memory_space<vmem_shared>> -> memref<640xf32, #tpu.memory_space<vmem_shared>>
      tpu.wait_dma2 semaphore(%run_scoped3A_82 : memref<!tpu.dma_semaphore, #tpu.memory_space<semaphore_mem>>) src(%dma_wait3A_100 : memref<640xf32, #tpu.memory_space<vmem_shared>>) dst(%dma_wait3A_98 : memref<640xf32, #tpu.memory_space<vmem>>)
      tpu.yield
    }) : () -> ()
    %mul3A_60 = arith.constant 640 : i32
    %mul3A_61 = arith.muli %arg1, %mul3A_60 : i32
    %run_scoped3A_62 = arith.constant 13 : i32
    %run_scoped3A_63 = arith.constant 13 : i32
    "tpu.region"() ({
      %run_scoped3A_82 = tpu.sem_alloc : memref<!tpu.dma_semaphore, #tpu.memory_space<semaphore_mem>>
      %dma_start3A = arith.constant 0 : i32
      %dma_start3A_83 = tpu.memref_slice %arg7[%run_scoped3A_63, %dma_start3A] : memref<16x640xf32, #tpu.memory_space<vmem>> -> memref<1x640xf32, #tpu.memory_space<vmem>>
      %dma_start3A_84 = tpu.memref_squeeze %dma_start3A_83 : memref<1x640xf32, #tpu.memory_space<vmem>> -> memref<640xf32, #tpu.memory_space<vmem>>
      %dma_start3A_85 = tpu.memref_slice %arg8[%run_scoped3A_62, %mul3A_61] : memref<16x10240xf32, #tpu.memory_space<vmem_shared>> -> memref<1x640xf32, #tpu.memory_space<vmem_shared>>
      %dma_start3A_86 = tpu.memref_squeeze %dma_start3A_85 : memref<1x640xf32, #tpu.memory_space<vmem_shared>> -> memref<640xf32, #tpu.memory_space<vmem_shared>>
      %dma_start3A_87 = arith.constant 0 : i32
      %dma_start3A_88 = tpu.memref_slice %arg7[%run_scoped3A_63, %dma_start3A_87] : memref<16x640xf32, #tpu.memory_space<vmem>> -> memref<1x640xf32, #tpu.memory_space<vmem>>
      %dma_start3A_89 = tpu.memref_squeeze %dma_start3A_88 : memref<1x640xf32, #tpu.memory_space<vmem>> -> memref<640xf32, #tpu.memory_space<vmem>>
      %dma_start3A_90 = tpu.memref_slice %arg8[%run_scoped3A_62, %mul3A_61] : memref<16x10240xf32, #tpu.memory_space<vmem_shared>> -> memref<1x640xf32, #tpu.memory_space<vmem_shared>>
      %dma_start3A_91 = tpu.memref_squeeze %dma_start3A_90 : memref<1x640xf32, #tpu.memory_space<vmem_shared>> -> memref<640xf32, #tpu.memory_space<vmem_shared>>
      tpu.enqueue_dma source(%dma_start3A_91 : memref<640xf32, #tpu.memory_space<vmem_shared>>) target(%dma_start3A_89 : memref<640xf32, #tpu.memory_space<vmem>>) target_semaphore(%run_scoped3A_82 : memref<!tpu.dma_semaphore, #tpu.memory_space<semaphore_mem>>)
      %dma_wait3A = arith.constant 0 : i32
      %dma_wait3A_92 = tpu.memref_slice %arg7[%run_scoped3A_63, %dma_wait3A] : memref<16x640xf32, #tpu.memory_space<vmem>> -> memref<1x640xf32, #tpu.memory_space<vmem>>
      %dma_wait3A_93 = tpu.memref_squeeze %dma_wait3A_92 : memref<1x640xf32, #tpu.memory_space<vmem>> -> memref<640xf32, #tpu.memory_space<vmem>>
      %dma_wait3A_94 = tpu.memref_slice %arg8[%run_scoped3A_62, %mul3A_61] : memref<16x10240xf32, #tpu.memory_space<vmem_shared>> -> memref<1x640xf32, #tpu.memory_space<vmem_shared>>
      %dma_wait3A_95 = tpu.memref_squeeze %dma_wait3A_94 : memref<1x640xf32, #tpu.memory_space<vmem_shared>> -> memref<640xf32, #tpu.memory_space<vmem_shared>>
      %dma_wait3A_96 = arith.constant 0 : i32
      %dma_wait3A_97 = tpu.memref_slice %arg7[%run_scoped3A_63, %dma_wait3A_96] : memref<16x640xf32, #tpu.memory_space<vmem>> -> memref<1x640xf32, #tpu.memory_space<vmem>>
      %dma_wait3A_98 = tpu.memref_squeeze %dma_wait3A_97 : memref<1x640xf32, #tpu.memory_space<vmem>> -> memref<640xf32, #tpu.memory_space<vmem>>
      %dma_wait3A_99 = tpu.memref_slice %arg8[%run_scoped3A_62, %mul3A_61] : memref<16x10240xf32, #tpu.memory_space<vmem_shared>> -> memref<1x640xf32, #tpu.memory_space<vmem_shared>>
      %dma_wait3A_100 = tpu.memref_squeeze %dma_wait3A_99 : memref<1x640xf32, #tpu.memory_space<vmem_shared>> -> memref<640xf32, #tpu.memory_space<vmem_shared>>
      tpu.wait_dma2 semaphore(%run_scoped3A_82 : memref<!tpu.dma_semaphore, #tpu.memory_space<semaphore_mem>>) src(%dma_wait3A_100 : memref<640xf32, #tpu.memory_space<vmem_shared>>) dst(%dma_wait3A_98 : memref<640xf32, #tpu.memory_space<vmem>>)
      tpu.yield
    }) : () -> ()
    %mul3A_64 = arith.constant 640 : i32
    %mul3A_65 = arith.muli %arg1, %mul3A_64 : i32
    %run_scoped3A_66 = arith.constant 14 : i32
    %run_scoped3A_67 = arith.constant 14 : i32
    "tpu.region"() ({
      %run_scoped3A_82 = tpu.sem_alloc : memref<!tpu.dma_semaphore, #tpu.memory_space<semaphore_mem>>
      %dma_start3A = arith.constant 0 : i32
      %dma_start3A_83 = tpu.memref_slice %arg7[%run_scoped3A_67, %dma_start3A] : memref<16x640xf32, #tpu.memory_space<vmem>> -> memref<1x640xf32, #tpu.memory_space<vmem>>
      %dma_start3A_84 = tpu.memref_squeeze %dma_start3A_83 : memref<1x640xf32, #tpu.memory_space<vmem>> -> memref<640xf32, #tpu.memory_space<vmem>>
      %dma_start3A_85 = tpu.memref_slice %arg8[%run_scoped3A_66, %mul3A_65] : memref<16x10240xf32, #tpu.memory_space<vmem_shared>> -> memref<1x640xf32, #tpu.memory_space<vmem_shared>>
      %dma_start3A_86 = tpu.memref_squeeze %dma_start3A_85 : memref<1x640xf32, #tpu.memory_space<vmem_shared>> -> memref<640xf32, #tpu.memory_space<vmem_shared>>
      %dma_start3A_87 = arith.constant 0 : i32
      %dma_start3A_88 = tpu.memref_slice %arg7[%run_scoped3A_67, %dma_start3A_87] : memref<16x640xf32, #tpu.memory_space<vmem>> -> memref<1x640xf32, #tpu.memory_space<vmem>>
      %dma_start3A_89 = tpu.memref_squeeze %dma_start3A_88 : memref<1x640xf32, #tpu.memory_space<vmem>> -> memref<640xf32, #tpu.memory_space<vmem>>
      %dma_start3A_90 = tpu.memref_slice %arg8[%run_scoped3A_66, %mul3A_65] : memref<16x10240xf32, #tpu.memory_space<vmem_shared>> -> memref<1x640xf32, #tpu.memory_space<vmem_shared>>
      %dma_start3A_91 = tpu.memref_squeeze %dma_start3A_90 : memref<1x640xf32, #tpu.memory_space<vmem_shared>> -> memref<640xf32, #tpu.memory_space<vmem_shared>>
      tpu.enqueue_dma source(%dma_start3A_91 : memref<640xf32, #tpu.memory_space<vmem_shared>>) target(%dma_start3A_89 : memref<640xf32, #tpu.memory_space<vmem>>) target_semaphore(%run_scoped3A_82 : memref<!tpu.dma_semaphore, #tpu.memory_space<semaphore_mem>>)
      %dma_wait3A = arith.constant 0 : i32
      %dma_wait3A_92 = tpu.memref_slice %arg7[%run_scoped3A_67, %dma_wait3A] : memref<16x640xf32, #tpu.memory_space<vmem>> -> memref<1x640xf32, #tpu.memory_space<vmem>>
      %dma_wait3A_93 = tpu.memref_squeeze %dma_wait3A_92 : memref<1x640xf32, #tpu.memory_space<vmem>> -> memref<640xf32, #tpu.memory_space<vmem>>
      %dma_wait3A_94 = tpu.memref_slice %arg8[%run_scoped3A_66, %mul3A_65] : memref<16x10240xf32, #tpu.memory_space<vmem_shared>> -> memref<1x640xf32, #tpu.memory_space<vmem_shared>>
      %dma_wait3A_95 = tpu.memref_squeeze %dma_wait3A_94 : memref<1x640xf32, #tpu.memory_space<vmem_shared>> -> memref<640xf32, #tpu.memory_space<vmem_shared>>
      %dma_wait3A_96 = arith.constant 0 : i32
      %dma_wait3A_97 = tpu.memref_slice %arg7[%run_scoped3A_67, %dma_wait3A_96] : memref<16x640xf32, #tpu.memory_space<vmem>> -> memref<1x640xf32, #tpu.memory_space<vmem>>
      %dma_wait3A_98 = tpu.memref_squeeze %dma_wait3A_97 : memref<1x640xf32, #tpu.memory_space<vmem>> -> memref<640xf32, #tpu.memory_space<vmem>>
      %dma_wait3A_99 = tpu.memref_slice %arg8[%run_scoped3A_66, %mul3A_65] : memref<16x10240xf32, #tpu.memory_space<vmem_shared>> -> memref<1x640xf32, #tpu.memory_space<vmem_shared>>
      %dma_wait3A_100 = tpu.memref_squeeze %dma_wait3A_99 : memref<1x640xf32, #tpu.memory_space<vmem_shared>> -> memref<640xf32, #tpu.memory_space<vmem_shared>>
      tpu.wait_dma2 semaphore(%run_scoped3A_82 : memref<!tpu.dma_semaphore, #tpu.memory_space<semaphore_mem>>) src(%dma_wait3A_100 : memref<640xf32, #tpu.memory_space<vmem_shared>>) dst(%dma_wait3A_98 : memref<640xf32, #tpu.memory_space<vmem>>)
      tpu.yield
    }) : () -> ()
    %mul3A_68 = arith.constant 640 : i32
    %mul3A_69 = arith.muli %arg1, %mul3A_68 : i32
    %run_scoped3A_70 = arith.constant 15 : i32
    %run_scoped3A_71 = arith.constant 15 : i32
    "tpu.region"() ({
      %run_scoped3A_82 = tpu.sem_alloc : memref<!tpu.dma_semaphore, #tpu.memory_space<semaphore_mem>>
      %dma_start3A = arith.constant 0 : i32
      %dma_start3A_83 = tpu.memref_slice %arg7[%run_scoped3A_71, %dma_start3A] : memref<16x640xf32, #tpu.memory_space<vmem>> -> memref<1x640xf32, #tpu.memory_space<vmem>>
      %dma_start3A_84 = tpu.memref_squeeze %dma_start3A_83 : memref<1x640xf32, #tpu.memory_space<vmem>> -> memref<640xf32, #tpu.memory_space<vmem>>
      %dma_start3A_85 = tpu.memref_slice %arg8[%run_scoped3A_70, %mul3A_69] : memref<16x10240xf32, #tpu.memory_space<vmem_shared>> -> memref<1x640xf32, #tpu.memory_space<vmem_shared>>
      %dma_start3A_86 = tpu.memref_squeeze %dma_start3A_85 : memref<1x640xf32, #tpu.memory_space<vmem_shared>> -> memref<640xf32, #tpu.memory_space<vmem_shared>>
      %dma_start3A_87 = arith.constant 0 : i32
      %dma_start3A_88 = tpu.memref_slice %arg7[%run_scoped3A_71, %dma_start3A_87] : memref<16x640xf32, #tpu.memory_space<vmem>> -> memref<1x640xf32, #tpu.memory_space<vmem>>
      %dma_start3A_89 = tpu.memref_squeeze %dma_start3A_88 : memref<1x640xf32, #tpu.memory_space<vmem>> -> memref<640xf32, #tpu.memory_space<vmem>>
      %dma_start3A_90 = tpu.memref_slice %arg8[%run_scoped3A_70, %mul3A_69] : memref<16x10240xf32, #tpu.memory_space<vmem_shared>> -> memref<1x640xf32, #tpu.memory_space<vmem_shared>>
      %dma_start3A_91 = tpu.memref_squeeze %dma_start3A_90 : memref<1x640xf32, #tpu.memory_space<vmem_shared>> -> memref<640xf32, #tpu.memory_space<vmem_shared>>
      tpu.enqueue_dma source(%dma_start3A_91 : memref<640xf32, #tpu.memory_space<vmem_shared>>) target(%dma_start3A_89 : memref<640xf32, #tpu.memory_space<vmem>>) target_semaphore(%run_scoped3A_82 : memref<!tpu.dma_semaphore, #tpu.memory_space<semaphore_mem>>)
      %dma_wait3A = arith.constant 0 : i32
      %dma_wait3A_92 = tpu.memref_slice %arg7[%run_scoped3A_71, %dma_wait3A] : memref<16x640xf32, #tpu.memory_space<vmem>> -> memref<1x640xf32, #tpu.memory_space<vmem>>
      %dma_wait3A_93 = tpu.memref_squeeze %dma_wait3A_92 : memref<1x640xf32, #tpu.memory_space<vmem>> -> memref<640xf32, #tpu.memory_space<vmem>>
      %dma_wait3A_94 = tpu.memref_slice %arg8[%run_scoped3A_70, %mul3A_69] : memref<16x10240xf32, #tpu.memory_space<vmem_shared>> -> memref<1x640xf32, #tpu.memory_space<vmem_shared>>
      %dma_wait3A_95 = tpu.memref_squeeze %dma_wait3A_94 : memref<1x640xf32, #tpu.memory_space<vmem_shared>> -> memref<640xf32, #tpu.memory_space<vmem_shared>>
      %dma_wait3A_96 = arith.constant 0 : i32
      %dma_wait3A_97 = tpu.memref_slice %arg7[%run_scoped3A_71, %dma_wait3A_96] : memref<16x640xf32, #tpu.memory_space<vmem>> -> memref<1x640xf32, #tpu.memory_space<vmem>>
      %dma_wait3A_98 = tpu.memref_squeeze %dma_wait3A_97 : memref<1x640xf32, #tpu.memory_space<vmem>> -> memref<640xf32, #tpu.memory_space<vmem>>
      %dma_wait3A_99 = tpu.memref_slice %arg8[%run_scoped3A_70, %mul3A_69] : memref<16x10240xf32, #tpu.memory_space<vmem_shared>> -> memref<1x640xf32, #tpu.memory_space<vmem_shared>>
      %dma_wait3A_100 = tpu.memref_squeeze %dma_wait3A_99 : memref<1x640xf32, #tpu.memory_space<vmem_shared>> -> memref<640xf32, #tpu.memory_space<vmem_shared>>
      tpu.wait_dma2 semaphore(%run_scoped3A_82 : memref<!tpu.dma_semaphore, #tpu.memory_space<semaphore_mem>>) src(%dma_wait3A_100 : memref<640xf32, #tpu.memory_space<vmem_shared>>) dst(%dma_wait3A_98 : memref<640xf32, #tpu.memory_space<vmem>>)
      tpu.yield
    }) : () -> ()
    %scan3A_72 = arith.constant 0 : i32
    %scan3A_73 = arith.constant 0 : i32
    %scan3A_74 = arith.constant 40 : i32
    %scan3A_75 = arith.addi %scan3A_73, %scan3A_74 : i32
    %scan3A_76 = arith.constant 1 : i32
    scf.for %scan3A_82 = %scan3A_73 to %scan3A_75 step %scan3A_76  : i32 {
      %mul3A_83 = arith.constant 16 : i32
      %mul3A_84 = arith.muli %scan3A_82, %mul3A_83 : i32
      %get3A = arith.constant 0 : i32
      %get3A_85 = arith.index_cast %get3A : i32 to index
      %get3A_86 = arith.index_cast %mul3A_84 : i32 to index
      %get3A_87 = tpu.vector_load %arg7[%get3A_85, %get3A_86] {strides = array<i32>} : memref<16x640xf32, #tpu.memory_space<vmem>>, vector<16xf32>,
      %mul3A_88 = arith.constant 16 : i32
      %mul3A_89 = arith.muli %scan3A_82, %mul3A_88 : i32
      %get3A_90 = arith.constant 1 : i32
      %get3A_91 = arith.index_cast %get3A_90 : i32 to index
      %get3A_92 = arith.index_cast %mul3A_89 : i32 to index
      %get3A_93 = tpu.vector_load %arg7[%get3A_91, %get3A_92] {strides = array<i32>} : memref<16x640xf32, #tpu.memory_space<vmem>>, vector<16xf32>,
      %add3A_94 = arith.addf %get3A_87, %get3A_93 : vector<16xf32>
      %mul3A_95 = arith.constant 16 : i32
      %mul3A_96 = arith.muli %scan3A_82, %mul3A_95 : i32
      %get3A_97 = arith.constant 2 : i32
      %get3A_98 = arith.index_cast %get3A_97 : i32 to index
      %get3A_99 = arith.index_cast %mul3A_96 : i32 to index
      %get3A_100 = tpu.vector_load %arg7[%get3A_98, %get3A_99] {strides = array<i32>} : memref<16x640xf32, #tpu.memory_space<vmem>>, vector<16xf32>,
      %add3A_101 = arith.addf %add3A_94, %get3A_100 : vector<16xf32>
      %mul3A_102 = arith.constant 16 : i32
      %mul3A_103 = arith.muli %scan3A_82, %mul3A_102 : i32
      %get3A_104 = arith.constant 3 : i32
      %get3A_105 = arith.index_cast %get3A_104 : i32 to index
      %get3A_106 = arith.index_cast %mul3A_103 : i32 to index
      %get3A_107 = tpu.vector_load %arg7[%get3A_105, %get3A_106] {strides = array<i32>} : memref<16x640xf32, #tpu.memory_space<vmem>>, vector<16xf32>,
      %add3A_108 = arith.addf %add3A_101, %get3A_107 : vector<16xf32>
      %mul3A_109 = arith.constant 16 : i32
      %mul3A_110 = arith.muli %scan3A_82, %mul3A_109 : i32
      %get3A_111 = arith.constant 4 : i32
      %get3A_112 = arith.index_cast %get3A_111 : i32 to index
      %get3A_113 = arith.index_cast %mul3A_110 : i32 to index
      %get3A_114 = tpu.vector_load %arg7[%get3A_112, %get3A_113] {strides = array<i32>} : memref<16x640xf32, #tpu.memory_space<vmem>>, vector<16xf32>,
      %add3A_115 = arith.addf %add3A_108, %get3A_114 : vector<16xf32>
      %mul3A_116 = arith.constant 16 : i32
      %mul3A_117 = arith.muli %scan3A_82, %mul3A_116 : i32
      %get3A_118 = arith.constant 5 : i32
      %get3A_119 = arith.index_cast %get3A_118 : i32 to index
      %get3A_120 = arith.index_cast %mul3A_117 : i32 to index
      %get3A_121 = tpu.vector_load %arg7[%get3A_119, %get3A_120] {strides = array<i32>} : memref<16x640xf32, #tpu.memory_space<vmem>>, vector<16xf32>,
      %add3A_122 = arith.addf %add3A_115, %get3A_121 : vector<16xf32>
      %mul3A_123 = arith.constant 16 : i32
      %mul3A_124 = arith.muli %scan3A_82, %mul3A_123 : i32
      %get3A_125 = arith.constant 6 : i32
      %get3A_126 = arith.index_cast %get3A_125 : i32 to index
      %get3A_127 = arith.index_cast %mul3A_124 : i32 to index
      %get3A_128 = tpu.vector_load %arg7[%get3A_126, %get3A_127] {strides = array<i32>} : memref<16x640xf32, #tpu.memory_space<vmem>>, vector<16xf32>,
      %add3A_129 = arith.addf %add3A_122, %get3A_128 : vector<16xf32>
      %mul3A_130 = arith.constant 16 : i32
      %mul3A_131 = arith.muli %scan3A_82, %mul3A_130 : i32
      %get3A_132 = arith.constant 7 : i32
      %get3A_133 = arith.index_cast %get3A_132 : i32 to index
      %get3A_134 = arith.index_cast %mul3A_131 : i32 to index
      %get3A_135 = tpu.vector_load %arg7[%get3A_133, %get3A_134] {strides = array<i32>} : memref<16x640xf32, #tpu.memory_space<vmem>>, vector<16xf32>,
      %add3A_136 = arith.addf %add3A_129, %get3A_135 : vector<16xf32>
      %mul3A_137 = arith.constant 16 : i32
      %mul3A_138 = arith.muli %scan3A_82, %mul3A_137 : i32
      %get3A_139 = arith.constant 8 : i32
      %get3A_140 = arith.index_cast %get3A_139 : i32 to index
      %get3A_141 = arith.index_cast %mul3A_138 : i32 to index
      %get3A_142 = tpu.vector_load %arg7[%get3A_140, %get3A_141] {strides = array<i32>} : memref<16x640xf32, #tpu.memory_space<vmem>>, vector<16xf32>,
      %add3A_143 = arith.addf %add3A_136, %get3A_142 : vector<16xf32>
      %mul3A_144 = arith.constant 16 : i32
      %mul3A_145 = arith.muli %scan3A_82, %mul3A_144 : i32
      %get3A_146 = arith.constant 9 : i32
      %get3A_147 = arith.index_cast %get3A_146 : i32 to index
      %get3A_148 = arith.index_cast %mul3A_145 : i32 to index
      %get3A_149 = tpu.vector_load %arg7[%get3A_147, %get3A_148] {strides = array<i32>} : memref<16x640xf32, #tpu.memory_space<vmem>>, vector<16xf32>,
      %add3A_150 = arith.addf %add3A_143, %get3A_149 : vector<16xf32>
      %mul3A_151 = arith.constant 16 : i32
      %mul3A_152 = arith.muli %scan3A_82, %mul3A_151 : i32
      %get3A_153 = arith.constant 10 : i32
      %get3A_154 = arith.index_cast %get3A_153 : i32 to index
      %get3A_155 = arith.index_cast %mul3A_152 : i32 to index
      %get3A_156 = tpu.vector_load %arg7[%get3A_154, %get3A_155] {strides = array<i32>} : memref<16x640xf32, #tpu.memory_space<vmem>>, vector<16xf32>,
      %add3A_157 = arith.addf %add3A_150, %get3A_156 : vector<16xf32>
      %mul3A_158 = arith.constant 16 : i32
      %mul3A_159 = arith.muli %scan3A_82, %mul3A_158 : i32
      %get3A_160 = arith.constant 11 : i32
      %get3A_161 = arith.index_cast %get3A_160 : i32 to index
      %get3A_162 = arith.index_cast %mul3A_159 : i32 to index
      %get3A_163 = tpu.vector_load %arg7[%get3A_161, %get3A_162] {strides = array<i32>} : memref<16x640xf32, #tpu.memory_space<vmem>>, vector<16xf32>,
      %add3A_164 = arith.addf %add3A_157, %get3A_163 : vector<16xf32>
      %mul3A_165 = arith.constant 16 : i32
      %mul3A_166 = arith.muli %scan3A_82, %mul3A_165 : i32
      %get3A_167 = arith.constant 12 : i32
      %get3A_168 = arith.index_cast %get3A_167 : i32 to index
      %get3A_169 = arith.index_cast %mul3A_166 : i32 to index
      %get3A_170 = tpu.vector_load %arg7[%get3A_168, %get3A_169] {strides = array<i32>} : memref<16x640xf32, #tpu.memory_space<vmem>>, vector<16xf32>,
      %add3A_171 = arith.addf %add3A_164, %get3A_170 : vector<16xf32>
      %mul3A_172 = arith.constant 16 : i32
      %mul3A_173 = arith.muli %scan3A_82, %mul3A_172 : i32
      %get3A_174 = arith.constant 13 : i32
      %get3A_175 = arith.index_cast %get3A_174 : i32 to index
      %get3A_176 = arith.index_cast %mul3A_173 : i32 to index
      %get3A_177 = tpu.vector_load %arg7[%get3A_175, %get3A_176] {strides = array<i32>} : memref<16x640xf32, #tpu.memory_space<vmem>>, vector<16xf32>,
      %add3A_178 = arith.addf %add3A_171, %get3A_177 : vector<16xf32>
      %mul3A_179 = arith.constant 16 : i32
      %mul3A_180 = arith.muli %scan3A_82, %mul3A_179 : i32
      %get3A_181 = arith.constant 14 : i32
      %get3A_182 = arith.index_cast %get3A_181 : i32 to index
      %get3A_183 = arith.index_cast %mul3A_180 : i32 to index
      %get3A_184 = tpu.vector_load %arg7[%get3A_182, %get3A_183] {strides = array<i32>} : memref<16x640xf32, #tpu.memory_space<vmem>>, vector<16xf32>,
      %add3A_185 = arith.addf %add3A_178, %get3A_184 : vector<16xf32>
      %mul3A_186 = arith.constant 16 : i32
      %mul3A_187 = arith.muli %scan3A_82, %mul3A_186 : i32
      %get3A_188 = arith.constant 15 : i32
      %get3A_189 = arith.index_cast %get3A_188 : i32 to index
      %get3A_190 = arith.index_cast %mul3A_187 : i32 to index
      %get3A_191 = tpu.vector_load %arg7[%get3A_189, %get3A_190] {strides = array<i32>} : memref<16x640xf32, #tpu.memory_space<vmem>>, vector<16xf32>,
      %add3A_192 = arith.addf %add3A_185, %get3A_191 : vector<16xf32>
      %mul3A_193 = arith.constant 640 : i32
      %mul3A_194 = arith.muli %arg1, %mul3A_193 : i32
      %mul3A_195 = arith.constant 16 : i32
      %mul3A_196 = arith.muli %scan3A_82, %mul3A_195 : i32
      %add3A_197 = arith.addi %mul3A_194, %mul3A_196 : i32
      %swap3A = arith.index_cast %add3A_197 : i32 to index
      %swap3A_198 = tpu.vector_load %arg6[%swap3A] {strides = array<i32>} : memref<10240xf32, #tpu.memory_space<vmem>>, vector<16xf32>,
      tpu.vector_store %arg6[%swap3A], %add3A_192 {strides = array<i32>} : memref<10240xf32, #tpu.memory_space<vmem>>, vector<16xf32>,
    }
    %scan3A_77 = arith.constant 40 : i32
    %mul3A_78 = arith.constant 640 : i32
    %mul3A_79 = arith.muli %arg1, %mul3A_78 : i32
    %mul3A_80 = arith.constant 640 : i32
    %mul3A_81 = arith.muli %arg1, %mul3A_80 : i32
    "tpu.region"() ({
      %run_scoped3A_82 = tpu.sem_alloc : memref<!tpu.dma_semaphore, #tpu.memory_space<semaphore_mem>>
      %dma_start3A = tpu.memref_slice %arg6[%mul3A_79] : memref<10240xf32, #tpu.memory_space<vmem>> -> memref<640xf32, #tpu.memory_space<vmem>>
      %dma_start3A_83 = tpu.memref_slice %arg4[%arg0, %mul3A_81] : memref<2x10240xf32, #tpu.memory_space<hbm>> -> memref<1x640xf32, #tpu.memory_space<hbm>>
      %dma_start3A_84 = tpu.memref_squeeze %dma_start3A_83 : memref<1x640xf32, #tpu.memory_space<hbm>> -> memref<640xf32, #tpu.memory_space<hbm>>
      %dma_start3A_85 = tpu.memref_slice %arg4[%arg0, %mul3A_81] : memref<2x10240xf32, #tpu.memory_space<hbm>> -> memref<1x640xf32, #tpu.memory_space<hbm>>
      %dma_start3A_86 = tpu.memref_squeeze %dma_start3A_85 : memref<1x640xf32, #tpu.memory_space<hbm>> -> memref<640xf32, #tpu.memory_space<hbm>>
      %dma_start3A_87 = tpu.memref_slice %arg6[%mul3A_79] : memref<10240xf32, #tpu.memory_space<vmem>> -> memref<640xf32, #tpu.memory_space<vmem>>
      tpu.enqueue_dma source(%dma_start3A_87 : memref<640xf32, #tpu.memory_space<vmem>>) target(%dma_start3A_86 : memref<640xf32, #tpu.memory_space<hbm>>) target_semaphore(%run_scoped3A_82 : memref<!tpu.dma_semaphore, #tpu.memory_space<semaphore_mem>>)
      %dma_wait3A = tpu.memref_slice %arg6[%mul3A_79] : memref<10240xf32, #tpu.memory_space<vmem>> -> memref<640xf32, #tpu.memory_space<vmem>>
      %dma_wait3A_88 = tpu.memref_slice %arg4[%arg0, %mul3A_81] : memref<2x10240xf32, #tpu.memory_space<hbm>> -> memref<1x640xf32, #tpu.memory_space<hbm>>
      %dma_wait3A_89 = tpu.memref_squeeze %dma_wait3A_88 : memref<1x640xf32, #tpu.memory_space<hbm>> -> memref<640xf32, #tpu.memory_space<hbm>>
      %dma_wait3A_90 = tpu.memref_slice %arg4[%arg0, %mul3A_81] : memref<2x10240xf32, #tpu.memory_space<hbm>> -> memref<1x640xf32, #tpu.memory_space<hbm>>
      %dma_wait3A_91 = tpu.memref_squeeze %dma_wait3A_90 : memref<1x640xf32, #tpu.memory_space<hbm>> -> memref<640xf32, #tpu.memory_space<hbm>>
      %dma_wait3A_92 = tpu.memref_slice %arg6[%mul3A_79] : memref<10240xf32, #tpu.memory_space<vmem>> -> memref<640xf32, #tpu.memory_space<vmem>>
      tpu.wait_dma2 semaphore(%run_scoped3A_82 : memref<!tpu.dma_semaphore, #tpu.memory_space<semaphore_mem>>) src(%dma_wait3A_92 : memref<640xf32, #tpu.memory_space<vmem>>) dst(%dma_wait3A_91 : memref<640xf32, #tpu.memory_space<hbm>>)
      tpu.yield
    }) : () -> ()
    return
  }
}

#map = affine_map<(d0, d1) -> (0, 0)>
#map1 = affine_map<(d0, d1) -> (0, 0, 0)>
module attributes {stable_mosaic.version = 14 : i64} {
  func.func @_edge_kernel(%arg0: i32, %arg1: i32, %arg2: memref<10112x128xf32, #tpu.memory_space<hbm>>, %arg3: memref<32x80x128xi32, #tpu.memory_space<hbm>>, %arg4: memref<32x80x128xi32, #tpu.memory_space<hbm>>, %arg5: memref<2x10112x128xf32, #tpu.memory_space<hbm>>, %arg6: memref<80x128xi32, #tpu.memory_space<vmem>>, %arg7: memref<80x128xi32, #tpu.memory_space<vmem>>, %arg8: memref<128x128xf32, #tpu.memory_space<vmem>>, %arg9: memref<10112x128xf32, #tpu.memory_space<vmem_shared>>, %arg10: memref<!tpu.dma_semaphore, #tpu.memory_space<semaphore_mem>>) attributes {dimension_semantics = [#tpu.dimension_semantics<core_parallel>, #tpu.dimension_semantics<subcore_parallel>], iteration_bounds = array<i64: 2, 16>, scalar_prefetch = 0 : i64, scratch_operands = 5 : i64, tpu.core_type = #tpu.core_type<sc_vector_subcore>, window_params = [{transform_indices = #map}, {transform_indices = #map1}, {transform_indices = #map1}, {transform_indices = #map1}]} {
    %mul3A = arith.constant 16 : i32
    %mul3A_0 = arith.muli %arg0, %mul3A : i32
    %add3A = arith.addi %mul3A_0, %arg1 : i32
    %mul3A_1 = arith.constant 632 : i32
    %mul3A_2 = arith.muli %arg1, %mul3A_1 : i32
    %add3A_3 = arith.constant 0 : i32
    %add3A_4 = arith.addi %mul3A_2, %add3A_3 : i32
    "tpu.region"() ({
      %run_scoped3A = tpu.sem_alloc : memref<!tpu.dma_semaphore, #tpu.memory_space<semaphore_mem>>
      %dma_start3A = arith.constant 0 : i32
      %dma_start3A_29 = tpu.memref_slice %arg2[%add3A_4, %dma_start3A] : memref<10112x128xf32, #tpu.memory_space<hbm>> -> memref<128x128xf32, #tpu.memory_space<hbm>>
      %dma_start3A_30 = arith.constant 0 : i32
      %dma_start3A_31 = tpu.memref_slice %arg2[%add3A_4, %dma_start3A_30] : memref<10112x128xf32, #tpu.memory_space<hbm>> -> memref<128x128xf32, #tpu.memory_space<hbm>>
      tpu.enqueue_dma source(%dma_start3A_31 : memref<128x128xf32, #tpu.memory_space<hbm>>) target(%arg8 : memref<128x128xf32, #tpu.memory_space<vmem>>) target_semaphore(%run_scoped3A : memref<!tpu.dma_semaphore, #tpu.memory_space<semaphore_mem>>)
      %dma_wait3A = arith.constant 0 : i32
      %dma_wait3A_32 = tpu.memref_slice %arg2[%add3A_4, %dma_wait3A] : memref<10112x128xf32, #tpu.memory_space<hbm>> -> memref<128x128xf32, #tpu.memory_space<hbm>>
      %dma_wait3A_33 = arith.constant 0 : i32
      %dma_wait3A_34 = tpu.memref_slice %arg2[%add3A_4, %dma_wait3A_33] : memref<10112x128xf32, #tpu.memory_space<hbm>> -> memref<128x128xf32, #tpu.memory_space<hbm>>
      tpu.wait_dma2 semaphore(%run_scoped3A : memref<!tpu.dma_semaphore, #tpu.memory_space<semaphore_mem>>) src(%dma_wait3A_34 : memref<128x128xf32, #tpu.memory_space<hbm>>) dst(%arg8 : memref<128x128xf32, #tpu.memory_space<vmem>>)
      tpu.yield
    }) : () -> ()
    "tpu.region"() ({
      %run_scoped3A = tpu.sem_alloc : memref<!tpu.dma_semaphore, #tpu.memory_space<semaphore_mem>>
      %dma_start3A = arith.constant 0 : i32
      %dma_start3A_29 = tpu.memref_slice %arg9[%add3A_4, %dma_start3A] : memref<10112x128xf32, #tpu.memory_space<vmem_shared>> -> memref<128x128xf32, #tpu.memory_space<vmem_shared>>
      %dma_start3A_30 = arith.constant 0 : i32
      %dma_start3A_31 = tpu.memref_slice %arg9[%add3A_4, %dma_start3A_30] : memref<10112x128xf32, #tpu.memory_space<vmem_shared>> -> memref<128x128xf32, #tpu.memory_space<vmem_shared>>
      tpu.enqueue_dma source(%arg8 : memref<128x128xf32, #tpu.memory_space<vmem>>) target(%dma_start3A_31 : memref<128x128xf32, #tpu.memory_space<vmem_shared>>) target_semaphore(%run_scoped3A : memref<!tpu.dma_semaphore, #tpu.memory_space<semaphore_mem>>)
      %dma_wait3A = arith.constant 0 : i32
      %dma_wait3A_32 = tpu.memref_slice %arg9[%add3A_4, %dma_wait3A] : memref<10112x128xf32, #tpu.memory_space<vmem_shared>> -> memref<128x128xf32, #tpu.memory_space<vmem_shared>>
      %dma_wait3A_33 = arith.constant 0 : i32
      %dma_wait3A_34 = tpu.memref_slice %arg9[%add3A_4, %dma_wait3A_33] : memref<10112x128xf32, #tpu.memory_space<vmem_shared>> -> memref<128x128xf32, #tpu.memory_space<vmem_shared>>
      tpu.wait_dma2 semaphore(%run_scoped3A : memref<!tpu.dma_semaphore, #tpu.memory_space<semaphore_mem>>) src(%arg8 : memref<128x128xf32, #tpu.memory_space<vmem>>) dst(%dma_wait3A_34 : memref<128x128xf32, #tpu.memory_space<vmem_shared>>)
      tpu.yield
    }) : () -> ()
    %add3A_5 = arith.constant 128 : i32
    %add3A_6 = arith.addi %mul3A_2, %add3A_5 : i32
    "tpu.region"() ({
      %run_scoped3A = tpu.sem_alloc : memref<!tpu.dma_semaphore, #tpu.memory_space<semaphore_mem>>
      %dma_start3A = arith.constant 0 : i32
      %dma_start3A_29 = tpu.memref_slice %arg2[%add3A_6, %dma_start3A] : memref<10112x128xf32, #tpu.memory_space<hbm>> -> memref<128x128xf32, #tpu.memory_space<hbm>>
      %dma_start3A_30 = arith.constant 0 : i32
      %dma_start3A_31 = tpu.memref_slice %arg2[%add3A_6, %dma_start3A_30] : memref<10112x128xf32, #tpu.memory_space<hbm>> -> memref<128x128xf32, #tpu.memory_space<hbm>>
      tpu.enqueue_dma source(%dma_start3A_31 : memref<128x128xf32, #tpu.memory_space<hbm>>) target(%arg8 : memref<128x128xf32, #tpu.memory_space<vmem>>) target_semaphore(%run_scoped3A : memref<!tpu.dma_semaphore, #tpu.memory_space<semaphore_mem>>)
      %dma_wait3A = arith.constant 0 : i32
      %dma_wait3A_32 = tpu.memref_slice %arg2[%add3A_6, %dma_wait3A] : memref<10112x128xf32, #tpu.memory_space<hbm>> -> memref<128x128xf32, #tpu.memory_space<hbm>>
      %dma_wait3A_33 = arith.constant 0 : i32
      %dma_wait3A_34 = tpu.memref_slice %arg2[%add3A_6, %dma_wait3A_33] : memref<10112x128xf32, #tpu.memory_space<hbm>> -> memref<128x128xf32, #tpu.memory_space<hbm>>
      tpu.wait_dma2 semaphore(%run_scoped3A : memref<!tpu.dma_semaphore, #tpu.memory_space<semaphore_mem>>) src(%dma_wait3A_34 : memref<128x128xf32, #tpu.memory_space<hbm>>) dst(%arg8 : memref<128x128xf32, #tpu.memory_space<vmem>>)
      tpu.yield
    }) : () -> ()
    "tpu.region"() ({
      %run_scoped3A = tpu.sem_alloc : memref<!tpu.dma_semaphore, #tpu.memory_space<semaphore_mem>>
      %dma_start3A = arith.constant 0 : i32
      %dma_start3A_29 = tpu.memref_slice %arg9[%add3A_6, %dma_start3A] : memref<10112x128xf32, #tpu.memory_space<vmem_shared>> -> memref<128x128xf32, #tpu.memory_space<vmem_shared>>
      %dma_start3A_30 = arith.constant 0 : i32
      %dma_start3A_31 = tpu.memref_slice %arg9[%add3A_6, %dma_start3A_30] : memref<10112x128xf32, #tpu.memory_space<vmem_shared>> -> memref<128x128xf32, #tpu.memory_space<vmem_shared>>
      tpu.enqueue_dma source(%arg8 : memref<128x128xf32, #tpu.memory_space<vmem>>) target(%dma_start3A_31 : memref<128x128xf32, #tpu.memory_space<vmem_shared>>) target_semaphore(%run_scoped3A : memref<!tpu.dma_semaphore, #tpu.memory_space<semaphore_mem>>)
      %dma_wait3A = arith.constant 0 : i32
      %dma_wait3A_32 = tpu.memref_slice %arg9[%add3A_6, %dma_wait3A] : memref<10112x128xf32, #tpu.memory_space<vmem_shared>> -> memref<128x128xf32, #tpu.memory_space<vmem_shared>>
      %dma_wait3A_33 = arith.constant 0 : i32
      %dma_wait3A_34 = tpu.memref_slice %arg9[%add3A_6, %dma_wait3A_33] : memref<10112x128xf32, #tpu.memory_space<vmem_shared>> -> memref<128x128xf32, #tpu.memory_space<vmem_shared>>
      tpu.wait_dma2 semaphore(%run_scoped3A : memref<!tpu.dma_semaphore, #tpu.memory_space<semaphore_mem>>) src(%arg8 : memref<128x128xf32, #tpu.memory_space<vmem>>) dst(%dma_wait3A_34 : memref<128x128xf32, #tpu.memory_space<vmem_shared>>)
      tpu.yield
    }) : () -> ()
    %add3A_7 = arith.constant 256 : i32
    %add3A_8 = arith.addi %mul3A_2, %add3A_7 : i32
    "tpu.region"() ({
      %run_scoped3A = tpu.sem_alloc : memref<!tpu.dma_semaphore, #tpu.memory_space<semaphore_mem>>
      %dma_start3A = arith.constant 0 : i32
      %dma_start3A_29 = tpu.memref_slice %arg2[%add3A_8, %dma_start3A] : memref<10112x128xf32, #tpu.memory_space<hbm>> -> memref<128x128xf32, #tpu.memory_space<hbm>>
      %dma_start3A_30 = arith.constant 0 : i32
      %dma_start3A_31 = tpu.memref_slice %arg2[%add3A_8, %dma_start3A_30] : memref<10112x128xf32, #tpu.memory_space<hbm>> -> memref<128x128xf32, #tpu.memory_space<hbm>>
      tpu.enqueue_dma source(%dma_start3A_31 : memref<128x128xf32, #tpu.memory_space<hbm>>) target(%arg8 : memref<128x128xf32, #tpu.memory_space<vmem>>) target_semaphore(%run_scoped3A : memref<!tpu.dma_semaphore, #tpu.memory_space<semaphore_mem>>)
      %dma_wait3A = arith.constant 0 : i32
      %dma_wait3A_32 = tpu.memref_slice %arg2[%add3A_8, %dma_wait3A] : memref<10112x128xf32, #tpu.memory_space<hbm>> -> memref<128x128xf32, #tpu.memory_space<hbm>>
      %dma_wait3A_33 = arith.constant 0 : i32
      %dma_wait3A_34 = tpu.memref_slice %arg2[%add3A_8, %dma_wait3A_33] : memref<10112x128xf32, #tpu.memory_space<hbm>> -> memref<128x128xf32, #tpu.memory_space<hbm>>
      tpu.wait_dma2 semaphore(%run_scoped3A : memref<!tpu.dma_semaphore, #tpu.memory_space<semaphore_mem>>) src(%dma_wait3A_34 : memref<128x128xf32, #tpu.memory_space<hbm>>) dst(%arg8 : memref<128x128xf32, #tpu.memory_space<vmem>>)
      tpu.yield
    }) : () -> ()
    "tpu.region"() ({
      %run_scoped3A = tpu.sem_alloc : memref<!tpu.dma_semaphore, #tpu.memory_space<semaphore_mem>>
      %dma_start3A = arith.constant 0 : i32
      %dma_start3A_29 = tpu.memref_slice %arg9[%add3A_8, %dma_start3A] : memref<10112x128xf32, #tpu.memory_space<vmem_shared>> -> memref<128x128xf32, #tpu.memory_space<vmem_shared>>
      %dma_start3A_30 = arith.constant 0 : i32
      %dma_start3A_31 = tpu.memref_slice %arg9[%add3A_8, %dma_start3A_30] : memref<10112x128xf32, #tpu.memory_space<vmem_shared>> -> memref<128x128xf32, #tpu.memory_space<vmem_shared>>
      tpu.enqueue_dma source(%arg8 : memref<128x128xf32, #tpu.memory_space<vmem>>) target(%dma_start3A_31 : memref<128x128xf32, #tpu.memory_space<vmem_shared>>) target_semaphore(%run_scoped3A : memref<!tpu.dma_semaphore, #tpu.memory_space<semaphore_mem>>)
      %dma_wait3A = arith.constant 0 : i32
      %dma_wait3A_32 = tpu.memref_slice %arg9[%add3A_8, %dma_wait3A] : memref<10112x128xf32, #tpu.memory_space<vmem_shared>> -> memref<128x128xf32, #tpu.memory_space<vmem_shared>>
      %dma_wait3A_33 = arith.constant 0 : i32
      %dma_wait3A_34 = tpu.memref_slice %arg9[%add3A_8, %dma_wait3A_33] : memref<10112x128xf32, #tpu.memory_space<vmem_shared>> -> memref<128x128xf32, #tpu.memory_space<vmem_shared>>
      tpu.wait_dma2 semaphore(%run_scoped3A : memref<!tpu.dma_semaphore, #tpu.memory_space<semaphore_mem>>) src(%arg8 : memref<128x128xf32, #tpu.memory_space<vmem>>) dst(%dma_wait3A_34 : memref<128x128xf32, #tpu.memory_space<vmem_shared>>)
      tpu.yield
    }) : () -> ()
    %add3A_9 = arith.constant 384 : i32
    %add3A_10 = arith.addi %mul3A_2, %add3A_9 : i32
    "tpu.region"() ({
      %run_scoped3A = tpu.sem_alloc : memref<!tpu.dma_semaphore, #tpu.memory_space<semaphore_mem>>
      %dma_start3A = arith.constant 0 : i32
      %dma_start3A_29 = tpu.memref_slice %arg2[%add3A_10, %dma_start3A] : memref<10112x128xf32, #tpu.memory_space<hbm>> -> memref<128x128xf32, #tpu.memory_space<hbm>>
      %dma_start3A_30 = arith.constant 0 : i32
      %dma_start3A_31 = tpu.memref_slice %arg2[%add3A_10, %dma_start3A_30] : memref<10112x128xf32, #tpu.memory_space<hbm>> -> memref<128x128xf32, #tpu.memory_space<hbm>>
      tpu.enqueue_dma source(%dma_start3A_31 : memref<128x128xf32, #tpu.memory_space<hbm>>) target(%arg8 : memref<128x128xf32, #tpu.memory_space<vmem>>) target_semaphore(%run_scoped3A : memref<!tpu.dma_semaphore, #tpu.memory_space<semaphore_mem>>)
      %dma_wait3A = arith.constant 0 : i32
      %dma_wait3A_32 = tpu.memref_slice %arg2[%add3A_10, %dma_wait3A] : memref<10112x128xf32, #tpu.memory_space<hbm>> -> memref<128x128xf32, #tpu.memory_space<hbm>>
      %dma_wait3A_33 = arith.constant 0 : i32
      %dma_wait3A_34 = tpu.memref_slice %arg2[%add3A_10, %dma_wait3A_33] : memref<10112x128xf32, #tpu.memory_space<hbm>> -> memref<128x128xf32, #tpu.memory_space<hbm>>
      tpu.wait_dma2 semaphore(%run_scoped3A : memref<!tpu.dma_semaphore, #tpu.memory_space<semaphore_mem>>) src(%dma_wait3A_34 : memref<128x128xf32, #tpu.memory_space<hbm>>) dst(%arg8 : memref<128x128xf32, #tpu.memory_space<vmem>>)
      tpu.yield
    }) : () -> ()
    "tpu.region"() ({
      %run_scoped3A = tpu.sem_alloc : memref<!tpu.dma_semaphore, #tpu.memory_space<semaphore_mem>>
      %dma_start3A = arith.constant 0 : i32
      %dma_start3A_29 = tpu.memref_slice %arg9[%add3A_10, %dma_start3A] : memref<10112x128xf32, #tpu.memory_space<vmem_shared>> -> memref<128x128xf32, #tpu.memory_space<vmem_shared>>
      %dma_start3A_30 = arith.constant 0 : i32
      %dma_start3A_31 = tpu.memref_slice %arg9[%add3A_10, %dma_start3A_30] : memref<10112x128xf32, #tpu.memory_space<vmem_shared>> -> memref<128x128xf32, #tpu.memory_space<vmem_shared>>
      tpu.enqueue_dma source(%arg8 : memref<128x128xf32, #tpu.memory_space<vmem>>) target(%dma_start3A_31 : memref<128x128xf32, #tpu.memory_space<vmem_shared>>) target_semaphore(%run_scoped3A : memref<!tpu.dma_semaphore, #tpu.memory_space<semaphore_mem>>)
      %dma_wait3A = arith.constant 0 : i32
      %dma_wait3A_32 = tpu.memref_slice %arg9[%add3A_10, %dma_wait3A] : memref<10112x128xf32, #tpu.memory_space<vmem_shared>> -> memref<128x128xf32, #tpu.memory_space<vmem_shared>>
      %dma_wait3A_33 = arith.constant 0 : i32
      %dma_wait3A_34 = tpu.memref_slice %arg9[%add3A_10, %dma_wait3A_33] : memref<10112x128xf32, #tpu.memory_space<vmem_shared>> -> memref<128x128xf32, #tpu.memory_space<vmem_shared>>
      tpu.wait_dma2 semaphore(%run_scoped3A : memref<!tpu.dma_semaphore, #tpu.memory_space<semaphore_mem>>) src(%arg8 : memref<128x128xf32, #tpu.memory_space<vmem>>) dst(%dma_wait3A_34 : memref<128x128xf32, #tpu.memory_space<vmem_shared>>)
      tpu.yield
    }) : () -> ()
    %add3A_11 = arith.constant 512 : i32
    %add3A_12 = arith.addi %mul3A_2, %add3A_11 : i32
    "tpu.region"() ({
      %run_scoped3A = tpu.sem_alloc : memref<!tpu.dma_semaphore, #tpu.memory_space<semaphore_mem>>
      %dma_start3A = arith.constant 0 : i32
      %dma_start3A_29 = arith.constant 0 : i32
      %dma_start3A_30 = tpu.memref_slice %arg8[%dma_start3A, %dma_start3A_29] : memref<128x128xf32, #tpu.memory_space<vmem>> -> memref<120x128xf32, #tpu.memory_space<vmem>>
      %dma_start3A_31 = arith.constant 0 : i32
      %dma_start3A_32 = tpu.memref_slice %arg2[%add3A_12, %dma_start3A_31] : memref<10112x128xf32, #tpu.memory_space<hbm>> -> memref<120x128xf32, #tpu.memory_space<hbm>>
      %dma_start3A_33 = arith.constant 0 : i32
      %dma_start3A_34 = arith.constant 0 : i32
      %dma_start3A_35 = tpu.memref_slice %arg8[%dma_start3A_33, %dma_start3A_34] : memref<128x128xf32, #tpu.memory_space<vmem>> -> memref<120x128xf32, #tpu.memory_space<vmem>>
      %dma_start3A_36 = arith.constant 0 : i32
      %dma_start3A_37 = tpu.memref_slice %arg2[%add3A_12, %dma_start3A_36] : memref<10112x128xf32, #tpu.memory_space<hbm>> -> memref<120x128xf32, #tpu.memory_space<hbm>>
      tpu.enqueue_dma source(%dma_start3A_37 : memref<120x128xf32, #tpu.memory_space<hbm>>) target(%dma_start3A_35 : memref<120x128xf32, #tpu.memory_space<vmem>>) target_semaphore(%run_scoped3A : memref<!tpu.dma_semaphore, #tpu.memory_space<semaphore_mem>>)
      %dma_wait3A = arith.constant 0 : i32
      %dma_wait3A_38 = arith.constant 0 : i32
      %dma_wait3A_39 = tpu.memref_slice %arg8[%dma_wait3A, %dma_wait3A_38] : memref<128x128xf32, #tpu.memory_space<vmem>> -> memref<120x128xf32, #tpu.memory_space<vmem>>
      %dma_wait3A_40 = arith.constant 0 : i32
      %dma_wait3A_41 = tpu.memref_slice %arg2[%add3A_12, %dma_wait3A_40] : memref<10112x128xf32, #tpu.memory_space<hbm>> -> memref<120x128xf32, #tpu.memory_space<hbm>>
      %dma_wait3A_42 = arith.constant 0 : i32
      %dma_wait3A_43 = arith.constant 0 : i32
      %dma_wait3A_44 = tpu.memref_slice %arg8[%dma_wait3A_42, %dma_wait3A_43] : memref<128x128xf32, #tpu.memory_space<vmem>> -> memref<120x128xf32, #tpu.memory_space<vmem>>
      %dma_wait3A_45 = arith.constant 0 : i32
      %dma_wait3A_46 = tpu.memref_slice %arg2[%add3A_12, %dma_wait3A_45] : memref<10112x128xf32, #tpu.memory_space<hbm>> -> memref<120x128xf32, #tpu.memory_space<hbm>>
      tpu.wait_dma2 semaphore(%run_scoped3A : memref<!tpu.dma_semaphore, #tpu.memory_space<semaphore_mem>>) src(%dma_wait3A_46 : memref<120x128xf32, #tpu.memory_space<hbm>>) dst(%dma_wait3A_44 : memref<120x128xf32, #tpu.memory_space<vmem>>)
      tpu.yield
    }) : () -> ()
    "tpu.region"() ({
      %run_scoped3A = tpu.sem_alloc : memref<!tpu.dma_semaphore, #tpu.memory_space<semaphore_mem>>
      %dma_start3A = arith.constant 0 : i32
      %dma_start3A_29 = arith.constant 0 : i32
      %dma_start3A_30 = tpu.memref_slice %arg8[%dma_start3A, %dma_start3A_29] : memref<128x128xf32, #tpu.memory_space<vmem>> -> memref<120x128xf32, #tpu.memory_space<vmem>>
      %dma_start3A_31 = arith.constant 0 : i32
      %dma_start3A_32 = tpu.memref_slice %arg9[%add3A_12, %dma_start3A_31] : memref<10112x128xf32, #tpu.memory_space<vmem_shared>> -> memref<120x128xf32, #tpu.memory_space<vmem_shared>>
      %dma_start3A_33 = arith.constant 0 : i32
      %dma_start3A_34 = tpu.memref_slice %arg9[%add3A_12, %dma_start3A_33] : memref<10112x128xf32, #tpu.memory_space<vmem_shared>> -> memref<120x128xf32, #tpu.memory_space<vmem_shared>>
      %dma_start3A_35 = arith.constant 0 : i32
      %dma_start3A_36 = arith.constant 0 : i32
      %dma_start3A_37 = tpu.memref_slice %arg8[%dma_start3A_35, %dma_start3A_36] : memref<128x128xf32, #tpu.memory_space<vmem>> -> memref<120x128xf32, #tpu.memory_space<vmem>>
      tpu.enqueue_dma source(%dma_start3A_37 : memref<120x128xf32, #tpu.memory_space<vmem>>) target(%dma_start3A_34 : memref<120x128xf32, #tpu.memory_space<vmem_shared>>) target_semaphore(%run_scoped3A : memref<!tpu.dma_semaphore, #tpu.memory_space<semaphore_mem>>)
      %dma_wait3A = arith.constant 0 : i32
      %dma_wait3A_38 = arith.constant 0 : i32
      %dma_wait3A_39 = tpu.memref_slice %arg8[%dma_wait3A, %dma_wait3A_38] : memref<128x128xf32, #tpu.memory_space<vmem>> -> memref<120x128xf32, #tpu.memory_space<vmem>>
      %dma_wait3A_40 = arith.constant 0 : i32
      %dma_wait3A_41 = tpu.memref_slice %arg9[%add3A_12, %dma_wait3A_40] : memref<10112x128xf32, #tpu.memory_space<vmem_shared>> -> memref<120x128xf32, #tpu.memory_space<vmem_shared>>
      %dma_wait3A_42 = arith.constant 0 : i32
      %dma_wait3A_43 = tpu.memref_slice %arg9[%add3A_12, %dma_wait3A_42] : memref<10112x128xf32, #tpu.memory_space<vmem_shared>> -> memref<120x128xf32, #tpu.memory_space<vmem_shared>>
      %dma_wait3A_44 = arith.constant 0 : i32
      %dma_wait3A_45 = arith.constant 0 : i32
      %dma_wait3A_46 = tpu.memref_slice %arg8[%dma_wait3A_44, %dma_wait3A_45] : memref<128x128xf32, #tpu.memory_space<vmem>> -> memref<120x128xf32, #tpu.memory_space<vmem>>
      tpu.wait_dma2 semaphore(%run_scoped3A : memref<!tpu.dma_semaphore, #tpu.memory_space<semaphore_mem>>) src(%dma_wait3A_46 : memref<120x128xf32, #tpu.memory_space<vmem>>) dst(%dma_wait3A_43 : memref<120x128xf32, #tpu.memory_space<vmem_shared>>)
      tpu.yield
    }) : () -> ()
    "tpu.region"() ({
      %run_scoped3A = tpu.sem_alloc : memref<!tpu.dma_semaphore, #tpu.memory_space<semaphore_mem>>
      %dma_start3A = arith.constant 0 : i32
      %dma_start3A_29 = arith.constant 0 : i32
      %dma_start3A_30 = tpu.memref_slice %arg3[%add3A, %dma_start3A, %dma_start3A_29] : memref<32x80x128xi32, #tpu.memory_space<hbm>> -> memref<1x80x128xi32, #tpu.memory_space<hbm>>
      %dma_start3A_31 = tpu.memref_squeeze %dma_start3A_30 : memref<1x80x128xi32, #tpu.memory_space<hbm>> -> memref<80x128xi32, #tpu.memory_space<hbm>>
      %dma_start3A_32 = arith.constant 0 : i32
      %dma_start3A_33 = arith.constant 0 : i32
      %dma_start3A_34 = tpu.memref_slice %arg3[%add3A, %dma_start3A_32, %dma_start3A_33] : memref<32x80x128xi32, #tpu.memory_space<hbm>> -> memref<1x80x128xi32, #tpu.memory_space<hbm>>
      %dma_start3A_35 = tpu.memref_squeeze %dma_start3A_34 : memref<1x80x128xi32, #tpu.memory_space<hbm>> -> memref<80x128xi32, #tpu.memory_space<hbm>>
      tpu.enqueue_dma source(%dma_start3A_35 : memref<80x128xi32, #tpu.memory_space<hbm>>) target(%arg6 : memref<80x128xi32, #tpu.memory_space<vmem>>) target_semaphore(%run_scoped3A : memref<!tpu.dma_semaphore, #tpu.memory_space<semaphore_mem>>)
      %dma_wait3A = arith.constant 0 : i32
      %dma_wait3A_36 = arith.constant 0 : i32
      %dma_wait3A_37 = tpu.memref_slice %arg3[%add3A, %dma_wait3A, %dma_wait3A_36] : memref<32x80x128xi32, #tpu.memory_space<hbm>> -> memref<1x80x128xi32, #tpu.memory_space<hbm>>
      %dma_wait3A_38 = tpu.memref_squeeze %dma_wait3A_37 : memref<1x80x128xi32, #tpu.memory_space<hbm>> -> memref<80x128xi32, #tpu.memory_space<hbm>>
      %dma_wait3A_39 = arith.constant 0 : i32
      %dma_wait3A_40 = arith.constant 0 : i32
      %dma_wait3A_41 = tpu.memref_slice %arg3[%add3A, %dma_wait3A_39, %dma_wait3A_40] : memref<32x80x128xi32, #tpu.memory_space<hbm>> -> memref<1x80x128xi32, #tpu.memory_space<hbm>>
      %dma_wait3A_42 = tpu.memref_squeeze %dma_wait3A_41 : memref<1x80x128xi32, #tpu.memory_space<hbm>> -> memref<80x128xi32, #tpu.memory_space<hbm>>
      tpu.wait_dma2 semaphore(%run_scoped3A : memref<!tpu.dma_semaphore, #tpu.memory_space<semaphore_mem>>) src(%dma_wait3A_42 : memref<80x128xi32, #tpu.memory_space<hbm>>) dst(%arg6 : memref<80x128xi32, #tpu.memory_space<vmem>>)
      tpu.yield
    }) : () -> ()
    "tpu.region"() ({
      %run_scoped3A = tpu.sem_alloc : memref<!tpu.dma_semaphore, #tpu.memory_space<semaphore_mem>>
      %dma_start3A = arith.constant 0 : i32
      %dma_start3A_29 = arith.constant 0 : i32
      %dma_start3A_30 = tpu.memref_slice %arg4[%add3A, %dma_start3A, %dma_start3A_29] : memref<32x80x128xi32, #tpu.memory_space<hbm>> -> memref<1x80x128xi32, #tpu.memory_space<hbm>>
      %dma_start3A_31 = tpu.memref_squeeze %dma_start3A_30 : memref<1x80x128xi32, #tpu.memory_space<hbm>> -> memref<80x128xi32, #tpu.memory_space<hbm>>
      %dma_start3A_32 = arith.constant 0 : i32
      %dma_start3A_33 = arith.constant 0 : i32
      %dma_start3A_34 = tpu.memref_slice %arg4[%add3A, %dma_start3A_32, %dma_start3A_33] : memref<32x80x128xi32, #tpu.memory_space<hbm>> -> memref<1x80x128xi32, #tpu.memory_space<hbm>>
      %dma_start3A_35 = tpu.memref_squeeze %dma_start3A_34 : memref<1x80x128xi32, #tpu.memory_space<hbm>> -> memref<80x128xi32, #tpu.memory_space<hbm>>
      tpu.enqueue_dma source(%dma_start3A_35 : memref<80x128xi32, #tpu.memory_space<hbm>>) target(%arg7 : memref<80x128xi32, #tpu.memory_space<vmem>>) target_semaphore(%run_scoped3A : memref<!tpu.dma_semaphore, #tpu.memory_space<semaphore_mem>>)
      %dma_wait3A = arith.constant 0 : i32
      %dma_wait3A_36 = arith.constant 0 : i32
      %dma_wait3A_37 = tpu.memref_slice %arg4[%add3A, %dma_wait3A, %dma_wait3A_36] : memref<32x80x128xi32, #tpu.memory_space<hbm>> -> memref<1x80x128xi32, #tpu.memory_space<hbm>>
      %dma_wait3A_38 = tpu.memref_squeeze %dma_wait3A_37 : memref<1x80x128xi32, #tpu.memory_space<hbm>> -> memref<80x128xi32, #tpu.memory_space<hbm>>
      %dma_wait3A_39 = arith.constant 0 : i32
      %dma_wait3A_40 = arith.constant 0 : i32
      %dma_wait3A_41 = tpu.memref_slice %arg4[%add3A, %dma_wait3A_39, %dma_wait3A_40] : memref<32x80x128xi32, #tpu.memory_space<hbm>> -> memref<1x80x128xi32, #tpu.memory_space<hbm>>
      %dma_wait3A_42 = tpu.memref_squeeze %dma_wait3A_41 : memref<1x80x128xi32, #tpu.memory_space<hbm>> -> memref<80x128xi32, #tpu.memory_space<hbm>>
      tpu.wait_dma2 semaphore(%run_scoped3A : memref<!tpu.dma_semaphore, #tpu.memory_space<semaphore_mem>>) src(%dma_wait3A_42 : memref<80x128xi32, #tpu.memory_space<hbm>>) dst(%arg7 : memref<80x128xi32, #tpu.memory_space<vmem>>)
      tpu.yield
    }) : () -> ()
    %barrier3A = arith.constant 0 : index
    tpu.barrier barrier_id(%barrier3A)
    %scan3A = arith.constant 0 : i32
    %scan3A_13 = arith.constant 0 : i32
    %scan3A_14 = arith.constant 80 : i32
    %scan3A_15 = arith.addi %scan3A_13, %scan3A_14 : i32
    %scan3A_16 = arith.constant 1 : i32
    scf.for %scan3A_29 = %scan3A_13 to %scan3A_15 step %scan3A_16  : i32 {
      %dma_start3A = arith.constant 0 : i32
      %dma_start3A_30 = tpu.memref_slice %arg6[%scan3A_29, %dma_start3A] : memref<80x128xi32, #tpu.memory_space<vmem>> -> memref<1x128xi32, #tpu.memory_space<vmem>>
      %dma_start3A_31 = tpu.memref_squeeze %dma_start3A_30 : memref<1x128xi32, #tpu.memory_space<vmem>> -> memref<128xi32, #tpu.memory_space<vmem>>
      %dma_start3A_32 = arith.constant 0 : i32
      %dma_start3A_33 = arith.constant 0 : i32
      %dma_start3A_34 = tpu.memref_slice %arg2[%dma_start3A_32, %dma_start3A_33] : memref<10112x128xf32, #tpu.memory_space<hbm>> -> memref<10112x128xf32, #tpu.memory_space<hbm>>
      tpu.enqueue_indirect_dma source(%dma_start3A_34 : memref<10112x128xf32, #tpu.memory_space<hbm>>) target(%arg8 : memref<128x128xf32, #tpu.memory_space<vmem>>) offsets(%dma_start3A_31 : memref<128xi32, #tpu.memory_space<vmem>>) semaphore(%arg10 : memref<!tpu.dma_semaphore, #tpu.memory_space<semaphore_mem>>)
      %dma_wait3A = arith.constant 0 : i32
      %dma_wait3A_35 = tpu.memref_slice %arg6[%scan3A_29, %dma_wait3A] : memref<80x128xi32, #tpu.memory_space<vmem>> -> memref<1x128xi32, #tpu.memory_space<vmem>>
      %dma_wait3A_36 = tpu.memref_squeeze %dma_wait3A_35 : memref<1x128xi32, #tpu.memory_space<vmem>> -> memref<128xi32, #tpu.memory_space<vmem>>
      %dma_wait3A_37 = arith.constant 0 : i32
      %dma_wait3A_38 = arith.constant 0 : i32
      %dma_wait3A_39 = tpu.memref_slice %arg2[%dma_wait3A_37, %dma_wait3A_38] : memref<10112x128xf32, #tpu.memory_space<hbm>> -> memref<10112x128xf32, #tpu.memory_space<hbm>>
      tpu.wait_indirect_dma semaphore(%arg10 : memref<!tpu.dma_semaphore, #tpu.memory_space<semaphore_mem>>) src(%dma_wait3A_39 : memref<10112x128xf32, #tpu.memory_space<hbm>>) dst(%arg8 : memref<128x128xf32, #tpu.memory_space<vmem>>)
      "tpu.region"() ({
        %run_scoped3A = tpu.sem_alloc : memref<!tpu.dma_semaphore, #tpu.memory_space<semaphore_mem>>
        %dma_start3A_40 = arith.constant 0 : i32
        %dma_start3A_41 = tpu.memref_slice %arg7[%scan3A_29, %dma_start3A_40] : memref<80x128xi32, #tpu.memory_space<vmem>> -> memref<1x128xi32, #tpu.memory_space<vmem>>
        %dma_start3A_42 = tpu.memref_squeeze %dma_start3A_41 : memref<1x128xi32, #tpu.memory_space<vmem>> -> memref<128xi32, #tpu.memory_space<vmem>>
        %dma_start3A_43 = arith.constant 0 : i32
        %dma_start3A_44 = arith.constant 0 : i32
        %dma_start3A_45 = tpu.memref_slice %arg9[%dma_start3A_43, %dma_start3A_44] : memref<10112x128xf32, #tpu.memory_space<vmem_shared>> -> memref<10112x128xf32, #tpu.memory_space<vmem_shared>>
        tpu.enqueue_indirect_dma source(%arg8 : memref<128x128xf32, #tpu.memory_space<vmem>>) target(%dma_start3A_45 : memref<10112x128xf32, #tpu.memory_space<vmem_shared>>) offsets(%dma_start3A_42 : memref<128xi32, #tpu.memory_space<vmem>>) semaphore(%run_scoped3A : memref<!tpu.dma_semaphore, #tpu.memory_space<semaphore_mem>>) {add = true}
        %dma_wait3A_46 = arith.constant 0 : i32
        %dma_wait3A_47 = tpu.memref_slice %arg7[%scan3A_29, %dma_wait3A_46] : memref<80x128xi32, #tpu.memory_space<vmem>> -> memref<1x128xi32, #tpu.memory_space<vmem>>
        %dma_wait3A_48 = tpu.memref_squeeze %dma_wait3A_47 : memref<1x128xi32, #tpu.memory_space<vmem>> -> memref<128xi32, #tpu.memory_space<vmem>>
        %dma_wait3A_49 = arith.constant 0 : i32
        %dma_wait3A_50 = arith.constant 0 : i32
        %dma_wait3A_51 = tpu.memref_slice %arg9[%dma_wait3A_49, %dma_wait3A_50] : memref<10112x128xf32, #tpu.memory_space<vmem_shared>> -> memref<10112x128xf32, #tpu.memory_space<vmem_shared>>
        tpu.wait_indirect_dma semaphore(%run_scoped3A : memref<!tpu.dma_semaphore, #tpu.memory_space<semaphore_mem>>) src(%arg8 : memref<128x128xf32, #tpu.memory_space<vmem>>) dst(%dma_wait3A_51 : memref<10112x128xf32, #tpu.memory_space<vmem_shared>>)
        tpu.yield
      }) : () -> ()
    }
    %scan3A_17 = arith.constant 80 : i32
    %barrier3A_18 = arith.constant 0 : index
    tpu.barrier barrier_id(%barrier3A_18)
    %add3A_19 = arith.constant 0 : i32
    %add3A_20 = arith.addi %mul3A_2, %add3A_19 : i32
    "tpu.region"() ({
      %run_scoped3A = tpu.sem_alloc : memref<!tpu.dma_semaphore, #tpu.memory_space<semaphore_mem>>
      %dma_start3A = arith.constant 0 : i32
      %dma_start3A_29 = tpu.memref_slice %arg9[%add3A_20, %dma_start3A] : memref<10112x128xf32, #tpu.memory_space<vmem_shared>> -> memref<128x128xf32, #tpu.memory_space<vmem_shared>>
      %dma_start3A_30 = arith.constant 0 : i32
      %dma_start3A_31 = tpu.memref_slice %arg9[%add3A_20, %dma_start3A_30] : memref<10112x128xf32, #tpu.memory_space<vmem_shared>> -> memref<128x128xf32, #tpu.memory_space<vmem_shared>>
      tpu.enqueue_dma source(%dma_start3A_31 : memref<128x128xf32, #tpu.memory_space<vmem_shared>>) target(%arg8 : memref<128x128xf32, #tpu.memory_space<vmem>>) target_semaphore(%run_scoped3A : memref<!tpu.dma_semaphore, #tpu.memory_space<semaphore_mem>>)
      %dma_wait3A = arith.constant 0 : i32
      %dma_wait3A_32 = tpu.memref_slice %arg9[%add3A_20, %dma_wait3A] : memref<10112x128xf32, #tpu.memory_space<vmem_shared>> -> memref<128x128xf32, #tpu.memory_space<vmem_shared>>
      %dma_wait3A_33 = arith.constant 0 : i32
      %dma_wait3A_34 = tpu.memref_slice %arg9[%add3A_20, %dma_wait3A_33] : memref<10112x128xf32, #tpu.memory_space<vmem_shared>> -> memref<128x128xf32, #tpu.memory_space<vmem_shared>>
      tpu.wait_dma2 semaphore(%run_scoped3A : memref<!tpu.dma_semaphore, #tpu.memory_space<semaphore_mem>>) src(%dma_wait3A_34 : memref<128x128xf32, #tpu.memory_space<vmem_shared>>) dst(%arg8 : memref<128x128xf32, #tpu.memory_space<vmem>>)
      tpu.yield
    }) : () -> ()
    "tpu.region"() ({
      %run_scoped3A = tpu.sem_alloc : memref<!tpu.dma_semaphore, #tpu.memory_space<semaphore_mem>>
      %dma_start3A = arith.constant 0 : i32
      %dma_start3A_29 = tpu.memref_slice %arg5[%arg0, %add3A_20, %dma_start3A] : memref<2x10112x128xf32, #tpu.memory_space<hbm>> -> memref<1x128x128xf32, #tpu.memory_space<hbm>>
      %dma_start3A_30 = tpu.memref_squeeze %dma_start3A_29 : memref<1x128x128xf32, #tpu.memory_space<hbm>> -> memref<128x128xf32, #tpu.memory_space<hbm>>
      %dma_start3A_31 = arith.constant 0 : i32
      %dma_start3A_32 = tpu.memref_slice %arg5[%arg0, %add3A_20, %dma_start3A_31] : memref<2x10112x128xf32, #tpu.memory_space<hbm>> -> memref<1x128x128xf32, #tpu.memory_space<hbm>>
      %dma_start3A_33 = tpu.memref_squeeze %dma_start3A_32 : memref<1x128x128xf32, #tpu.memory_space<hbm>> -> memref<128x128xf32, #tpu.memory_space<hbm>>
      tpu.enqueue_dma source(%arg8 : memref<128x128xf32, #tpu.memory_space<vmem>>) target(%dma_start3A_33 : memref<128x128xf32, #tpu.memory_space<hbm>>) target_semaphore(%run_scoped3A : memref<!tpu.dma_semaphore, #tpu.memory_space<semaphore_mem>>)
      %dma_wait3A = arith.constant 0 : i32
      %dma_wait3A_34 = tpu.memref_slice %arg5[%arg0, %add3A_20, %dma_wait3A] : memref<2x10112x128xf32, #tpu.memory_space<hbm>> -> memref<1x128x128xf32, #tpu.memory_space<hbm>>
      %dma_wait3A_35 = tpu.memref_squeeze %dma_wait3A_34 : memref<1x128x128xf32, #tpu.memory_space<hbm>> -> memref<128x128xf32, #tpu.memory_space<hbm>>
      %dma_wait3A_36 = arith.constant 0 : i32
      %dma_wait3A_37 = tpu.memref_slice %arg5[%arg0, %add3A_20, %dma_wait3A_36] : memref<2x10112x128xf32, #tpu.memory_space<hbm>> -> memref<1x128x128xf32, #tpu.memory_space<hbm>>
      %dma_wait3A_38 = tpu.memref_squeeze %dma_wait3A_37 : memref<1x128x128xf32, #tpu.memory_space<hbm>> -> memref<128x128xf32, #tpu.memory_space<hbm>>
      tpu.wait_dma2 semaphore(%run_scoped3A : memref<!tpu.dma_semaphore, #tpu.memory_space<semaphore_mem>>) src(%arg8 : memref<128x128xf32, #tpu.memory_space<vmem>>) dst(%dma_wait3A_38 : memref<128x128xf32, #tpu.memory_space<hbm>>)
      tpu.yield
    }) : () -> ()
    %add3A_21 = arith.constant 128 : i32
    %add3A_22 = arith.addi %mul3A_2, %add3A_21 : i32
    "tpu.region"() ({
      %run_scoped3A = tpu.sem_alloc : memref<!tpu.dma_semaphore, #tpu.memory_space<semaphore_mem>>
      %dma_start3A = arith.constant 0 : i32
      %dma_start3A_29 = tpu.memref_slice %arg9[%add3A_22, %dma_start3A] : memref<10112x128xf32, #tpu.memory_space<vmem_shared>> -> memref<128x128xf32, #tpu.memory_space<vmem_shared>>
      %dma_start3A_30 = arith.constant 0 : i32
      %dma_start3A_31 = tpu.memref_slice %arg9[%add3A_22, %dma_start3A_30] : memref<10112x128xf32, #tpu.memory_space<vmem_shared>> -> memref<128x128xf32, #tpu.memory_space<vmem_shared>>
      tpu.enqueue_dma source(%dma_start3A_31 : memref<128x128xf32, #tpu.memory_space<vmem_shared>>) target(%arg8 : memref<128x128xf32, #tpu.memory_space<vmem>>) target_semaphore(%run_scoped3A : memref<!tpu.dma_semaphore, #tpu.memory_space<semaphore_mem>>)
      %dma_wait3A = arith.constant 0 : i32
      %dma_wait3A_32 = tpu.memref_slice %arg9[%add3A_22, %dma_wait3A] : memref<10112x128xf32, #tpu.memory_space<vmem_shared>> -> memref<128x128xf32, #tpu.memory_space<vmem_shared>>
      %dma_wait3A_33 = arith.constant 0 : i32
      %dma_wait3A_34 = tpu.memref_slice %arg9[%add3A_22, %dma_wait3A_33] : memref<10112x128xf32, #tpu.memory_space<vmem_shared>> -> memref<128x128xf32, #tpu.memory_space<vmem_shared>>
      tpu.wait_dma2 semaphore(%run_scoped3A : memref<!tpu.dma_semaphore, #tpu.memory_space<semaphore_mem>>) src(%dma_wait3A_34 : memref<128x128xf32, #tpu.memory_space<vmem_shared>>) dst(%arg8 : memref<128x128xf32, #tpu.memory_space<vmem>>)
      tpu.yield
    }) : () -> ()
    "tpu.region"() ({
      %run_scoped3A = tpu.sem_alloc : memref<!tpu.dma_semaphore, #tpu.memory_space<semaphore_mem>>
      %dma_start3A = arith.constant 0 : i32
      %dma_start3A_29 = tpu.memref_slice %arg5[%arg0, %add3A_22, %dma_start3A] : memref<2x10112x128xf32, #tpu.memory_space<hbm>> -> memref<1x128x128xf32, #tpu.memory_space<hbm>>
      %dma_start3A_30 = tpu.memref_squeeze %dma_start3A_29 : memref<1x128x128xf32, #tpu.memory_space<hbm>> -> memref<128x128xf32, #tpu.memory_space<hbm>>
      %dma_start3A_31 = arith.constant 0 : i32
      %dma_start3A_32 = tpu.memref_slice %arg5[%arg0, %add3A_22, %dma_start3A_31] : memref<2x10112x128xf32, #tpu.memory_space<hbm>> -> memref<1x128x128xf32, #tpu.memory_space<hbm>>
      %dma_start3A_33 = tpu.memref_squeeze %dma_start3A_32 : memref<1x128x128xf32, #tpu.memory_space<hbm>> -> memref<128x128xf32, #tpu.memory_space<hbm>>
      tpu.enqueue_dma source(%arg8 : memref<128x128xf32, #tpu.memory_space<vmem>>) target(%dma_start3A_33 : memref<128x128xf32, #tpu.memory_space<hbm>>) target_semaphore(%run_scoped3A : memref<!tpu.dma_semaphore, #tpu.memory_space<semaphore_mem>>)
      %dma_wait3A = arith.constant 0 : i32
      %dma_wait3A_34 = tpu.memref_slice %arg5[%arg0, %add3A_22, %dma_wait3A] : memref<2x10112x128xf32, #tpu.memory_space<hbm>> -> memref<1x128x128xf32, #tpu.memory_space<hbm>>
      %dma_wait3A_35 = tpu.memref_squeeze %dma_wait3A_34 : memref<1x128x128xf32, #tpu.memory_space<hbm>> -> memref<128x128xf32, #tpu.memory_space<hbm>>
      %dma_wait3A_36 = arith.constant 0 : i32
      %dma_wait3A_37 = tpu.memref_slice %arg5[%arg0, %add3A_22, %dma_wait3A_36] : memref<2x10112x128xf32, #tpu.memory_space<hbm>> -> memref<1x128x128xf32, #tpu.memory_space<hbm>>
      %dma_wait3A_38 = tpu.memref_squeeze %dma_wait3A_37 : memref<1x128x128xf32, #tpu.memory_space<hbm>> -> memref<128x128xf32, #tpu.memory_space<hbm>>
      tpu.wait_dma2 semaphore(%run_scoped3A : memref<!tpu.dma_semaphore, #tpu.memory_space<semaphore_mem>>) src(%arg8 : memref<128x128xf32, #tpu.memory_space<vmem>>) dst(%dma_wait3A_38 : memref<128x128xf32, #tpu.memory_space<hbm>>)
      tpu.yield
    }) : () -> ()
    %add3A_23 = arith.constant 256 : i32
    %add3A_24 = arith.addi %mul3A_2, %add3A_23 : i32
    "tpu.region"() ({
      %run_scoped3A = tpu.sem_alloc : memref<!tpu.dma_semaphore, #tpu.memory_space<semaphore_mem>>
      %dma_start3A = arith.constant 0 : i32
      %dma_start3A_29 = tpu.memref_slice %arg9[%add3A_24, %dma_start3A] : memref<10112x128xf32, #tpu.memory_space<vmem_shared>> -> memref<128x128xf32, #tpu.memory_space<vmem_shared>>
      %dma_start3A_30 = arith.constant 0 : i32
      %dma_start3A_31 = tpu.memref_slice %arg9[%add3A_24, %dma_start3A_30] : memref<10112x128xf32, #tpu.memory_space<vmem_shared>> -> memref<128x128xf32, #tpu.memory_space<vmem_shared>>
      tpu.enqueue_dma source(%dma_start3A_31 : memref<128x128xf32, #tpu.memory_space<vmem_shared>>) target(%arg8 : memref<128x128xf32, #tpu.memory_space<vmem>>) target_semaphore(%run_scoped3A : memref<!tpu.dma_semaphore, #tpu.memory_space<semaphore_mem>>)
      %dma_wait3A = arith.constant 0 : i32
      %dma_wait3A_32 = tpu.memref_slice %arg9[%add3A_24, %dma_wait3A] : memref<10112x128xf32, #tpu.memory_space<vmem_shared>> -> memref<128x128xf32, #tpu.memory_space<vmem_shared>>
      %dma_wait3A_33 = arith.constant 0 : i32
      %dma_wait3A_34 = tpu.memref_slice %arg9[%add3A_24, %dma_wait3A_33] : memref<10112x128xf32, #tpu.memory_space<vmem_shared>> -> memref<128x128xf32, #tpu.memory_space<vmem_shared>>
      tpu.wait_dma2 semaphore(%run_scoped3A : memref<!tpu.dma_semaphore, #tpu.memory_space<semaphore_mem>>) src(%dma_wait3A_34 : memref<128x128xf32, #tpu.memory_space<vmem_shared>>) dst(%arg8 : memref<128x128xf32, #tpu.memory_space<vmem>>)
      tpu.yield
    }) : () -> ()
    "tpu.region"() ({
      %run_scoped3A = tpu.sem_alloc : memref<!tpu.dma_semaphore, #tpu.memory_space<semaphore_mem>>
      %dma_start3A = arith.constant 0 : i32
      %dma_start3A_29 = tpu.memref_slice %arg5[%arg0, %add3A_24, %dma_start3A] : memref<2x10112x128xf32, #tpu.memory_space<hbm>> -> memref<1x128x128xf32, #tpu.memory_space<hbm>>
      %dma_start3A_30 = tpu.memref_squeeze %dma_start3A_29 : memref<1x128x128xf32, #tpu.memory_space<hbm>> -> memref<128x128xf32, #tpu.memory_space<hbm>>
      %dma_start3A_31 = arith.constant 0 : i32
      %dma_start3A_32 = tpu.memref_slice %arg5[%arg0, %add3A_24, %dma_start3A_31] : memref<2x10112x128xf32, #tpu.memory_space<hbm>> -> memref<1x128x128xf32, #tpu.memory_space<hbm>>
      %dma_start3A_33 = tpu.memref_squeeze %dma_start3A_32 : memref<1x128x128xf32, #tpu.memory_space<hbm>> -> memref<128x128xf32, #tpu.memory_space<hbm>>
      tpu.enqueue_dma source(%arg8 : memref<128x128xf32, #tpu.memory_space<vmem>>) target(%dma_start3A_33 : memref<128x128xf32, #tpu.memory_space<hbm>>) target_semaphore(%run_scoped3A : memref<!tpu.dma_semaphore, #tpu.memory_space<semaphore_mem>>)
      %dma_wait3A = arith.constant 0 : i32
      %dma_wait3A_34 = tpu.memref_slice %arg5[%arg0, %add3A_24, %dma_wait3A] : memref<2x10112x128xf32, #tpu.memory_space<hbm>> -> memref<1x128x128xf32, #tpu.memory_space<hbm>>
      %dma_wait3A_35 = tpu.memref_squeeze %dma_wait3A_34 : memref<1x128x128xf32, #tpu.memory_space<hbm>> -> memref<128x128xf32, #tpu.memory_space<hbm>>
      %dma_wait3A_36 = arith.constant 0 : i32
      %dma_wait3A_37 = tpu.memref_slice %arg5[%arg0, %add3A_24, %dma_wait3A_36] : memref<2x10112x128xf32, #tpu.memory_space<hbm>> -> memref<1x128x128xf32, #tpu.memory_space<hbm>>
      %dma_wait3A_38 = tpu.memref_squeeze %dma_wait3A_37 : memref<1x128x128xf32, #tpu.memory_space<hbm>> -> memref<128x128xf32, #tpu.memory_space<hbm>>
      tpu.wait_dma2 semaphore(%run_scoped3A : memref<!tpu.dma_semaphore, #tpu.memory_space<semaphore_mem>>) src(%arg8 : memref<128x128xf32, #tpu.memory_space<vmem>>) dst(%dma_wait3A_38 : memref<128x128xf32, #tpu.memory_space<hbm>>)
      tpu.yield
    }) : () -> ()
    %add3A_25 = arith.constant 384 : i32
    %add3A_26 = arith.addi %mul3A_2, %add3A_25 : i32
    "tpu.region"() ({
      %run_scoped3A = tpu.sem_alloc : memref<!tpu.dma_semaphore, #tpu.memory_space<semaphore_mem>>
      %dma_start3A = arith.constant 0 : i32
      %dma_start3A_29 = tpu.memref_slice %arg9[%add3A_26, %dma_start3A] : memref<10112x128xf32, #tpu.memory_space<vmem_shared>> -> memref<128x128xf32, #tpu.memory_space<vmem_shared>>
      %dma_start3A_30 = arith.constant 0 : i32
      %dma_start3A_31 = tpu.memref_slice %arg9[%add3A_26, %dma_start3A_30] : memref<10112x128xf32, #tpu.memory_space<vmem_shared>> -> memref<128x128xf32, #tpu.memory_space<vmem_shared>>
      tpu.enqueue_dma source(%dma_start3A_31 : memref<128x128xf32, #tpu.memory_space<vmem_shared>>) target(%arg8 : memref<128x128xf32, #tpu.memory_space<vmem>>) target_semaphore(%run_scoped3A : memref<!tpu.dma_semaphore, #tpu.memory_space<semaphore_mem>>)
      %dma_wait3A = arith.constant 0 : i32
      %dma_wait3A_32 = tpu.memref_slice %arg9[%add3A_26, %dma_wait3A] : memref<10112x128xf32, #tpu.memory_space<vmem_shared>> -> memref<128x128xf32, #tpu.memory_space<vmem_shared>>
      %dma_wait3A_33 = arith.constant 0 : i32
      %dma_wait3A_34 = tpu.memref_slice %arg9[%add3A_26, %dma_wait3A_33] : memref<10112x128xf32, #tpu.memory_space<vmem_shared>> -> memref<128x128xf32, #tpu.memory_space<vmem_shared>>
      tpu.wait_dma2 semaphore(%run_scoped3A : memref<!tpu.dma_semaphore, #tpu.memory_space<semaphore_mem>>) src(%dma_wait3A_34 : memref<128x128xf32, #tpu.memory_space<vmem_shared>>) dst(%arg8 : memref<128x128xf32, #tpu.memory_space<vmem>>)
      tpu.yield
    }) : () -> ()
    "tpu.region"() ({
      %run_scoped3A = tpu.sem_alloc : memref<!tpu.dma_semaphore, #tpu.memory_space<semaphore_mem>>
      %dma_start3A = arith.constant 0 : i32
      %dma_start3A_29 = tpu.memref_slice %arg5[%arg0, %add3A_26, %dma_start3A] : memref<2x10112x128xf32, #tpu.memory_space<hbm>> -> memref<1x128x128xf32, #tpu.memory_space<hbm>>
      %dma_start3A_30 = tpu.memref_squeeze %dma_start3A_29 : memref<1x128x128xf32, #tpu.memory_space<hbm>> -> memref<128x128xf32, #tpu.memory_space<hbm>>
      %dma_start3A_31 = arith.constant 0 : i32
      %dma_start3A_32 = tpu.memref_slice %arg5[%arg0, %add3A_26, %dma_start3A_31] : memref<2x10112x128xf32, #tpu.memory_space<hbm>> -> memref<1x128x128xf32, #tpu.memory_space<hbm>>
      %dma_start3A_33 = tpu.memref_squeeze %dma_start3A_32 : memref<1x128x128xf32, #tpu.memory_space<hbm>> -> memref<128x128xf32, #tpu.memory_space<hbm>>
      tpu.enqueue_dma source(%arg8 : memref<128x128xf32, #tpu.memory_space<vmem>>) target(%dma_start3A_33 : memref<128x128xf32, #tpu.memory_space<hbm>>) target_semaphore(%run_scoped3A : memref<!tpu.dma_semaphore, #tpu.memory_space<semaphore_mem>>)
      %dma_wait3A = arith.constant 0 : i32
      %dma_wait3A_34 = tpu.memref_slice %arg5[%arg0, %add3A_26, %dma_wait3A] : memref<2x10112x128xf32, #tpu.memory_space<hbm>> -> memref<1x128x128xf32, #tpu.memory_space<hbm>>
      %dma_wait3A_35 = tpu.memref_squeeze %dma_wait3A_34 : memref<1x128x128xf32, #tpu.memory_space<hbm>> -> memref<128x128xf32, #tpu.memory_space<hbm>>
      %dma_wait3A_36 = arith.constant 0 : i32
      %dma_wait3A_37 = tpu.memref_slice %arg5[%arg0, %add3A_26, %dma_wait3A_36] : memref<2x10112x128xf32, #tpu.memory_space<hbm>> -> memref<1x128x128xf32, #tpu.memory_space<hbm>>
      %dma_wait3A_38 = tpu.memref_squeeze %dma_wait3A_37 : memref<1x128x128xf32, #tpu.memory_space<hbm>> -> memref<128x128xf32, #tpu.memory_space<hbm>>
      tpu.wait_dma2 semaphore(%run_scoped3A : memref<!tpu.dma_semaphore, #tpu.memory_space<semaphore_mem>>) src(%arg8 : memref<128x128xf32, #tpu.memory_space<vmem>>) dst(%dma_wait3A_38 : memref<128x128xf32, #tpu.memory_space<hbm>>)
      tpu.yield
    }) : () -> ()
    %add3A_27 = arith.constant 512 : i32
    %add3A_28 = arith.addi %mul3A_2, %add3A_27 : i32
    "tpu.region"() ({
      %run_scoped3A = tpu.sem_alloc : memref<!tpu.dma_semaphore, #tpu.memory_space<semaphore_mem>>
      %dma_start3A = arith.constant 0 : i32
      %dma_start3A_29 = arith.constant 0 : i32
      %dma_start3A_30 = tpu.memref_slice %arg8[%dma_start3A, %dma_start3A_29] : memref<128x128xf32, #tpu.memory_space<vmem>> -> memref<120x128xf32, #tpu.memory_space<vmem>>
      %dma_start3A_31 = arith.constant 0 : i32
      %dma_start3A_32 = tpu.memref_slice %arg9[%add3A_28, %dma_start3A_31] : memref<10112x128xf32, #tpu.memory_space<vmem_shared>> -> memref<120x128xf32, #tpu.memory_space<vmem_shared>>
      %dma_start3A_33 = arith.constant 0 : i32
      %dma_start3A_34 = arith.constant 0 : i32
      %dma_start3A_35 = tpu.memref_slice %arg8[%dma_start3A_33, %dma_start3A_34] : memref<128x128xf32, #tpu.memory_space<vmem>> -> memref<120x128xf32, #tpu.memory_space<vmem>>
      %dma_start3A_36 = arith.constant 0 : i32
      %dma_start3A_37 = tpu.memref_slice %arg9[%add3A_28, %dma_start3A_36] : memref<10112x128xf32, #tpu.memory_space<vmem_shared>> -> memref<120x128xf32, #tpu.memory_space<vmem_shared>>
      tpu.enqueue_dma source(%dma_start3A_37 : memref<120x128xf32, #tpu.memory_space<vmem_shared>>) target(%dma_start3A_35 : memref<120x128xf32, #tpu.memory_space<vmem>>) target_semaphore(%run_scoped3A : memref<!tpu.dma_semaphore, #tpu.memory_space<semaphore_mem>>)
      %dma_wait3A = arith.constant 0 : i32
      %dma_wait3A_38 = arith.constant 0 : i32
      %dma_wait3A_39 = tpu.memref_slice %arg8[%dma_wait3A, %dma_wait3A_38] : memref<128x128xf32, #tpu.memory_space<vmem>> -> memref<120x128xf32, #tpu.memory_space<vmem>>
      %dma_wait3A_40 = arith.constant 0 : i32
      %dma_wait3A_41 = tpu.memref_slice %arg9[%add3A_28, %dma_wait3A_40] : memref<10112x128xf32, #tpu.memory_space<vmem_shared>> -> memref<120x128xf32, #tpu.memory_space<vmem_shared>>
      %dma_wait3A_42 = arith.constant 0 : i32
      %dma_wait3A_43 = arith.constant 0 : i32
      %dma_wait3A_44 = tpu.memref_slice %arg8[%dma_wait3A_42, %dma_wait3A_43] : memref<128x128xf32, #tpu.memory_space<vmem>> -> memref<120x128xf32, #tpu.memory_space<vmem>>
      %dma_wait3A_45 = arith.constant 0 : i32
      %dma_wait3A_46 = tpu.memref_slice %arg9[%add3A_28, %dma_wait3A_45] : memref<10112x128xf32, #tpu.memory_space<vmem_shared>> -> memref<120x128xf32, #tpu.memory_space<vmem_shared>>
      tpu.wait_dma2 semaphore(%run_scoped3A : memref<!tpu.dma_semaphore, #tpu.memory_space<semaphore_mem>>) src(%dma_wait3A_46 : memref<120x128xf32, #tpu.memory_space<vmem_shared>>) dst(%dma_wait3A_44 : memref<120x128xf32, #tpu.memory_space<vmem>>)
      tpu.yield
    }) : () -> ()
    "tpu.region"() ({
      %run_scoped3A = tpu.sem_alloc : memref<!tpu.dma_semaphore, #tpu.memory_space<semaphore_mem>>
      %dma_start3A = arith.constant 0 : i32
      %dma_start3A_29 = arith.constant 0 : i32
      %dma_start3A_30 = tpu.memref_slice %arg8[%dma_start3A, %dma_start3A_29] : memref<128x128xf32, #tpu.memory_space<vmem>> -> memref<120x128xf32, #tpu.memory_space<vmem>>
      %dma_start3A_31 = arith.constant 0 : i32
      %dma_start3A_32 = tpu.memref_slice %arg5[%arg0, %add3A_28, %dma_start3A_31] : memref<2x10112x128xf32, #tpu.memory_space<hbm>> -> memref<1x120x128xf32, #tpu.memory_space<hbm>>
      %dma_start3A_33 = tpu.memref_squeeze %dma_start3A_32 : memref<1x120x128xf32, #tpu.memory_space<hbm>> -> memref<120x128xf32, #tpu.memory_space<hbm>>
      %dma_start3A_34 = arith.constant 0 : i32
      %dma_start3A_35 = tpu.memref_slice %arg5[%arg0, %add3A_28, %dma_start3A_34] : memref<2x10112x128xf32, #tpu.memory_space<hbm>> -> memref<1x120x128xf32, #tpu.memory_space<hbm>>
      %dma_start3A_36 = tpu.memref_squeeze %dma_start3A_35 : memref<1x120x128xf32, #tpu.memory_space<hbm>> -> memref<120x128xf32, #tpu.memory_space<hbm>>
      %dma_start3A_37 = arith.constant 0 : i32
      %dma_start3A_38 = arith.constant 0 : i32
      %dma_start3A_39 = tpu.memref_slice %arg8[%dma_start3A_37, %dma_start3A_38] : memref<128x128xf32, #tpu.memory_space<vmem>> -> memref<120x128xf32, #tpu.memory_space<vmem>>
      tpu.enqueue_dma source(%dma_start3A_39 : memref<120x128xf32, #tpu.memory_space<vmem>>) target(%dma_start3A_36 : memref<120x128xf32, #tpu.memory_space<hbm>>) target_semaphore(%run_scoped3A : memref<!tpu.dma_semaphore, #tpu.memory_space<semaphore_mem>>)
      %dma_wait3A = arith.constant 0 : i32
      %dma_wait3A_40 = arith.constant 0 : i32
      %dma_wait3A_41 = tpu.memref_slice %arg8[%dma_wait3A, %dma_wait3A_40] : memref<128x128xf32, #tpu.memory_space<vmem>> -> memref<120x128xf32, #tpu.memory_space<vmem>>
      %dma_wait3A_42 = arith.constant 0 : i32
      %dma_wait3A_43 = tpu.memref_slice %arg5[%arg0, %add3A_28, %dma_wait3A_42] : memref<2x10112x128xf32, #tpu.memory_space<hbm>> -> memref<1x120x128xf32, #tpu.memory_space<hbm>>
      %dma_wait3A_44 = tpu.memref_squeeze %dma_wait3A_43 : memref<1x120x128xf32, #tpu.memory_space<hbm>> -> memref<120x128xf32, #tpu.memory_space<hbm>>
      %dma_wait3A_45 = arith.constant 0 : i32
      %dma_wait3A_46 = tpu.memref_slice %arg5[%arg0, %add3A_28, %dma_wait3A_45] : memref<2x10112x128xf32, #tpu.memory_space<hbm>> -> memref<1x120x128xf32, #tpu.memory_space<hbm>>
      %dma_wait3A_47 = tpu.memref_squeeze %dma_wait3A_46 : memref<1x120x128xf32, #tpu.memory_space<hbm>> -> memref<120x128xf32, #tpu.memory_space<hbm>>
      %dma_wait3A_48 = arith.constant 0 : i32
      %dma_wait3A_49 = arith.constant 0 : i32
      %dma_wait3A_50 = tpu.memref_slice %arg8[%dma_wait3A_48, %dma_wait3A_49] : memref<128x128xf32, #tpu.memory_space<vmem>> -> memref<120x128xf32, #tpu.memory_space<vmem>>
      tpu.wait_dma2 semaphore(%run_scoped3A : memref<!tpu.dma_semaphore, #tpu.memory_space<semaphore_mem>>) src(%dma_wait3A_50 : memref<120x128xf32, #tpu.memory_space<vmem>>) dst(%dma_wait3A_47 : memref<120x128xf32, #tpu.memory_space<hbm>>)
      tpu.yield
    }) : () -> ()
    return
  }
}

module attributes {stable_mosaic.version = 14 : i64} {
  func.func @_transform_body(%arg0: i32, %arg1: memref<1000x128xf32, #tpu.memory_space<vmem>>, %arg2: memref<128x128xf32, #tpu.memory_space<vmem>>, %arg3: memref<2x1000x1xf32, #tpu.memory_space<vmem>>, %arg4: memref<1000x128xf32, #tpu.memory_space<vmem>>, %arg5: memref<1000x128xf32, #tpu.memory_space<vmem>>) attributes {dimension_semantics = [#tpu.dimension_semantics<arbitrary>], iteration_bounds = array<i64: 10>, scalar_prefetch = 0 : i64, scratch_operands = 0 : i64, tpu.core_type = #tpu.core_type<tc>, window_params = [{transform_indices = @transform_0, window_bounds = array<i64: 1000, 128>}, {pipeline_mode = #tpu.pipeline_mode<synchronous>, transform_indices = @transform_1, window_bounds = array<i64: 128, 128>}, {transform_indices = @transform_2, window_bounds = array<i64: 2, 1000, 1>}, {transform_indices = @transform_3, window_bounds = array<i64: 1000, 128>}, {transform_indices = @transform_4, window_bounds = array<i64: 1000, 128>}]} {
    %get3A = arith.constant 0 : index
    %get3A_0 = arith.constant 0 : index
    %get3A_1 = vector.load %arg1[%get3A, %get3A_0] : memref<1000x128xf32, #tpu.memory_space<vmem>>, vector<1000x128xf32>
    %get3A_2 = arith.constant 0 : index
    %get3A_3 = arith.constant 0 : index
    %get3A_4 = vector.load %arg2[%get3A_2, %get3A_3] : memref<128x128xf32, #tpu.memory_space<vmem>>, vector<128x128xf32>
    %dot_general3A = arith.constant dense<0.000000e+00> : vector<1000x128xf32>
    %dot_general3A_5 = tpu.matmul %get3A_1, %get3A_4, %dot_general3A {dimension_numbers = #tpu.dot_dimension_numbers<[1], [0], [0], [1], [0, 0, 1, 1], [], []>, transpose_lhs_hint = false} : vector<1000x128xf32>, vector<128x128xf32>, vector<1000x128xf32> -> vector<1000x128xf32>
    %get3A_6 = arith.constant 0 : index
    %get3A_7 = arith.constant 0 : index
    %get3A_8 = arith.constant 0 : index
    %get3A_9 = vector.load %arg3[%get3A_6, %get3A_7, %get3A_8] : memref<2x1000x1xf32, #tpu.memory_space<vmem>>, vector<1x1000x1xf32>
    %get3A_10 = vector.shape_cast %get3A_9 : vector<1x1000x1xf32> to vector<1000x1xf32>
    %get3A_11 = arith.constant 1 : index
    %get3A_12 = arith.constant 0 : index
    %get3A_13 = arith.constant 0 : index
    %get3A_14 = vector.load %arg3[%get3A_11, %get3A_12, %get3A_13] : memref<2x1000x1xf32, #tpu.memory_space<vmem>>, vector<1x1000x1xf32>
    %get3A_15 = vector.shape_cast %get3A_14 : vector<1x1000x1xf32> to vector<1000x1xf32>
    %add3A = arith.addf %get3A_10, %get3A_15 : vector<1000x1xf32>
    %add3A_16 = arith.constant 1.000000e+00 : f32
    %add3A_17 = vector.broadcast %add3A_16 : f32 to vector<1000x1xf32>
    %add3A_18 = arith.addf %add3A, %add3A_17 : vector<1000x1xf32>
    %max3A = arith.constant 1.000000e+00 : f32
    %max3A_19 = vector.broadcast %max3A : f32 to vector<1000x1xf32>
    %max3A_20 = arith.maximumf %add3A_18, %max3A_19 : vector<1000x1xf32>
    %rsqrt3A = math.rsqrt %max3A_20 : vector<1000x1xf32>
    %mul3A = vector.broadcast %rsqrt3A : vector<1000x1xf32> to vector<1000x128xf32>
    %mul3A_21 = arith.mulf %dot_general3A_5, %mul3A : vector<1000x128xf32>
    %swap3A = arith.constant 0 : index
    %swap3A_22 = arith.constant 0 : index
    %swap3A_23 = vector.load %arg4[%swap3A, %swap3A_22] : memref<1000x128xf32, #tpu.memory_space<vmem>>, vector<1000x128xf32>
    tpu.vector_store %arg4[%swap3A, %swap3A_22], %mul3A_21 {strides = array<i32>} : memref<1000x128xf32, #tpu.memory_space<vmem>>, vector<1000x128xf32>,
    %broadcast_in_dim3A = vector.shape_cast %rsqrt3A : vector<1000x1xf32> to vector<1000x1xf32>
    %broadcast_in_dim3A_24 = vector.broadcast %broadcast_in_dim3A : vector<1000x1xf32> to vector<1000x128xf32>
    %swap3A_25 = arith.constant 0 : index
    %swap3A_26 = arith.constant 0 : index
    %swap3A_27 = vector.load %arg5[%swap3A_25, %swap3A_26] : memref<1000x128xf32, #tpu.memory_space<vmem>>, vector<1000x128xf32>
    tpu.vector_store %arg5[%swap3A_25, %swap3A_26], %broadcast_in_dim3A_24 {strides = array<i32>} : memref<1000x128xf32, #tpu.memory_space<vmem>>, vector<1000x128xf32>,
    return
  }
  func.func @transform_0(%arg0: i32) -> (i32, i32) {
    %c0_i32 = arith.constant 0 : i32
    %c0_i32_0 = arith.constant 0 : i32
    return %arg0, %c0_i32 : i32, i32
  }
  func.func @transform_1(%arg0: i32) -> (i32, i32) {
    %c0_i32 = arith.constant 0 : i32
    %c0_i32_0 = arith.constant 0 : i32
    %c0_i32_1 = arith.constant 0 : i32
    return %c0_i32, %c0_i32_0 : i32, i32
  }
  func.func @transform_2(%arg0: i32) -> (i32, i32, i32) {
    %c0_i32 = arith.constant 0 : i32
    %c0_i32_0 = arith.constant 0 : i32
    %c0_i32_1 = arith.constant 0 : i32
    return %c0_i32, %arg0, %c0_i32_0 : i32, i32, i32
  }
  func.func @transform_3(%arg0: i32) -> (i32, i32) {
    %c0_i32 = arith.constant 0 : i32
    %c0_i32_0 = arith.constant 0 : i32
    return %arg0, %c0_i32 : i32, i32
  }
  func.func @transform_4(%arg0: i32) -> (i32, i32) {
    %c0_i32 = arith.constant 0 : i32
    %c0_i32_0 = arith.constant 0 : i32
    return %arg0, %c0_i32 : i32, i32
  }
}

module attributes {stable_mosaic.version = 14 : i64} {
  func.func @_final_body(%arg0: i32, %arg1: memref<2x1000x128xf32, #tpu.memory_space<vmem>>, %arg2: memref<1000x128xf32, #tpu.memory_space<vmem>>, %arg3: memref<1000x128xf32, #tpu.memory_space<vmem>>, %arg4: memref<1x128xf32, #tpu.memory_space<vmem>>, %arg5: memref<1000x128xf32, #tpu.memory_space<vmem>>) attributes {dimension_semantics = [#tpu.dimension_semantics<arbitrary>], iteration_bounds = array<i64: 10>, scalar_prefetch = 0 : i64, scratch_operands = 0 : i64, tpu.core_type = #tpu.core_type<tc>, window_params = [{transform_indices = @transform_0, window_bounds = array<i64: 2, 1000, 128>}, {transform_indices = @transform_1, window_bounds = array<i64: 1000, 128>}, {transform_indices = @transform_2, window_bounds = array<i64: 1000, 128>}, {pipeline_mode = #tpu.pipeline_mode<synchronous>, transform_indices = @transform_3, window_bounds = array<i64: 1, 128>}, {transform_indices = @transform_4, window_bounds = array<i64: 1000, 128>}]} {
    %get3A = arith.constant 0 : index
    %get3A_0 = arith.constant 0 : index
    %get3A_1 = arith.constant 0 : index
    %get3A_2 = vector.load %arg1[%get3A, %get3A_0, %get3A_1] : memref<2x1000x128xf32, #tpu.memory_space<vmem>>, vector<1x1000x128xf32>
    %get3A_3 = vector.shape_cast %get3A_2 : vector<1x1000x128xf32> to vector<1000x128xf32>
    %get3A_4 = arith.constant 1 : index
    %get3A_5 = arith.constant 0 : index
    %get3A_6 = arith.constant 0 : index
    %get3A_7 = vector.load %arg1[%get3A_4, %get3A_5, %get3A_6] : memref<2x1000x128xf32, #tpu.memory_space<vmem>>, vector<1x1000x128xf32>
    %get3A_8 = vector.shape_cast %get3A_7 : vector<1x1000x128xf32> to vector<1000x128xf32>
    %add3A = arith.addf %get3A_3, %get3A_8 : vector<1000x128xf32>
    %get3A_9 = arith.constant 0 : index
    %get3A_10 = arith.constant 0 : index
    %get3A_11 = vector.load %arg2[%get3A_9, %get3A_10] : memref<1000x128xf32, #tpu.memory_space<vmem>>, vector<1000x128xf32>
    %sub3A = arith.subf %add3A, %get3A_11 : vector<1000x128xf32>
    %get3A_12 = arith.constant 0 : index
    %get3A_13 = arith.constant 0 : index
    %get3A_14 = vector.load %arg3[%get3A_12, %get3A_13] : memref<1000x128xf32, #tpu.memory_space<vmem>>, vector<1000x128xf32>
    %mul3A = arith.mulf %get3A_14, %sub3A : vector<1000x128xf32>
    %get3A_15 = arith.constant 0 : index
    %get3A_16 = arith.constant 0 : index
    %get3A_17 = vector.load %arg4[%get3A_15, %get3A_16] : memref<1x128xf32, #tpu.memory_space<vmem>>, vector<1x128xf32>
    %add3A_18 = vector.broadcast %get3A_17 : vector<1x128xf32> to vector<1000x128xf32>
    %add3A_19 = arith.addf %mul3A, %add3A_18 : vector<1000x128xf32>
    %max3A = arith.constant 0.000000e+00 : f32
    %max3A_20 = vector.broadcast %max3A : f32 to vector<1000x128xf32>
    %max3A_21 = arith.maximumf %add3A_19, %max3A_20 : vector<1000x128xf32>
    %swap3A = arith.constant 0 : index
    %swap3A_22 = arith.constant 0 : index
    %swap3A_23 = vector.load %arg5[%swap3A, %swap3A_22] : memref<1000x128xf32, #tpu.memory_space<vmem>>, vector<1000x128xf32>
    tpu.vector_store %arg5[%swap3A, %swap3A_22], %max3A_21 {strides = array<i32>} : memref<1000x128xf32, #tpu.memory_space<vmem>>, vector<1000x128xf32>,
    return
  }
  func.func @transform_0(%arg0: i32) -> (i32, i32, i32) {
    %c0_i32 = arith.constant 0 : i32
    %c0_i32_0 = arith.constant 0 : i32
    %c0_i32_1 = arith.constant 0 : i32
    return %c0_i32, %arg0, %c0_i32_0 : i32, i32, i32
  }
  func.func @transform_1(%arg0: i32) -> (i32, i32) {
    %c0_i32 = arith.constant 0 : i32
    %c0_i32_0 = arith.constant 0 : i32
    return %arg0, %c0_i32 : i32, i32
  }
  func.func @transform_2(%arg0: i32) -> (i32, i32) {
    %c0_i32 = arith.constant 0 : i32
    %c0_i32_0 = arith.constant 0 : i32
    return %arg0, %c0_i32 : i32, i32
  }
  func.func @transform_3(%arg0: i32) -> (i32, i32) {
    %c0_i32 = arith.constant 0 : i32
    %c0_i32_0 = arith.constant 0 : i32
    %c0_i32_1 = arith.constant 0 : i32
    return %c0_i32, %c0_i32_0 : i32, i32
  }
  func.func @transform_4(%arg0: i32) -> (i32, i32) {
    %c0_i32 = arith.constant 0 : i32
    %c0_i32_0 = arith.constant 0 : i32
    return %arg0, %c0_i32 : i32, i32
  }
}

</mosaic_0001>

<sc_bundles>
// kernel: kernel.6.cloned.1.call-start
scs
__scs_entry_jumppad:
0x0: {  	(pc) =	sbr.rel $0x88, $3  }
0x1: {  	(tag) =	ssettag $0x0;
	lr =	simm.s32 $0x1  }
0x2: {  	[smem:$0x3F9D] =	sst lr;
	_ =	strace $0xD0000000  }
0x3: {  	_ = 	snop  }
0x4: {  	_ = 	snop  }
0x5: {  	_ = 	snop  }
0x6: {  	_ = 	snop  }
0x7: {  	_ = 	snop  }
__scs_overlays_trampoline_lowered:
0x8: {  	[smem:$0x3FAC] =	sst s0  }
0x9: {  	[smem:$0x3FAD] =	sst s1  }
0xa: {  	[smem:$0x3FAE] =	sst s2  }
0xb: {  	[smem:$0x3FAF] =	sst s3  }
0xc: {  	[smem:$0x3FB0] =	sst s4  }
0xd: {  	[smem:$0x3FB1] =	sst s5  }
0xe: {  	[smem:$0x3FB2] =	sst s6  }
0xf: {  	[smem:$0x3FB3] =	sst s7  }
0x10: {  	[smem:$0x3FB4] =	sst s8  }
0x11: {  	[smem:$0x3FB5] =	sst s9;
	s0 =	simm.s32 @!p0 $0x0  }
0x12: {  	s1 =	sld [smem:$0x3F9B];
	s0 =	simm.s32 @p0 $0x1  }
0x13: {  	[smem:$0x3FB6] =	sst s0;
	s0 =	simm.s32 @!p1 $0x0  }
0x14: {  	s2 =	sld [smem:$0x3F9A];
	s0 =	simm.s32 @p1 $0x1  }
0x15: {  	[smem:$0x3FB7] =	sst s0;
	s0 =	simm.s32 @!p2 $0x0  }
0x16: {  	s3 =	sld [smem:$0x3FDB];
	s0 =	simm.s32 @p2 $0x1  }
0x17: {  	s4 =	simm.s32 $0x1BF5;
	[smem:$0x3FB9] =	sst s0  }
0x18: {  	s0 =	sld [smem:$0x3F9C];
	_ =	swait.ge [sflag:s4], $0x0  }
0x19: {  	s7 =	sld [smem:$0x3F9D]  }
0x1a: {  	s8 =	sadd.s32 $0xFFFFE003, lr  }
0x1b: {  	s9 =	sadd.s32 $0xFFFFFEF7, lr;
	s5 =	simm.s32 $0xFFFFFFFF;
	p2 =	slt.u32 s8, $0xFFFFF086  }
0x1c: {  	p1 =	slt.u32 s9, $0xF7A;
	s5 =	simm.s32 @!p2 $0x0  }
0x1d: {  	s5 =	simm.s32 @p1 $0x1;
	p0 =	seq.s32 s7, s2  }
0x1e: {  	s7 =	smul.u32 @!p0 $0xF7A, s2;
	p2 =	seq.s32 @!p0 s5, $0x0  }
0x1f: {  	s9 =	smul.u32 $0xF7A, s1;
	s8 =	simm.s32 @!p0 $0x1BF5;
	p2 =	por !p2, p0  }
0x20: {  	[sflag:s8] =	ssyncset.s32 @!p0 $0xFFFFF086;
	s6 =	sadd.s32 @!p0 s3, s7;
	s7 =	simm.s32 @!p0 $0x108  }
0x21: {  	s3 =	sadd.s32 s3, s9;
	s6 =	sadd.s32 @!p0 $0x88, s6;
	s7 =	simm.s32 @p2 $0x1082  }
0x22: {  	[simem:s7], [sflag:s8] =	dma.local @!p0 [hbm:s6], $0xF7A  }
0x23: {  	s9 =	sor.u32 $0xD0000000, s2;
	s6 =	simm.s32 $0x108;
	_ =	swait.ge @!p0 [sflag:s8], $0x0  }
0x24: {  	s3 =	sadd.s32 $0x88, s3;
	s6 =	simm.s32 @!p1 $0x1082;
	[sflag:s4] =	ssyncset.s32 $0xFFFFF086  }
0x25: {  	[simem:s6], [sflag:s4] =	dma.local [hbm:s3], $0xF7A  }
0x26: {  	[smem:$0x3F9D] =	sst s1;
	(tag) =	ssettag s2;
	_ =	strace s9  }
0x27: {  	s1 =	sld [smem:$0x3FAD]  }
0x28: {  	s2 =	sld [smem:$0x3FAE]  }
0x29: {  	s4 =	sld [smem:$0x3FB0]  }
0x2a: {  	p0 =	seq.s32 s5, $0x0;
	s5 =	sld [smem:$0x3FB1]  }
0x2b: {  	s6 =	sld [smem:$0x3FB2]  }
0x2c: {  	s7 =	sld [smem:$0x3FB3]  }
0x2d: {  	s3 =	simm.s32 $0x108;
	s8 =	sld [smem:$0x3FB4]  }
0x2e: {  	s3 =	simm.s32 @!p0 $0x1082;
	s9 =	sld [smem:$0x3FB5]  }
0x2f: {  	lr =	sadd.s32 s0, s3;
	s0 =	sld [smem:$0x3FAC]  }
0x30: {  	s3 =	sld [smem:$0x3FAF]  }
0x31: {  	[smem:$0x3FB8] =	sst s10  }
0x32: {  	s10 =	sld [smem:$0x3FB6];
	_ =	sdelay $0x3  }
0x33: {  	p0 =	seq.s32 s10, $0x1;
	s10 =	sld [smem:$0x3FB8];
	_ =	sdelay $0x3  }
0x34: {  	[smem:$0x3FB8] =	sst s10  }
0x35: {  	s10 =	sld [smem:$0x3FB7];
	_ =	sdelay $0x3  }
0x36: {  	p1 =	seq.s32 s10, $0x1;
	s10 =	sld [smem:$0x3FB8];
	_ =	sdelay $0x3  }
0x37: {  	[smem:$0x3FB8] =	sst s10  }
0x38: {  	s10 =	sld [smem:$0x3FB9]  }
0x39: {  	_ = 	snop;
	(pc) =	sbr.ind lr, $3  }
0x3a: {  	_ = 	snop  }
0x3b: {  	_ = 	snop  }
0x3c: {  	p2 =	seq.s32 s10, $0x1;
	s10 =	sld [smem:$0x3FB8]  }
0x3d: {  	_ =	shalt  }
0x3e: {  	_ =	shalt  }
0x3f: {  	_ =	shalt  }
0x40: {  	_ =	shalt  }
0x41: {  	_ =	shalt  }
0x42: {  	_ =	shalt  }
0x43: {  	_ =	shalt  }
0x44: {  	_ =	shalt  }
0x45: {  	_ =	shalt  }
0x46: {  	_ =	shalt  }
0x47: {  	_ =	shalt  }
0x48: {  	_ =	shalt  }
0x49: {  	_ =	shalt  }
0x4a: {  	_ =	shalt  }
0x4b: {  	_ =	shalt  }
0x4c: {  	_ =	shalt  }
0x4d: {  	_ =	shalt  }
0x4e: {  	_ =	shalt  }
0x4f: {  	_ =	shalt  }
0x50: {  	_ =	shalt  }
0x51: {  	_ =	shalt  }
0x52: {  	_ =	shalt  }
0x53: {  	_ =	shalt  }
0x54: {  	_ =	shalt  }
0x55: {  	_ =	shalt  }
0x56: {  	_ =	shalt  }
0x57: {  	_ =	shalt  }
0x58: {  	_ =	shalt  }
0x59: {  	_ =	shalt  }
0x5a: {  	_ =	shalt  }
0x5b: {  	_ =	shalt  }
0x5c: {  	_ =	shalt  }
0x5d: {  	_ =	shalt  }
0x5e: {  	_ =	shalt  }
0x5f: {  	_ =	shalt  }
0x60: {  	_ =	shalt  }
0x61: {  	_ =	shalt  }
0x62: {  	_ =	shalt  }
0x63: {  	_ =	shalt  }
0x64: {  	_ =	shalt  }
0x65: {  	_ =	shalt  }
0x66: {  	_ =	shalt  }
0x67: {  	_ =	shalt  }
0x68: {  	_ =	shalt  }
0x69: {  	_ =	shalt  }
0x6a: {  	_ =	shalt  }
0x6b: {  	_ =	shalt  }
0x6c: {  	_ =	shalt  }
0x6d: {  	_ =	shalt  }
0x6e: {  	_ =	shalt  }
0x6f: {  	_ =	shalt  }
0x70: {  	_ =	shalt  }
0x71: {  	_ =	shalt  }
0x72: {  	_ =	shalt  }
0x73: {  	_ =	shalt  }
0x74: {  	_ =	shalt  }
0x75: {  	_ =	shalt  }
0x76: {  	_ =	shalt  }
0x77: {  	_ =	shalt  }
0x78: {  	_ =	shalt  }
0x79: {  	_ =	shalt  }
0x7a: {  	_ =	shalt  }
0x7b: {  	_ =	shalt  }
0x7c: {  	_ =	shalt  }
0x7d: {  	_ =	shalt  }
0x7e: {  	_ =	shalt  }
0x7f: {  	_ =	shalt  }
0x80: {  	_ =	shalt  }
0x81: {  	_ =	shalt  }
0x82: {  	_ =	shalt  }
0x83: {  	_ =	shalt  }
0x84: {  	_ =	shalt  }
0x85: {  	_ =	shalt  }
0x86: {  	_ =	shalt  }
0x87: {  	_ =	shalt  }
.Lfunc_end0:
.L_simem_size_0:
called_computation_lowered:
.L_overlay_start_0:
0x88: {  	s2 =	sld [smem:$0x3FD9]  }
0x89: {  	s3 =	sld [smem:$0x3FFE];
	_ =	sdelay $0x1  }
0x8a: {  	s1 =	srdreg.scid  }
0x8b: {  	s0 =	sand.u32 $0x1, s1  }
0x8c: {  	s16 =	sshll.u32 s0, $0xA;
	s2 =	sadd.s32 s3, s2  }
0x8d: {  	s2 =	sadd.s32 s2, s16  }
0x8e: {  	[smem:$0x3FC4] =	sst s2  }
0x8f: {  	_ = 	snop  }
0x90: {  	(tm) =	ssettm $0x1  }
0x91: {  	s17 =	sld [smem:$0x3FFB];
	_ =	sdelay $0x3  }
0x92: {  	_ =	strace s17  }
0x93: {  	s2 =	sld [smem:$0x3FFC];
	_ =	sdelay $0x3  }
0x94: {  	_ =	strace s2  }
0x95: {  	s2 =	sld [smem:$0x3FFD];
	_ =	sdelay $0x3  }
0x96: {  	_ =	strace s2  }
0x97: {  	_ =	strace $0x8FFFFFFF  }
0x98: {  	s18 =	sld [smem:$0x3FDB];
	_ =	sdelay $0x1  }
0x99: {  	s19 =	simm.s32 $_scs_section_size  }
0x9a: {  	s4 =	simm.s32 $_size__tile_overlayer_lowered;
	s5 =	simm.s32 $_tile_overlayer_lowered  }
0x9b: {  	s22 =	simm.s32 $0x1BFF;
	s21 =	sshll.u32 s5, $0x1;
	s2 =	sadd.s32 s19, s18  }
0x9c: {  	s6 =	simm.s32 $0x0;
	s20 =	sshll.u32 s4, $0x1;
	s4 =	sadd.s32 s21, s2  }
0x9d: {  	[timem:s6], [sflag:s22] =	dma.local [hbm:s4], s20  }
0x9e: {  	_ =	swait.ge [sflag:s22], s20  }
0x9f: {  	s3 =	ssub.s32 $0x0, s20;
	[sflag:s22] =	ssyncset.done $0x0  }
0xa0: {  	[sflag:s22] =	ssyncadd.s32 s3;
	_ =	sdelay $0x1  }
0xa1: {  	s23 =	simm.s32 $0x1B8B  }
0xa2: {  	_ =	swait.ge [sflag:s23], $0x1  }
0xa3: {  	[sflag:s23] =	ssyncset.done $0x0  }
0xa4: {  	s25 =	simm.s32 $0x1B8E;
	s24 =	sld [smem:$0x3FFE];
	[sflag:s23] =	ssyncadd.s32 $0xFFFFFFFF  }
0xa5: {  	s26 =	simm.s32 $execute0_lowered;
	[smem:$0x3FD2] =	sst s25  }
0xa6: {  	s4 =	sshll.u32 s26, $0x1;
	_ =	strace $0x80000046;
	[dreg:$0x1] =	wrdreg $0xFFFFFFFF  }
0xa7: {  	s28 =	simm.s32 $_size_execute0_lowered;
	s2 =	sadd.s32 s2, s4;
	[dreg:$0x0] =	wrdreg $0x0  }
0xa8: {  	s4 =	sshll.u32 s28, $0x1;
	[dreg:$0x2] =	wrdreg s2  }
0xa9: {  	[dreg:$0x3] =	wrdreg s4  }
0xaa: {  	[dreg:$0x4] =	wrdreg $0xC0  }
0xab: {  	_ =	task [dreg:s6], $0x5FFFF  }
0xac: {  	[dreg:$0x1] =	wrdreg $0xFFFFFFFF  }
0xad: {  	[dreg:$0x0] =	wrdreg $0x60  }
0xae: {  	[dreg:$0x2] =	wrdreg s24  }
0xaf: {  	[dreg:$0x3] =	wrdreg $0x77800  }
0xb0: {  	[dreg:$0x4] =	wrdreg $0x9  }
0xb1: {  	_ =	task.clear_ibuf [dreg:s6], $0x5FFFF;
	_ =	strace $0x90000046  }
0xb2: {  	s29 =	simm.s32 $0x9;
	_ =	strace $0x80000048  }
0xb3: {  	_ =	swait.ge [sflag:s29], $0x1  }
0xb4: {  	[sflag:s29] =	ssyncadd.s32 $0xFFFFFFFF  }
0xb5: {  	_ =	strace $0x90000048  }
0xb6: {  	_ =	sfence  }
0xb7: {  	s30 =	sld [smem:$0x0];
	_ =	sdelay $0x2  }
0xb8: {  	s31 =	sshll.u32 s1, $0xD;
	s1 =	sshrl.u32 s1, $0x2  }
0xb9: {  	s3 =	sand.u32 $0x4000, s31;
	s1 =	sadd.s32 s1, s30  }
0xba: {  	s0 =	sor.u32 s3, s0;
	s1 =	sshll.u32 s1, $0x11  }
0xbb: {  	s0 =	sor.u32 s1, s0  }
0xbc: {  	s0 =	sadd.s32 $0x8F2B, s0  }
0xbd: {  	[sflag:s0] =	ssyncadd.remote.s32 $0x1  }
0xbe: {  	_ =	sfence.sel $0xFFFF  }
0xbf: {  	[dreg:$0x0] =	wrdreg $0xFFFFFFFF;
	(pc) =	sbr.abs _section_cstart, $3  }
0xc0: {  	[dreg:$0x1] =	wrdreg $0xFFFFFFFF  }
0xc1: {  	_ =	task.clear_ibuf [dreg:s6], $0x2FFFF;
	_ =	strace $0x9FFFFFFF  }
0xc2: {  	(tm) =	ssettm $0x7FFFFFFF  }
0xc3: {  	_ =	shalt  }
tec
execute0_lowered:
.L_overlay_start_1:
0x0: {  	(tag) =	ssettag $0x1  }
0x1: {  	s0 =	srdreg.scid;
	s1 =	rddreg [dreg:$0x0]  }
0x2: {  	s2 =	rddreg [dreg:$0x1];
	s7 =	stileid.u32;
	s4 =	simm.s32 $0x0  }
0x3: {  	s0 =	sand.u32 $0x1, s0;
	[smem:$0x7FF] =	sst s4;
	s8 =	smul.u32 $0x500, s7  }
0x4: {  	s5 =	sadd.s32 $0xB400, s1;
	s10 =	sshrl.u32 s7, $0x3;
	s11 =	smul.u32 $0x5000, s7  }
0x5: {  	s12 =	sshll.u32 s7, $0x7;
	s3 =	sshll.u32 s0, $0x4;
	_ =	strace $0x80000047  }
0x6: {  	[dreg:$0x3] =	wrdreg s5;
	s9 =	sshll.u32 s0, $0x7;
	s0 =	ssub.s32 $0x2, s0  }
0x7: {  	s5 =	smul.u32 $0x50000, s10;
	s3 =	sor.u32 s7, s3;
	s4 =	sor.u32 s9, s8  }
0x8: {  	s6 =	sshrl.u32 s0, $0x1;
	s3 =	smul.u32 $0x4E2, s3;
	s4 =	sshrl.u32 s4, $0x3  }
0x9: {  	s0 =	ssub.s32 s0, s6;
	s5 =	sshrl.u32 s5, $0x2;
	s6 =	smul.u32 $0x280, s7  }
0xa: {  	s0 =	smax.u32 s0, $0x1;
	s3 =	sadd.s32 s3, s1;
	s1 =	sadd.s32 s4, s1  }
0xb: {  	s4 =	sshrl.u32 s11, $0x2;
	[dreg:$0x17] =	wrdreg s0;
	s3 =	sadd.s32 $0x1600, s3  }
0xc: {  	s7 =	sadd.s32 s4, s2;
	s1 =	sadd.s32 $0xBA00, s1;
	[dreg:$0x4] =	wrdreg s3  }
0xd: {  	s5 =	sadd.s32 s5, s2;
	s2 =	sadd.s32 $0x80, s7;
	[dreg:$0x15] =	wrdreg s1  }
0xe: {  	s13 =	sadd.s32 $0x100, s7;
	[dreg:$0x6] =	wrdreg s2  }
0xf: {  	s14 =	sadd.s32 $0x180, s7;
	[dreg:$0x7] =	wrdreg s13  }
0x10: {  	s15 =	sadd.s32 $0x200, s7;
	[dreg:$0x8] =	wrdreg s14  }
0x11: {  	s16 =	sadd.s32 $0x280, s7;
	[dreg:$0x9] =	wrdreg s15  }
0x12: {  	s17 =	sadd.s32 $0x300, s7;
	[dreg:$0xa] =	wrdreg s16  }
0x13: {  	s18 =	sadd.s32 $0x380, s7;
	[dreg:$0xb] =	wrdreg s17  }
0x14: {  	s19 =	sadd.s32 $0x14000, s7;
	[dreg:$0xc] =	wrdreg s18  }
0x15: {  	s20 =	sadd.s32 $0x14080, s7;
	[dreg:$0xd] =	wrdreg s19  }
0x16: {  	s21 =	sadd.s32 $0x14100, s7;
	[dreg:$0xe] =	wrdreg s20  }
0x17: {  	s22 =	sadd.s32 $0x14180, s7;
	[dreg:$0xf] =	wrdreg s21  }
0x18: {  	s23 =	sadd.s32 $0x14200, s7;
	[dreg:$0x10] =	wrdreg s22  }
0x19: {  	s24 =	sadd.s32 $0x14280, s7;
	[dreg:$0x11] =	wrdreg s23  }
0x1a: {  	s25 =	sadd.s32 $0x14300, s7;
	[dreg:$0x12] =	wrdreg s24  }
0x1b: {  	s26 =	sadd.s32 $0x14380, s7;
	[dreg:$0x13] =	wrdreg s25  }
0x1c: {  	s4 =	sadd.s32 $0x800, s7;
	[dreg:$0x14] =	wrdreg s26  }
0x1d: {  	s8 =	sadd.s32 $0x1000, s7;
	[dreg:$0x19] =	wrdreg s4  }
0x1e: {  	s9 =	sadd.s32 $0x480, s7;
	[dreg:$0x1b] =	wrdreg s8  }
0x1f: {  	s10 =	sadd.s32 $0x880, s7;
	[dreg:$0x1c] =	wrdreg s9  }
0x20: {  	s11 =	sadd.s32 $0xC80, s7;
	[dreg:$0x1d] =	wrdreg s10  }
0x21: {  	s3 =	sand.u32 $0x380, s12;
	s12 =	sadd.s32 $0x1080, s7;
	[dreg:$0x1e] =	wrdreg s11  }
0x22: {  	s1 =	sadd.s32 $0xE80, s7;
	[dreg:$0x1f] =	wrdreg s12  }
0x23: {  	s3 =	sadd.s32 s3, s5;
	[smem:$0x7E6] =	sst s1  }
0x24: {  	s2 =	sadd.s32 $0x2780, s6;
	[dreg:$0x5] =	wrdreg s3  }
0x25: {  	s5 =	sadd.s32 $0xC00, s7;
	[dreg:$0x16] =	wrdreg s2  }
0x26: {  	s13 =	sadd.s32 $0x500, s7;
	[dreg:$0x1a] =	wrdreg s5  }
0x27: {  	s14 =	sadd.s32 $0x900, s7;
	[smem:$0x7D8] =	sst s13  }
0x28: {  	s15 =	sadd.s32 $0xD00, s7;
	[smem:$0x7D9] =	sst s14  }
0x29: {  	s16 =	sadd.s32 $0x1100, s7;
	[smem:$0x7DA] =	sst s15  }
0x2a: {  	s17 =	sadd.s32 $0x580, s7;
	[smem:$0x7DB] =	sst s16  }
0x2b: {  	s18 =	sadd.s32 $0x980, s7;
	[smem:$0x7DC] =	sst s17  }
0x2c: {  	s19 =	sadd.s32 $0xD80, s7;
	[smem:$0x7DD] =	sst s18  }
0x2d: {  	s20 =	sadd.s32 $0x1180, s7;
	[smem:$0x7DE] =	sst s19  }
0x2e: {  	s21 =	sadd.s32 $0x600, s7;
	[smem:$0x7DF] =	sst s20  }
0x2f: {  	s22 =	sadd.s32 $0xA00, s7;
	[smem:$0x7E0] =	sst s21  }
0x30: {  	s23 =	sadd.s32 $0xE00, s7;
	[smem:$0x7E1] =	sst s22  }
0x31: {  	s24 =	sadd.s32 $0x1200, s7;
	[smem:$0x7E2] =	sst s23  }
0x32: {  	s25 =	sadd.s32 $0x680, s7;
	[smem:$0x7E3] =	sst s24  }
0x33: {  	s26 =	sadd.s32 $0xA80, s7;
	[smem:$0x7E4] =	sst s25  }
0x34: {  	s4 =	sadd.s32 $0xB00, s7;
	[smem:$0x7E5] =	sst s26  }
0x35: {  	s8 =	sadd.s32 $0x1300, s7;
	[smem:$0x7E9] =	sst s4  }
0x36: {  	s9 =	sadd.s32 $0x780, s7;
	[smem:$0x7EB] =	sst s8  }
0x37: {  	s10 =	sadd.s32 $0xB80, s7;
	[smem:$0x7EC] =	sst s9  }
0x38: {  	s11 =	sadd.s32 $0xF80, s7;
	[smem:$0x7ED] =	sst s10  }
0x39: {  	s12 =	sadd.s32 $0x1380, s7;
	[smem:$0x7EE] =	sst s11  }
0x3a: {  	s3 =	sadd.s32 $0x400, s7;
	[smem:$0x7EF] =	sst s12  }
0x3b: {  	s2 =	sadd.s32 $0x1280, s7;
	[dreg:$0x18] =	wrdreg s3  }
0x3c: {  	s5 =	sadd.s32 $0xF00, s7;
	[smem:$0x7E7] =	sst s2  }
0x3d: {  	s13 =	sadd.s32 $0x14400, s7;
	[smem:$0x7EA] =	sst s5  }
0x3e: {  	s14 =	sadd.s32 $0x14800, s7;
	[smem:$0x7F0] =	sst s13  }
0x3f: {  	s15 =	sadd.s32 $0x14C00, s7;
	[smem:$0x7F1] =	sst s14  }
0x40: {  	s16 =	sadd.s32 $0x15000, s7;
	[smem:$0x7F2] =	sst s15  }
0x41: {  	s17 =	sadd.s32 $0x14480, s7;
	[smem:$0x7F3] =	sst s16  }
0x42: {  	s18 =	sadd.s32 $0x14880, s7;
	[smem:$0x7F4] =	sst s17  }
0x43: {  	s19 =	sadd.s32 $0x14C80, s7;
	[smem:$0x7F5] =	sst s18  }
0x44: {  	s28 =	sadd.s32 $0x15300, s7;
	s20 =	sadd.s32 $0x15080, s7;
	[smem:$0x7F6] =	sst s19  }
0x45: {  	s29 =	sadd.s32 $0x14780, s7;
	s21 =	sadd.s32 $0x14500, s7;
	[smem:$0x7F7] =	sst s20  }
0x46: {  	s30 =	sadd.s32 $0x14B80, s7;
	s22 =	sadd.s32 $0x14900, s7;
	[smem:$0x7F8] =	sst s21  }
0x47: {  	s31 =	sadd.s32 $0x14F80, s7;
	s23 =	sadd.s32 $0x14D00, s7;
	[smem:$0x7F9] =	sst s22  }
0x48: {  	s0 =	sadd.s32 $0x15380, s7;
	s24 =	sadd.s32 $0x15100, s7;
	[smem:$0x7FA] =	sst s23  }
0x49: {  	s1 =	simm.s32 $0x2780;
	s25 =	sadd.s32 $0x14580, s7;
	[smem:$0x7FB] =	sst s24  }
0x4a: {  	s26 =	sadd.s32 $0x14980, s7;
	s4 =	simm.s32 $0x0;
	[smem:$0x7FC] =	sst s25  }
0x4b: {  	s3 =	sadd.s32 $0x700, s7;
	[smem:$0x7FD] =	sst s26;
	s14 =	sadd.s32 $0x14D80, s7  }
0x4c: {  	s15 =	sadd.s32 $0x15180, s7;
	s16 =	sadd.s32 $0x14600, s7;
	s17 =	sadd.s32 $0x14A00, s7  }
0x4d: {  	s18 =	sadd.s32 $0x14E00, s7;
	s19 =	sadd.s32 $0x15200, s7;
	s20 =	sadd.s32 $0x14680, s7  }
0x4e: {  	s21 =	sadd.s32 $0x14A80, s7;
	s22 =	sadd.s32 $0x14E80, s7;
	s23 =	sadd.s32 $0x15280, s7  }
0x4f: {  	s24 =	sadd.s32 $0x14700, s7;
	s25 =	sadd.s32 $0x14B00, s7;
	s26 =	sadd.s32 $0x14F00, s7  }
0x50: {  	v0 =	vimm.f32 $1.000000000e+00;
	s2 =	simm.s32 $0x1;
	[smem:$0x7E8] =	sst s3;
	s3 =	simm.s32 $0x80  }
.LBB2_1:
0x51: {  	s5 =	simm.s32 $0x0;
	s8 =	rddreg [dreg:$0x3]  }
0x52: {  	[tilespmem:s1], [sflag:$0x1] =	stream.linear.gather [hbm4b:s8+s5], $0x2800, $0x38;
	[tilespmem:$0x9F80] =	vst v63  }
0x53: {  	_ =	swait.ge [sflag:s2], $0x2800  }
0x54: {  	[sflag:s2] =	ssyncset.done $0x0  }
0x55: {  	s13 =	rddreg [dreg:$0x4];
	[sflag:s2] =	ssyncadd.s32 $0xFFFFD800  }
0x56: {  	[tilespmem:s5], [sflag:$0x1] =	stream.linear.gather [hbm4b:s13+s5], $0x2710, $0x38;
	[tilespmem:$0x9F80] =	vst v63  }
0x57: {  	_ =	swait.ge [sflag:s2], $0x2710  }
0x58: {  	[sflag:s2] =	ssyncset.done $0x0  }
0x59: {  	s8 =	simm.s32 $0x0;
	s5 =	simm.s32 $0x40;
	[sflag:s2] =	ssyncadd.s32 $0xFFFFD8F0  }
.LBB2_2:
0x5a: {  	p0 =	sne.s32 s5, $0x9C00;
	v1 =	vld [tilespmem:s8+$0x0];
	_ =	sdelay $0x3  }
.Ltmp0:
0x5b: {  	(pc) =	sbr.rel @p0 .LBB2_2-.Ltmp0, $2  }
0x5c: {  	_ =	sdelay $0x2  }
0x5d: {  	s8 =	sshra.s32 s5, $0x2;
	s5 =	sadd.s32 $0x40, s5;
	[tilespmem:v1+s1+$0x0] =	vst.idx.add.f32.msk $0xffff, v0  }
0x5e: {  	v1 =	vld [tilespmem:s8+$0x0];
	_ =	sdelay $0x7  }
0x5f: {  	s5 =	rddreg [dreg:$0x5];
	s10 =	simm.s32 $0x400;
	[tilespmem:v1+s1+$0x0] =	vst.idx.add.f32.msk $0xffff, v0  }
0x60: {  	[spmem:s5] =	stream.strided.scatter [tilespmem:s1], [sflag:$0x1], $0x2800, s10, s3, $0x38;
	[tilespmem:$0x9F80] =	vst v63  }
0x61: {  	_ =	swait.ge [sflag:s2], $0x2800  }
0x62: {  	[sflag:s2] =	ssyncset.done $0x0  }
0x63: {  	[sflag:s2] =	ssyncadd.s32 $0xFFFFD800  }
0x64: {  	s11 =	simm.s32 $0x4F80;
	[bflag:$0x0] =	sbarrier.arrive $0xFFFF  }
0x65: {  	[tilespmem:s11], [sflag:$0x1] =	stream.linear.gather [spmem:s7], $0x80, $0x38;
	[tilespmem:$0x9F80] =	vst v63  }
0x66: {  	s13 =	simm.s32 $0x5380;
	s12 =	rddreg [dreg:$0x18]  }
0x67: {  	[tilespmem:s13], [sflag:$0x1] =	stream.linear.gather [spmem:s12], $0x80, $0x38;
	[tilespmem:$0x9F80] =	vst v63  }
0x68: {  	s9 =	simm.s32 $0x5780;
	s8 =	rddreg [dreg:$0x19]  }
0x69: {  	[tilespmem:s9], [sflag:$0x1] =	stream.linear.gather [spmem:s8], $0x80, $0x38;
	[tilespmem:$0x9F80] =	vst v63  }
0x6a: {  	s10 =	rddreg [dreg:$0x1a];
	s11 =	simm.s32 $0x5B80  }
0x6b: {  	[tilespmem:s11], [sflag:$0x1] =	stream.linear.gather [spmem:s10], $0x80, $0x38;
	[tilespmem:$0x9F80] =	vst v63  }
0x6c: {  	s12 =	rddreg [dreg:$0x1b];
	s13 =	simm.s32 $0x5F80  }
0x6d: {  	[tilespmem:s13], [sflag:$0x1] =	stream.linear.gather [spmem:s12], $0x80, $0x38;
	[tilespmem:$0x9F80] =	vst v63  }
0x6e: {  	_ =	swait.ge [sflag:s2], $0x280  }
0x6f: {  	[sflag:s2] =	ssyncset.done $0x0  }
0x70: {  	s9 =	simm.s32 $0x5000;
	s8 =	rddreg [dreg:$0x6];
	[sflag:s2] =	ssyncadd.s32 $0xFFFFFD80  }
0x71: {  	[tilespmem:s9], [sflag:$0x1] =	stream.linear.gather [spmem:s8], $0x80, $0x38;
	[tilespmem:$0x9F80] =	vst v63  }
0x72: {  	s11 =	simm.s32 $0x5400;
	s10 =	rddreg [dreg:$0x1c]  }
0x73: {  	[tilespmem:s11], [sflag:$0x1] =	stream.linear.gather [spmem:s10], $0x80, $0x38;
	[tilespmem:$0x9F80] =	vst v63  }
0x74: {  	s13 =	simm.s32 $0x5800;
	s12 =	rddreg [dreg:$0x1d]  }
0x75: {  	[tilespmem:s13], [sflag:$0x1] =	stream.linear.gather [spmem:s12], $0x80, $0x38;
	[tilespmem:$0x9F80] =	vst v63  }
0x76: {  	s8 =	rddreg [dreg:$0x1e];
	s9 =	simm.s32 $0x5C00  }
0x77: {  	[tilespmem:s9], [sflag:$0x1] =	stream.linear.gather [spmem:s8], $0x80, $0x38;
	[tilespmem:$0x9F80] =	vst v63  }
0x78: {  	s10 =	rddreg [dreg:$0x1f];
	s11 =	simm.s32 $0x6000  }
0x79: {  	[tilespmem:s11], [sflag:$0x1] =	stream.linear.gather [spmem:s10], $0x80, $0x38;
	[tilespmem:$0x9F80] =	vst v63  }
0x7a: {  	_ =	swait.ge [sflag:s2], $0x280  }
0x7b: {  	[sflag:s2] =	ssyncset.done $0x0;
	s12 =	rddreg [dreg:$0x7]  }
0x7c: {  	s13 =	simm.s32 $0x5080;
	s8 =	sld [smem:$0x7D8];
	[sflag:s2] =	ssyncadd.s32 $0xFFFFFD80  }
0x7d: {  	[tilespmem:s13], [sflag:$0x1] =	stream.linear.gather [spmem:s12], $0x80, $0x38;
	[tilespmem:$0x9F80] =	vst v63  }
0x7e: {  	s9 =	simm.s32 $0x5480;
	s10 =	sld [smem:$0x7D9]  }
0x7f: {  	[tilespmem:s9], [sflag:$0x1] =	stream.linear.gather [spmem:s8], $0x80, $0x38;
	[tilespmem:$0x9F80] =	vst v63  }
0x80: {  	s11 =	simm.s32 $0x5880;
	s12 =	sld [smem:$0x7DA]  }
0x81: {  	[tilespmem:s11], [sflag:$0x1] =	stream.linear.gather [spmem:s10], $0x80, $0x38;
	[tilespmem:$0x9F80] =	vst v63  }
0x82: {  	s13 =	simm.s32 $0x5C80;
	s8 =	sld [smem:$0x7DB]  }
0x83: {  	[tilespmem:s13], [sflag:$0x1] =	stream.linear.gather [spmem:s12], $0x80, $0x38;
	[tilespmem:$0x9F80] =	vst v63  }
0x84: {  	s9 =	simm.s32 $0x6080  }
0x85: {  	[tilespmem:s9], [sflag:$0x1] =	stream.linear.gather [spmem:s8], $0x80, $0x38;
	[tilespmem:$0x9F80] =	vst v63  }
0x86: {  	_ =	swait.ge [sflag:s2], $0x280  }
0x87: {  	[sflag:s2] =	ssyncset.done $0x0;
	s10 =	rddreg [dreg:$0x8]  }
0x88: {  	s11 =	simm.s32 $0x5100;
	s12 =	sld [smem:$0x7DC];
	[sflag:s2] =	ssyncadd.s32 $0xFFFFFD80  }
0x89: {  	[tilespmem:s11], [sflag:$0x1] =	stream.linear.gather [spmem:s10], $0x80, $0x38;
	[tilespmem:$0x9F80] =	vst v63  }
0x8a: {  	s13 =	simm.s32 $0x5500;
	s8 =	sld [smem:$0x7DD]  }
0x8b: {  	[tilespmem:s13], [sflag:$0x1] =	stream.linear.gather [spmem:s12], $0x80, $0x38;
	[tilespmem:$0x9F80] =	vst v63  }
0x8c: {  	s9 =	simm.s32 $0x5900;
	s10 =	sld [smem:$0x7DE]  }
0x8d: {  	[tilespmem:s9], [sflag:$0x1] =	stream.linear.gather [spmem:s8], $0x80, $0x38;
	[tilespmem:$0x9F80] =	vst v63  }
0x8e: {  	s11 =	simm.s32 $0x5D00;
	s12 =	sld [smem:$0x7DF]  }
0x8f: {  	[tilespmem:s11], [sflag:$0x1] =	stream.linear.gather [spmem:s10], $0x80, $0x38;
	[tilespmem:$0x9F80] =	vst v63  }
0x90: {  	s13 =	simm.s32 $0x6100  }
0x91: {  	[tilespmem:s13], [sflag:$0x1] =	stream.linear.gather [spmem:s12], $0x80, $0x38;
	[tilespmem:$0x9F80] =	vst v63  }
0x92: {  	_ =	swait.ge [sflag:s2], $0x280  }
0x93: {  	[sflag:s2] =	ssyncset.done $0x0;
	s8 =	rddreg [dreg:$0x9]  }
0x94: {  	s9 =	simm.s32 $0x5180;
	s10 =	sld [smem:$0x7E0];
	[sflag:s2] =	ssyncadd.s32 $0xFFFFFD80  }
0x95: {  	[tilespmem:s9], [sflag:$0x1] =	stream.linear.gather [spmem:s8], $0x80, $0x38;
	[tilespmem:$0x9F80] =	vst v63  }
0x96: {  	s11 =	simm.s32 $0x5580;
	s12 =	sld [smem:$0x7E1]  }
0x97: {  	[tilespmem:s11], [sflag:$0x1] =	stream.linear.gather [spmem:s10], $0x80, $0x38;
	[tilespmem:$0x9F80] =	vst v63  }
0x98: {  	s13 =	simm.s32 $0x5980;
	s8 =	sld [smem:$0x7E2]  }
0x99: {  	[tilespmem:s13], [sflag:$0x1] =	stream.linear.gather [spmem:s12], $0x80, $0x38;
	[tilespmem:$0x9F80] =	vst v63  }
0x9a: {  	s9 =	simm.s32 $0x5D80;
	s10 =	sld [smem:$0x7E3]  }
0x9b: {  	[tilespmem:s9], [sflag:$0x1] =	stream.linear.gather [spmem:s8], $0x80, $0x38;
	[tilespmem:$0x9F80] =	vst v63  }
0x9c: {  	s11 =	simm.s32 $0x6180  }
0x9d: {  	[tilespmem:s11], [sflag:$0x1] =	stream.linear.gather [spmem:s10], $0x80, $0x38;
	[tilespmem:$0x9F80] =	vst v63  }
0x9e: {  	_ =	swait.ge [sflag:s2], $0x280  }
0x9f: {  	[sflag:s2] =	ssyncset.done $0x0;
	s12 =	rddreg [dreg:$0xa]  }
0xa0: {  	s13 =	simm.s32 $0x5200;
	s8 =	sld [smem:$0x7E4];
	[sflag:s2] =	ssyncadd.s32 $0xFFFFFD80  }
0xa1: {  	[tilespmem:s13], [sflag:$0x1] =	stream.linear.gather [spmem:s12], $0x80, $0x38;
	[tilespmem:$0x9F80] =	vst v63  }
0xa2: {  	s9 =	simm.s32 $0x5600;
	s10 =	sld [smem:$0x7E5]  }
0xa3: {  	[tilespmem:s9], [sflag:$0x1] =	stream.linear.gather [spmem:s8], $0x80, $0x38;
	[tilespmem:$0x9F80] =	vst v63  }
0xa4: {  	s11 =	simm.s32 $0x5A00;
	s12 =	sld [smem:$0x7E6]  }
0xa5: {  	[tilespmem:s11], [sflag:$0x1] =	stream.linear.gather [spmem:s10], $0x80, $0x38;
	[tilespmem:$0x9F80] =	vst v63  }
0xa6: {  	s13 =	simm.s32 $0x5E00;
	s8 =	sld [smem:$0x7E7]  }
0xa7: {  	[tilespmem:s13], [sflag:$0x1] =	stream.linear.gather [spmem:s12], $0x80, $0x38;
	[tilespmem:$0x9F80] =	vst v63  }
0xa8: {  	s9 =	simm.s32 $0x6200  }
0xa9: {  	[tilespmem:s9], [sflag:$0x1] =	stream.linear.gather [spmem:s8], $0x80, $0x38;
	[tilespmem:$0x9F80] =	vst v63  }
0xaa: {  	_ =	swait.ge [sflag:s2], $0x280  }
0xab: {  	[sflag:s2] =	ssyncset.done $0x0;
	s10 =	rddreg [dreg:$0xb]  }
0xac: {  	s11 =	simm.s32 $0x5280;
	s12 =	sld [smem:$0x7E8];
	[sflag:s2] =	ssyncadd.s32 $0xFFFFFD80  }
0xad: {  	[tilespmem:s11], [sflag:$0x1] =	stream.linear.gather [spmem:s10], $0x80, $0x38;
	[tilespmem:$0x9F80] =	vst v63  }
0xae: {  	s13 =	simm.s32 $0x5680;
	s8 =	sld [smem:$0x7E9]  }
0xaf: {  	[tilespmem:s13], [sflag:$0x1] =	stream.linear.gather [spmem:s12], $0x80, $0x38;
	[tilespmem:$0x9F80] =	vst v63  }
0xb0: {  	s9 =	simm.s32 $0x5A80;
	s10 =	sld [smem:$0x7EA]  }
0xb1: {  	[tilespmem:s9], [sflag:$0x1] =	stream.linear.gather [spmem:s8], $0x80, $0x38;
	[tilespmem:$0x9F80] =	vst v63  }
0xb2: {  	s11 =	simm.s32 $0x5E80;
	s12 =	sld [smem:$0x7EB]  }
0xb3: {  	[tilespmem:s11], [sflag:$0x1] =	stream.linear.gather [spmem:s10], $0x80, $0x38;
	[tilespmem:$0x9F80] =	vst v63  }
0xb4: {  	s13 =	simm.s32 $0x6280  }
0xb5: {  	[tilespmem:s13], [sflag:$0x1] =	stream.linear.gather [spmem:s12], $0x80, $0x38;
	[tilespmem:$0x9F80] =	vst v63  }
0xb6: {  	_ =	swait.ge [sflag:s2], $0x280  }
0xb7: {  	[sflag:s2] =	ssyncset.done $0x0;
	s8 =	rddreg [dreg:$0xc]  }
0xb8: {  	s9 =	simm.s32 $0x5300;
	s10 =	sld [smem:$0x7EC];
	[sflag:s2] =	ssyncadd.s32 $0xFFFFFD80  }
0xb9: {  	[tilespmem:s9], [sflag:$0x1] =	stream.linear.gather [spmem:s8], $0x80, $0x38;
	[tilespmem:$0x9F80] =	vst v63  }
0xba: {  	s11 =	simm.s32 $0x5700;
	s12 =	sld [smem:$0x7ED]  }
0xbb: {  	[tilespmem:s11], [sflag:$0x1] =	stream.linear.gather [spmem:s10], $0x80, $0x38;
	[tilespmem:$0x9F80] =	vst v63  }
0xbc: {  	s13 =	simm.s32 $0x5B00;
	s8 =	sld [smem:$0x7EE]  }
0xbd: {  	[tilespmem:s13], [sflag:$0x1] =	stream.linear.gather [spmem:s12], $0x80, $0x38;
	[tilespmem:$0x9F80] =	vst v63  }
0xbe: {  	s9 =	simm.s32 $0x5F00;
	s10 =	sld [smem:$0x7EF]  }
0xbf: {  	[tilespmem:s9], [sflag:$0x1] =	stream.linear.gather [spmem:s8], $0x80, $0x38;
	[tilespmem:$0x9F80] =	vst v63  }
0xc0: {  	s11 =	simm.s32 $0x6300  }
0xc1: {  	[tilespmem:s11], [sflag:$0x1] =	stream.linear.gather [spmem:s10], $0x80, $0x38;
	[tilespmem:$0x9F80] =	vst v63  }
0xc2: {  	_ =	swait.ge [sflag:s2], $0x280  }
0xc3: {  	[sflag:s2] =	ssyncset.done $0x0;
	s12 =	rddreg [dreg:$0xd]  }
0xc4: {  	s13 =	simm.s32 $0x6380;
	s8 =	sld [smem:$0x7F0];
	[sflag:s2] =	ssyncadd.s32 $0xFFFFFD80  }
0xc5: {  	[tilespmem:s13], [sflag:$0x1] =	stream.linear.gather [spmem:s12], $0x80, $0x38;
	[tilespmem:$0x9F80] =	vst v63  }
0xc6: {  	s9 =	simm.s32 $0x6780;
	s10 =	sld [smem:$0x7F1]  }
0xc7: {  	[tilespmem:s9], [sflag:$0x1] =	stream.linear.gather [spmem:s8], $0x80, $0x38;
	[tilespmem:$0x9F80] =	vst v63  }
0xc8: {  	s11 =	simm.s32 $0x6B80;
	s12 =	sld [smem:$0x7F2]  }
0xc9: {  	[tilespmem:s11], [sflag:$0x1] =	stream.linear.gather [spmem:s10], $0x80, $0x38;
	[tilespmem:$0x9F80] =	vst v63  }
0xca: {  	s13 =	simm.s32 $0x6F80;
	s8 =	sld [smem:$0x7F3]  }
0xcb: {  	[tilespmem:s13], [sflag:$0x1] =	stream.linear.gather [spmem:s12], $0x80, $0x38;
	[tilespmem:$0x9F80] =	vst v63  }
0xcc: {  	s9 =	simm.s32 $0x7380  }
0xcd: {  	[tilespmem:s9], [sflag:$0x1] =	stream.linear.gather [spmem:s8], $0x80, $0x38;
	[tilespmem:$0x9F80] =	vst v63  }
0xce: {  	_ =	swait.ge [sflag:s2], $0x280  }
0xcf: {  	[sflag:s2] =	ssyncset.done $0x0;
	s10 =	rddreg [dreg:$0xe]  }
0xd0: {  	s11 =	simm.s32 $0x6400;
	s12 =	sld [smem:$0x7F4];
	[sflag:s2] =	ssyncadd.s32 $0xFFFFFD80  }
0xd1: {  	[tilespmem:s11], [sflag:$0x1] =	stream.linear.gather [spmem:s10], $0x80, $0x38;
	[tilespmem:$0x9F80] =	vst v63  }
0xd2: {  	s13 =	simm.s32 $0x6800;
	s8 =	sld [smem:$0x7F5]  }
0xd3: {  	[tilespmem:s13], [sflag:$0x1] =	stream.linear.gather [spmem:s12], $0x80, $0x38;
	[tilespmem:$0x9F80] =	vst v63  }
0xd4: {  	s9 =	simm.s32 $0x6C00;
	s10 =	sld [smem:$0x7F6]  }
0xd5: {  	[tilespmem:s9], [sflag:$0x1] =	stream.linear.gather [spmem:s8], $0x80, $0x38;
	[tilespmem:$0x9F80] =	vst v63  }
0xd6: {  	s11 =	simm.s32 $0x7000;
	s12 =	sld [smem:$0x7F7]  }
0xd7: {  	[tilespmem:s11], [sflag:$0x1] =	stream.linear.gather [spmem:s10], $0x80, $0x38;
	[tilespmem:$0x9F80] =	vst v63  }
0xd8: {  	s13 =	simm.s32 $0x7400  }
0xd9: {  	[tilespmem:s13], [sflag:$0x1] =	stream.linear.gather [spmem:s12], $0x80, $0x38;
	[tilespmem:$0x9F80] =	vst v63  }
0xda: {  	_ =	swait.ge [sflag:s2], $0x280  }
0xdb: {  	[sflag:s2] =	ssyncset.done $0x0;
	s8 =	rddreg [dreg:$0xf]  }
0xdc: {  	s9 =	simm.s32 $0x6480;
	s10 =	sld [smem:$0x7F8];
	[sflag:s2] =	ssyncadd.s32 $0xFFFFFD80  }
0xdd: {  	[tilespmem:s9], [sflag:$0x1] =	stream.linear.gather [spmem:s8], $0x80, $0x38;
	[tilespmem:$0x9F80] =	vst v63  }
0xde: {  	s11 =	simm.s32 $0x6880;
	s12 =	sld [smem:$0x7F9]  }
0xdf: {  	[tilespmem:s11], [sflag:$0x1] =	stream.linear.gather [spmem:s10], $0x80, $0x38;
	[tilespmem:$0x9F80] =	vst v63  }
0xe0: {  	s13 =	simm.s32 $0x6C80;
	s8 =	sld [smem:$0x7FA]  }
0xe1: {  	[tilespmem:s13], [sflag:$0x1] =	stream.linear.gather [spmem:s12], $0x80, $0x38;
	[tilespmem:$0x9F80] =	vst v63  }
0xe2: {  	s9 =	simm.s32 $0x7080;
	s10 =	sld [smem:$0x7FB]  }
0xe3: {  	[tilespmem:s9], [sflag:$0x1] =	stream.linear.gather [spmem:s8], $0x80, $0x38;
	[tilespmem:$0x9F80] =	vst v63  }
0xe4: {  	s11 =	simm.s32 $0x7480  }
0xe5: {  	[tilespmem:s11], [sflag:$0x1] =	stream.linear.gather [spmem:s10], $0x80, $0x38;
	[tilespmem:$0x9F80] =	vst v63  }
0xe6: {  	_ =	swait.ge [sflag:s2], $0x280  }
0xe7: {  	[sflag:s2] =	ssyncset.done $0x0;
	s12 =	rddreg [dreg:$0x10]  }
0xe8: {  	s13 =	simm.s32 $0x6500;
	s8 =	sld [smem:$0x7FC];
	[sflag:s2] =	ssyncadd.s32 $0xFFFFFD80  }
0xe9: {  	[tilespmem:s13], [sflag:$0x1] =	stream.linear.gather [spmem:s12], $0x80, $0x38;
	[tilespmem:$0x9F80] =	vst v63  }
0xea: {  	s9 =	simm.s32 $0x6900;
	s10 =	sld [smem:$0x7FD]  }
0xeb: {  	[tilespmem:s9], [sflag:$0x1] =	stream.linear.gather [spmem:s8], $0x80, $0x38;
	[tilespmem:$0x9F80] =	vst v63  }
0xec: {  	s11 =	simm.s32 $0x6D00  }
0xed: {  	[tilespmem:s11], [sflag:$0x1] =	stream.linear.gather [spmem:s10], $0x80, $0x38;
	[tilespmem:$0x9F80] =	vst v63  }
0xee: {  	s12 =	simm.s32 $0x7100  }
0xef: {  	[tilespmem:s12], [sflag:$0x1] =	stream.linear.gather [spmem:s14], $0x80, $0x38;
	[tilespmem:$0x9F80] =	vst v63  }
0xf0: {  	s13 =	simm.s32 $0x7500  }
0xf1: {  	[tilespmem:s13], [sflag:$0x1] =	stream.linear.gather [spmem:s15], $0x80, $0x38;
	[tilespmem:$0x9F80] =	vst v63  }
0xf2: {  	_ =	swait.ge [sflag:s2], $0x280  }
0xf3: {  	[sflag:s2] =	ssyncset.done $0x0  }
0xf4: {  	s9 =	simm.s32 $0x6580;
	s8 =	rddreg [dreg:$0x11];
	[sflag:s2] =	ssyncadd.s32 $0xFFFFFD80  }
0xf5: {  	[tilespmem:s9], [sflag:$0x1] =	stream.linear.gather [spmem:s8], $0x80, $0x38;
	[tilespmem:$0x9F80] =	vst v63  }
0xf6: {  	s10 =	simm.s32 $0x6980  }
0xf7: {  	[tilespmem:s10], [sflag:$0x1] =	stream.linear.gather [spmem:s16], $0x80, $0x38;
	[tilespmem:$0x9F80] =	vst v63  }
0xf8: {  	s11 =	simm.s32 $0x6D80  }
0xf9: {  	[tilespmem:s11], [sflag:$0x1] =	stream.linear.gather [spmem:s17], $0x80, $0x38;
	[tilespmem:$0x9F80] =	vst v63  }
0xfa: {  	s12 =	simm.s32 $0x7180  }
0xfb: {  	[tilespmem:s12], [sflag:$0x1] =	stream.linear.gather [spmem:s18], $0x80, $0x38;
	[tilespmem:$0x9F80] =	vst v63  }
0xfc: {  	s13 =	simm.s32 $0x7580  }
0xfd: {  	[tilespmem:s13], [sflag:$0x1] =	stream.linear.gather [spmem:s19], $0x80, $0x38;
	[tilespmem:$0x9F80] =	vst v63  }
0xfe: {  	_ =	swait.ge [sflag:s2], $0x280  }
0xff: {  	[sflag:s2] =	ssyncset.done $0x0  }
0x100: {  	s9 =	simm.s32 $0x6600;
	s8 =	rddreg [dreg:$0x12];
	[sflag:s2] =	ssyncadd.s32 $0xFFFFFD80  }
0x101: {  	[tilespmem:s9], [sflag:$0x1] =	stream.linear.gather [spmem:s8], $0x80, $0x38;
	[tilespmem:$0x9F80] =	vst v63  }
0x102: {  	s10 =	simm.s32 $0x6A00  }
0x103: {  	[tilespmem:s10], [sflag:$0x1] =	stream.linear.gather [spmem:s20], $0x80, $0x38;
	[tilespmem:$0x9F80] =	vst v63  }
0x104: {  	s11 =	simm.s32 $0x6E00  }
0x105: {  	[tilespmem:s11], [sflag:$0x1] =	stream.linear.gather [spmem:s21], $0x80, $0x38;
	[tilespmem:$0x9F80] =	vst v63  }
0x106: {  	s12 =	simm.s32 $0x7200  }
0x107: {  	[tilespmem:s12], [sflag:$0x1] =	stream.linear.gather [spmem:s22], $0x80, $0x38;
	[tilespmem:$0x9F80] =	vst v63  }
0x108: {  	s13 =	simm.s32 $0x7600  }
0x109: {  	[tilespmem:s13], [sflag:$0x1] =	stream.linear.gather [spmem:s23], $0x80, $0x38;
	[tilespmem:$0x9F80] =	vst v63  }
0x10a: {  	_ =	swait.ge [sflag:s2], $0x280  }
0x10b: {  	[sflag:s2] =	ssyncset.done $0x0  }
0x10c: {  	s9 =	simm.s32 $0x6680;
	s8 =	rddreg [dreg:$0x13];
	[sflag:s2] =	ssyncadd.s32 $0xFFFFFD80  }
0x10d: {  	[tilespmem:s9], [sflag:$0x1] =	stream.linear.gather [spmem:s8], $0x80, $0x38;
	[tilespmem:$0x9F80] =	vst v63  }
0x10e: {  	s10 =	simm.s32 $0x6A80  }
0x10f: {  	[tilespmem:s10], [sflag:$0x1] =	stream.linear.gather [spmem:s24], $0x80, $0x38;
	[tilespmem:$0x9F80] =	vst v63  }
0x110: {  	s11 =	simm.s32 $0x6E80  }
0x111: {  	[tilespmem:s11], [sflag:$0x1] =	stream.linear.gather [spmem:s25], $0x80, $0x38;
	[tilespmem:$0x9F80] =	vst v63  }
0x112: {  	s12 =	simm.s32 $0x7280  }
0x113: {  	[tilespmem:s12], [sflag:$0x1] =	stream.linear.gather [spmem:s26], $0x80, $0x38;
	[tilespmem:$0x9F80] =	vst v63  }
0x114: {  	s13 =	simm.s32 $0x7680  }
0x115: {  	[tilespmem:s13], [sflag:$0x1] =	stream.linear.gather [spmem:s28], $0x80, $0x38;
	[tilespmem:$0x9F80] =	vst v63  }
0x116: {  	_ =	swait.ge [sflag:s2], $0x280  }
0x117: {  	[sflag:s2] =	ssyncset.done $0x0  }
0x118: {  	s9 =	simm.s32 $0x6700;
	s8 =	rddreg [dreg:$0x14];
	[sflag:s2] =	ssyncadd.s32 $0xFFFFFD80  }
0x119: {  	[tilespmem:s9], [sflag:$0x1] =	stream.linear.gather [spmem:s8], $0x80, $0x38;
	[tilespmem:$0x9F80] =	vst v63  }
0x11a: {  	s10 =	simm.s32 $0x6B00  }
0x11b: {  	[tilespmem:s10], [sflag:$0x1] =	stream.linear.gather [spmem:s29], $0x80, $0x38;
	[tilespmem:$0x9F80] =	vst v63  }
0x11c: {  	s11 =	simm.s32 $0x6F00  }
0x11d: {  	[tilespmem:s11], [sflag:$0x1] =	stream.linear.gather [spmem:s30], $0x80, $0x38;
	[tilespmem:$0x9F80] =	vst v63  }
0x11e: {  	s12 =	simm.s32 $0x7300  }
0x11f: {  	[tilespmem:s12], [sflag:$0x1] =	stream.linear.gather [spmem:s31], $0x80, $0x38;
	[tilespmem:$0x9F80] =	vst v63  }
0x120: {  	s13 =	simm.s32 $0x7700;
	s8 =	simm.s32 $0x0  }
0x121: {  	[tilespmem:s13], [sflag:$0x1] =	stream.linear.gather [spmem:s0], $0x80, $0x38;
	[tilespmem:$0x9F80] =	vst v63  }
0x122: {  	s5 =	sand.u32 $0x70, s8;
	s9 =	sand.u32 $0x1C00, s8;
	_ =	swait.ge [sflag:s2], $0x280  }
0x123: {  	s9 =	sor.u32 s5, s9;
	[sflag:s2] =	ssyncset.done $0x0  }
0x124: {  	s10 =	simm.s32 $0x0;
	s11 =	simm.s32 $0x10;
	[sflag:s2] =	ssyncadd.s32 $0xFFFFFD80  }
.LBB2_4:
0x125: {  	p0 =	sne.s32 s11, $0x270;
	v1 =	vld [tilespmem:s9+$0x5000]  }
0x126: {  	v2 =	vld [tilespmem:s9+$0x4F80];
	_ =	sdelay $0x1  }
0x127: {  	v3 =	vld [tilespmem:s9+$0x5080];
	_ =	sdelay $0x1  }
0x128: {  	v4 =	vld [tilespmem:s9+$0x5100]  }
0x129: {  	v1 =	vadd.f32 v1, v2  }
0x12a: {  	v2 =	vld [tilespmem:s9+$0x5180]  }
0x12b: {  	v1 =	vadd.f32 v3, v1  }
0x12c: {  	v3 =	vld [tilespmem:s9+$0x5200]  }
0x12d: {  	v1 =	vadd.f32 v4, v1  }
0x12e: {  	s12 =	sor.u32 s10, s8;
	v4 =	vld [tilespmem:s9+$0x5280]  }
0x12f: {  	s12 =	sor.u32 $0x380, s12;
	v1 =	vadd.f32 v2, v1  }
0x130: {  	v2 =	vld [tilespmem:s12+$0x4F80]  }
0x131: {  	v1 =	vadd.f32 v3, v1  }
0x132: {  	v3 =	vld [tilespmem:s9+$0x6380]  }
0x133: {  	v1 =	vadd.f32 v4, v1  }
0x134: {  	v4 =	vld [tilespmem:s9+$0x6400]  }
0x135: {  	v1 =	vadd.f32 v2, v1  }
0x136: {  	v2 =	vld [tilespmem:s9+$0x6480]  }
0x137: {  	v1 =	vadd.f32 v3, v1  }
0x138: {  	v3 =	vld [tilespmem:s9+$0x6500]  }
0x139: {  	v1 =	vadd.f32 v4, v1  }
0x13a: {  	v4 =	vld [tilespmem:s9+$0x6580]  }
0x13b: {  	v1 =	vadd.f32 v2, v1  }
0x13c: {  	v2 =	vld [tilespmem:s9+$0x6600]  }
0x13d: {  	v1 =	vadd.f32 v3, v1  }
0x13e: {  	v3 =	vld [tilespmem:s9+$0x6680]  }
0x13f: {  	v1 =	vadd.f32 v4, v1  }
0x140: {  	v4 =	vld [tilespmem:s9+$0x6700]  }
0x141: {  	v1 =	vadd.f32 v2, v1;
	_ =	sdelay $0x1  }
.Ltmp1:
0x142: {  	v1 =	vadd.f32 v3, v1;
	(pc) =	sbr.rel @p0 .LBB2_4-.Ltmp1, $4  }
0x143: {  	s9 =	sadd.s32 s8, s6;
	s8 =	smov.u32 s11  }
0x144: {  	s10 =	sadd.s32 $0x80, s10;
	s9 =	sand.u32 $0x7F80, s9;
	v1 =	vadd.f32 v4, v1  }
0x145: {  	s12 =	sand.u32 $0x1C00, s10;
	s13 =	sor.u32 s5, s9;
	s5 =	sand.u32 $0x70, s11  }
0x146: {  	s11 =	sadd.s32 $0x10, s11;
	s9 =	sor.u32 s5, s12;
	[tilespmem:s13+$0x2780] =	vst v1  }
0x147: {  	v1 =	vld [tilespmem:s9+$0x5000]  }
0x148: {  	v2 =	vld [tilespmem:s9+$0x4F80];
	_ =	sdelay $0x1  }
0x149: {  	v3 =	vld [tilespmem:s9+$0x5080];
	_ =	sdelay $0x1  }
0x14a: {  	v4 =	vld [tilespmem:s9+$0x5100]  }
0x14b: {  	v1 =	vadd.f32 v1, v2  }
0x14c: {  	v2 =	vld [tilespmem:s9+$0x5180]  }
0x14d: {  	v1 =	vadd.f32 v3, v1  }
0x14e: {  	v3 =	vld [tilespmem:s9+$0x5200]  }
0x14f: {  	v1 =	vadd.f32 v4, v1  }
0x150: {  	v60 =	vld [tilespmem:s9+$0x5280];
	s10 =	sor.u32 s10, s8  }
0x151: {  	s10 =	sor.u32 $0x380, s10;
	v1 =	vadd.f32 v2, v1  }
0x152: {  	v2 =	vld [tilespmem:s10+$0x4F80]  }
0x153: {  	v1 =	vadd.f32 v3, v1  }
0x154: {  	v3 =	vld [tilespmem:s9+$0x6380]  }
0x155: {  	v1 =	vadd.f32 v60, v1  }
0x156: {  	v61 =	vld [tilespmem:s9+$0x6400]  }
0x157: {  	v1 =	vadd.f32 v2, v1  }
0x158: {  	v2 =	vld [tilespmem:s9+$0x6480]  }
0x159: {  	v1 =	vadd.f32 v3, v1  }
0x15a: {  	v3 =	vld [tilespmem:s9+$0x6500]  }
0x15b: {  	v1 =	vadd.f32 v61, v1  }
0x15c: {  	v62 =	vld [tilespmem:s9+$0x6580]  }
0x15d: {  	v1 =	vadd.f32 v2, v1  }
0x15e: {  	v2 =	vld [tilespmem:s9+$0x6600]  }
0x15f: {  	v1 =	vadd.f32 v3, v1  }
0x160: {  	v3 =	vld [tilespmem:s9+$0x6680]  }
0x161: {  	v1 =	vadd.f32 v62, v1  }
0x162: {  	v63 =	vld [tilespmem:s9+$0x6700]  }
0x163: {  	v1 =	vadd.f32 v2, v1;
	_ =	sdelay $0x1  }
0x164: {  	v1 =	vadd.f32 v3, v1  }
0x165: {  	s9 =	sadd.s32 s8, s6  }
0x166: {  	s8 =	sand.u32 $0x7F80, s9;
	v1 =	vadd.f32 v63, v1  }
0x167: {  	s11 =	rddreg [dreg:$0x16];
	s5 =	sor.u32 s5, s8  }
0x168: {  	s12 =	simm.s32 $0x100;
	s10 =	rddreg [dreg:$0x15];
	[tilespmem:s5+$0x2780] =	vst v1  }
0x169: {  	[hbm4b:s10+s3] =	stream.strided.scatter [tilespmem:s11], [sflag:$0x1], $0x280, s12, s3, $0x38;
	[tilespmem:$0x9F80] =	vst v63  }
0x16a: {  	_ =	swait.ge [sflag:s2], $0x280  }
0x16b: {  	s4 =	sadd.s32 $0x1, s4;
	s13 =	rddreg [dreg:$0x17]  }
0x16c: {  	p0 =	sne.s32 s4, s13  }
.Ltmp2:
0x16d: {  	_ = 	snop;
	(pc) =	sbr.rel @p0 .LBB2_1-.Ltmp2, $3  }
0x16e: {  	_ =	sdelay $0x1  }
0x16f: {  	[sflag:s2] =	ssyncset.done $0x0  }
0x170: {  	[sflag:s2] =	ssyncadd.s32 $0xFFFFFD80  }
0x171: {  	_ =	sfence.sel $0x180000  }
0x172: {  	[bflag:$0x0] =	sbarrier.arrive $0xFFFF  }
0x173: {  	_ =	strace $0x90000047  }
0x174: {  	s0 =	stileid.u32;
	[bflag:$0x2] =	sbarrier.arrive $0xFFFF  }
0x175: {  	p0 =	sne.s32 s0, $0x0;
	s0 =	rddreg [dreg:$0x2]  }
0x176: {  	s0 =	sadd.s32 @!p0 $0x100000, s0  }
0x177: {  	[sflag:s0] =	ssyncadd.tile.s32 @!p0 $0x1;
	_ =	shalt  }
.Lfunc_end2:
_tile_overlayer_lowered:
.L_overlay_start_2:
0x178: {  	(tag) =	ssettag $0x2  }
0x179: {  	s0 =	rddreg [dreg:$0x0];
	s2 =	stileid.u32  }
0x17a: {  	s1 =	rddreg [dreg:$0x1];
	p0 =	sne.s32 s2, $0x0  }
0x17b: {  	s3 =	rddreg [dreg:$0x2];
	[bflag:$0x3] =	sbarrier.arrive $0xFFFF;
	s2 =	simm.s32 @!p0 $0x1C01  }
0x17c: {  	[timem:s3], [sflag:s2] =	dma.local @!p0 [hbm:s0], s1  }
0x17d: {  	s0 =	simm.s32 @!p0 $0x1  }
0x17e: {  	_ =	swait.ge @!p0 [sflag:s0], s1  }
0x17f: {  	s1 =	ssub.s32 @!p0 $0x0, s1;
	[sflag:s0] =	ssyncset.done @!p0 $0x0  }
0x180: {  	[sflag:s0] =	ssyncadd.s32 @!p0 s1  }
0x181: {  	[bflag:$0x3] =	sbarrier.arrive $0xFFFF  }
0x182: {  	_ =	shalt  }

// kernel: kernel.9.cloned.1.call-start
scs
__scs_entry_jumppad:
0x0: {  	(pc) =	sbr.rel $0x88, $3  }
0x1: {  	(tag) =	ssettag $0x0;
	lr =	simm.s32 $0x1  }
0x2: {  	[smem:$0x3F9D] =	sst lr;
	_ =	strace $0xD0000000  }
0x3: {  	_ = 	snop  }
0x4: {  	_ = 	snop  }
0x5: {  	_ = 	snop  }
0x6: {  	_ = 	snop  }
0x7: {  	_ = 	snop  }
__scs_overlays_trampoline_lowered:
0x8: {  	[smem:$0x3FAC] =	sst s0  }
0x9: {  	[smem:$0x3FAD] =	sst s1  }
0xa: {  	[smem:$0x3FAE] =	sst s2  }
0xb: {  	[smem:$0x3FAF] =	sst s3  }
0xc: {  	[smem:$0x3FB0] =	sst s4  }
0xd: {  	[smem:$0x3FB1] =	sst s5  }
0xe: {  	[smem:$0x3FB2] =	sst s6  }
0xf: {  	[smem:$0x3FB3] =	sst s7  }
0x10: {  	[smem:$0x3FB4] =	sst s8  }
0x11: {  	[smem:$0x3FB5] =	sst s9;
	s0 =	simm.s32 @!p0 $0x0  }
0x12: {  	s1 =	sld [smem:$0x3F9B];
	s0 =	simm.s32 @p0 $0x1  }
0x13: {  	[smem:$0x3FB6] =	sst s0;
	s0 =	simm.s32 @!p1 $0x0  }
0x14: {  	s2 =	sld [smem:$0x3F9A];
	s0 =	simm.s32 @p1 $0x1  }
0x15: {  	[smem:$0x3FB7] =	sst s0;
	s0 =	simm.s32 @!p2 $0x0  }
0x16: {  	s3 =	sld [smem:$0x3FDB];
	s0 =	simm.s32 @p2 $0x1  }
0x17: {  	s4 =	simm.s32 $0x1BF5;
	[smem:$0x3FB9] =	sst s0  }
0x18: {  	s0 =	sld [smem:$0x3F9C];
	_ =	swait.ge [sflag:s4], $0x0  }
0x19: {  	s7 =	sld [smem:$0x3F9D]  }
0x1a: {  	s8 =	sadd.s32 $0xFFFFE003, lr  }
0x1b: {  	s9 =	sadd.s32 $0xFFFFFEF7, lr;
	s5 =	simm.s32 $0xFFFFFFFF;
	p2 =	slt.u32 s8, $0xFFFFF086  }
0x1c: {  	p1 =	slt.u32 s9, $0xF7A;
	s5 =	simm.s32 @!p2 $0x0  }
0x1d: {  	s5 =	simm.s32 @p1 $0x1;
	p0 =	seq.s32 s7, s2  }
0x1e: {  	s7 =	smul.u32 @!p0 $0xF7A, s2;
	p2 =	seq.s32 @!p0 s5, $0x0  }
0x1f: {  	s9 =	smul.u32 $0xF7A, s1;
	s8 =	simm.s32 @!p0 $0x1BF5;
	p2 =	por !p2, p0  }
0x20: {  	[sflag:s8] =	ssyncset.s32 @!p0 $0xFFFFF086;
	s6 =	sadd.s32 @!p0 s3, s7;
	s7 =	simm.s32 @!p0 $0x108  }
0x21: {  	s3 =	sadd.s32 s3, s9;
	s6 =	sadd.s32 @!p0 $0x88, s6;
	s7 =	simm.s32 @p2 $0x1082  }
0x22: {  	[simem:s7], [sflag:s8] =	dma.local @!p0 [hbm:s6], $0xF7A  }
0x23: {  	s9 =	sor.u32 $0xD0000000, s2;
	s6 =	simm.s32 $0x108;
	_ =	swait.ge @!p0 [sflag:s8], $0x0  }
0x24: {  	s3 =	sadd.s32 $0x88, s3;
	s6 =	simm.s32 @!p1 $0x1082;
	[sflag:s4] =	ssyncset.s32 $0xFFFFF086  }
0x25: {  	[simem:s6], [sflag:s4] =	dma.local [hbm:s3], $0xF7A  }
0x26: {  	[smem:$0x3F9D] =	sst s1;
	(tag) =	ssettag s2;
	_ =	strace s9  }
0x27: {  	s1 =	sld [smem:$0x3FAD]  }
0x28: {  	s2 =	sld [smem:$0x3FAE]  }
0x29: {  	s4 =	sld [smem:$0x3FB0]  }
0x2a: {  	p0 =	seq.s32 s5, $0x0;
	s5 =	sld [smem:$0x3FB1]  }
0x2b: {  	s6 =	sld [smem:$0x3FB2]  }
0x2c: {  	s7 =	sld [smem:$0x3FB3]  }
0x2d: {  	s3 =	simm.s32 $0x108;
	s8 =	sld [smem:$0x3FB4]  }
0x2e: {  	s3 =	simm.s32 @!p0 $0x1082;
	s9 =	sld [smem:$0x3FB5]  }
0x2f: {  	lr =	sadd.s32 s0, s3;
	s0 =	sld [smem:$0x3FAC]  }
0x30: {  	s3 =	sld [smem:$0x3FAF]  }
0x31: {  	[smem:$0x3FB8] =	sst s10  }
0x32: {  	s10 =	sld [smem:$0x3FB6];
	_ =	sdelay $0x3  }
0x33: {  	p0 =	seq.s32 s10, $0x1;
	s10 =	sld [smem:$0x3FB8];
	_ =	sdelay $0x3  }
0x34: {  	[smem:$0x3FB8] =	sst s10  }
0x35: {  	s10 =	sld [smem:$0x3FB7];
	_ =	sdelay $0x3  }
0x36: {  	p1 =	seq.s32 s10, $0x1;
	s10 =	sld [smem:$0x3FB8];
	_ =	sdelay $0x3  }
0x37: {  	[smem:$0x3FB8] =	sst s10  }
0x38: {  	s10 =	sld [smem:$0x3FB9]  }
0x39: {  	_ = 	snop;
	(pc) =	sbr.ind lr, $3  }
0x3a: {  	_ = 	snop  }
0x3b: {  	_ = 	snop  }
0x3c: {  	p2 =	seq.s32 s10, $0x1;
	s10 =	sld [smem:$0x3FB8]  }
0x3d: {  	_ =	shalt  }
0x3e: {  	_ =	shalt  }
0x3f: {  	_ =	shalt  }
0x40: {  	_ =	shalt  }
0x41: {  	_ =	shalt  }
0x42: {  	_ =	shalt  }
0x43: {  	_ =	shalt  }
0x44: {  	_ =	shalt  }
0x45: {  	_ =	shalt  }
0x46: {  	_ =	shalt  }
0x47: {  	_ =	shalt  }
0x48: {  	_ =	shalt  }
0x49: {  	_ =	shalt  }
0x4a: {  	_ =	shalt  }
0x4b: {  	_ =	shalt  }
0x4c: {  	_ =	shalt  }
0x4d: {  	_ =	shalt  }
0x4e: {  	_ =	shalt  }
0x4f: {  	_ =	shalt  }
0x50: {  	_ =	shalt  }
0x51: {  	_ =	shalt  }
0x52: {  	_ =	shalt  }
0x53: {  	_ =	shalt  }
0x54: {  	_ =	shalt  }
0x55: {  	_ =	shalt  }
0x56: {  	_ =	shalt  }
0x57: {  	_ =	shalt  }
0x58: {  	_ =	shalt  }
0x59: {  	_ =	shalt  }
0x5a: {  	_ =	shalt  }
0x5b: {  	_ =	shalt  }
0x5c: {  	_ =	shalt  }
0x5d: {  	_ =	shalt  }
0x5e: {  	_ =	shalt  }
0x5f: {  	_ =	shalt  }
0x60: {  	_ =	shalt  }
0x61: {  	_ =	shalt  }
0x62: {  	_ =	shalt  }
0x63: {  	_ =	shalt  }
0x64: {  	_ =	shalt  }
0x65: {  	_ =	shalt  }
0x66: {  	_ =	shalt  }
0x67: {  	_ =	shalt  }
0x68: {  	_ =	shalt  }
0x69: {  	_ =	shalt  }
0x6a: {  	_ =	shalt  }
0x6b: {  	_ =	shalt  }
0x6c: {  	_ =	shalt  }
0x6d: {  	_ =	shalt  }
0x6e: {  	_ =	shalt  }
0x6f: {  	_ =	shalt  }
0x70: {  	_ =	shalt  }
0x71: {  	_ =	shalt  }
0x72: {  	_ =	shalt  }
0x73: {  	_ =	shalt  }
0x74: {  	_ =	shalt  }
0x75: {  	_ =	shalt  }
0x76: {  	_ =	shalt  }
0x77: {  	_ =	shalt  }
0x78: {  	_ =	shalt  }
0x79: {  	_ =	shalt  }
0x7a: {  	_ =	shalt  }
0x7b: {  	_ =	shalt  }
0x7c: {  	_ =	shalt  }
0x7d: {  	_ =	shalt  }
0x7e: {  	_ =	shalt  }
0x7f: {  	_ =	shalt  }
0x80: {  	_ =	shalt  }
0x81: {  	_ =	shalt  }
0x82: {  	_ =	shalt  }
0x83: {  	_ =	shalt  }
0x84: {  	_ =	shalt  }
0x85: {  	_ =	shalt  }
0x86: {  	_ =	shalt  }
0x87: {  	_ =	shalt  }
.Lfunc_end0:
.L_simem_size_0:
called_computation.1_lowered:
.L_overlay_start_0:
0x88: {  	s2 =	sld [smem:$0x3FD9]  }
0x89: {  	s3 =	sld [smem:$0x3FFE];
	_ =	sdelay $0x1  }
0x8a: {  	s1 =	srdreg.scid  }
0x8b: {  	s0 =	sand.u32 $0x1, s1  }
0x8c: {  	s17 =	sshll.u32 s0, $0xA;
	s2 =	sadd.s32 s3, s2  }
0x8d: {  	s2 =	sadd.s32 s2, s17  }
0x8e: {  	[smem:$0x3FC4] =	sst s2  }
0x8f: {  	_ = 	snop  }
0x90: {  	s2 =	sld [smem:$0x3FD0];
	(tm) =	ssettm $0x1  }
0x91: {  	s18 =	sld [smem:$0x3FFB];
	_ =	sdelay $0x3  }
0x92: {  	_ =	strace s18  }
0x93: {  	s3 =	sld [smem:$0x3FFC];
	_ =	sdelay $0x3  }
0x94: {  	_ =	strace s3  }
0x95: {  	s3 =	sld [smem:$0x3FFD];
	_ =	sdelay $0x3  }
0x96: {  	_ =	strace s3  }
0x97: {  	_ =	strace $0x8FFFFFFF  }
0x98: {  	s19 =	sld [smem:$0x3FDB];
	_ =	sdelay $0x1  }
0x99: {  	s4 =	simm.s32 $_scs_section_size  }
0x9a: {  	s5 =	simm.s32 $_size__tile_overlayer_lowered;
	s6 =	simm.s32 $_tile_overlayer_lowered  }
0x9b: {  	s22 =	simm.s32 $0x1BFF;
	s21 =	sshll.u32 s6, $0x1;
	s3 =	sadd.s32 s4, s19  }
0x9c: {  	s7 =	simm.s32 $0x0;
	s20 =	sshll.u32 s5, $0x1;
	s5 =	sadd.s32 s21, s3  }
0x9d: {  	[timem:s7], [sflag:s22] =	dma.local [hbm:s5], s20  }
0x9e: {  	_ =	swait.ge [sflag:s22], s20  }
0x9f: {  	s4 =	ssub.s32 $0x0, s20;
	[sflag:s22] =	ssyncset.done $0x0  }
0xa0: {  	[sflag:s22] =	ssyncadd.s32 s4;
	_ =	sdelay $0x1  }
0xa1: {  	s23 =	simm.s32 $0x1B8B  }
0xa2: {  	_ =	swait.ge [sflag:s23], $0x1  }
0xa3: {  	[sflag:s23] =	ssyncset.done $0x0  }
0xa4: {  	s25 =	simm.s32 $0x1B8E;
	s24 =	sld [smem:$0x3FFE];
	[sflag:s23] =	ssyncadd.s32 $0xFFFFFFFF  }
0xa5: {  	s26 =	simm.s32 $execute0_lowered;
	[smem:$0x3FD2] =	sst s25  }
0xa6: {  	s5 =	sshll.u32 s26, $0x1;
	_ =	strace $0x80000049;
	[dreg:$0x1] =	wrdreg $0xFFFFFFFF  }
0xa7: {  	s28 =	simm.s32 $_size_execute0_lowered;
	s3 =	sadd.s32 s3, s5;
	[dreg:$0x0] =	wrdreg $0x0  }
0xa8: {  	s5 =	sshll.u32 s28, $0x1;
	[dreg:$0x2] =	wrdreg s3  }
0xa9: {  	[dreg:$0x3] =	wrdreg s5  }
0xaa: {  	[dreg:$0x4] =	wrdreg $0xC0  }
0xab: {  	_ =	task [dreg:s7], $0x5FFFF  }
0xac: {  	[dreg:$0x1] =	wrdreg $0xFFFFFFFF  }
0xad: {  	[dreg:$0x0] =	wrdreg $0x60  }
0xae: {  	[dreg:$0x2] =	wrdreg s24  }
0xaf: {  	[dreg:$0x3] =	wrdreg s2  }
0xb0: {  	[dreg:$0x4] =	wrdreg $0x90000  }
0xb1: {  	[dreg:$0x5] =	wrdreg $0x9  }
0xb2: {  	_ =	task.clear_ibuf [dreg:s7], $0x6FFFF;
	_ =	strace $0x90000049  }
0xb3: {  	s29 =	simm.s32 $0x9;
	_ =	strace $0x8000004B  }
0xb4: {  	_ =	swait.ge [sflag:s29], $0x1  }
0xb5: {  	[sflag:s29] =	ssyncadd.s32 $0xFFFFFFFF  }
0xb6: {  	_ =	strace $0x9000004B  }
0xb7: {  	_ =	sfence  }
0xb8: {  	s30 =	sld [smem:$0x0];
	_ =	sdelay $0x2  }
0xb9: {  	s31 =	sshll.u32 s1, $0xD;
	s1 =	sshrl.u32 s1, $0x2  }
0xba: {  	s3 =	sand.u32 $0x4000, s31;
	s1 =	sadd.s32 s1, s30  }
0xbb: {  	s0 =	sor.u32 s3, s0;
	s1 =	sshll.u32 s1, $0x11  }
0xbc: {  	s0 =	sor.u32 s1, s0  }
0xbd: {  	s0 =	sadd.s32 $0x8F2B, s0  }
0xbe: {  	[sflag:s0] =	ssyncadd.remote.s32 $0x1  }
0xbf: {  	_ =	sfence.sel $0xFFFF  }
0xc0: {  	[dreg:$0x0] =	wrdreg $0xFFFFFFFF;
	(pc) =	sbr.abs _section_cstart, $3  }
0xc1: {  	[dreg:$0x1] =	wrdreg $0xFFFFFFFF  }
0xc2: {  	_ =	task.clear_ibuf [dreg:s7], $0x2FFFF;
	_ =	strace $0x9FFFFFFF  }
0xc3: {  	(tm) =	ssettm $0x7FFFFFFF  }
tec
execute0_lowered:
.L_overlay_start_1:
0x0: {  	(tag) =	ssettag $0x1  }
0x1: {  	s5 =	rddreg [dreg:$0x0];
	s0 =	srdreg.scid  }
0x2: {  	s16 =	rddreg [dreg:$0x1];
	s9 =	stileid.u32  }
0x3: {  	s2 =	rddreg [dreg:$0x2];
	s3 =	simm.s32 $0x0;
	s13 =	smul.u32 $0x278, s9  }
0x4: {  	s28 =	simm.s32 $0x1;
	s29 =	simm.s32 $0x0;
	s18 =	smul.u32 $0x13C00, s9  }
0x5: {  	s12 =	sand.u32 $0x1, s0;
	[smem:$0x7FF] =	sst s3;
	s8 =	smul.u32 $0x4F000, s9  }
0x6: {  	s21 =	sadd.s32 $0x3DC00, s5;
	s4 =	sshll.u32 s12, $0x4;
	_ =	strace $0x8000004A  }
0x7: {  	s6 =	ssub.s32 $0x2, s12;
	s25 =	smul.u32 $0x13C000, s12;
	s4 =	sor.u32 s9, s4  }
0x8: {  	s7 =	sshrl.u32 s6, $0x1;
	s10 =	sshrl.u32 s18, $0x3;
	s11 =	sshrl.u32 s8, $0x2  }
0x9: {  	s14 =	sadd.s32 $0x80, s13;
	s9 =	sadd.s32 $0x100, s13;
	s17 =	smul.u32 $0x500, s4  }
0xa: {  	s4 =	sadd.s32 $0x16400, s5;
	s22 =	ssub.s32 s6, s7;
	s6 =	sadd.s32 s11, s2  }
0xb: {  	s19 =	sshll.u32 s14, $0x7;
	s7 =	sshll.u32 s14, $0x4;
	s20 =	sshll.u32 s9, $0x7  }
0xc: {  	s9 =	sshll.u32 s9, $0x4;
	s11 =	sadd.s32 $0x180, s13;
	s13 =	sadd.s32 $0x200, s13  }
0xd: {  	s18 =	sadd.s32 s18, s25;
	s7 =	sadd.s32 s4, s7;
	s8 =	sadd.s32 s19, s2  }
0xe: {  	s9 =	sadd.s32 s4, s9;
	s14 =	sshll.u32 s11, $0x4;
	s23 =	sshll.u32 s11, $0x7  }
0xf: {  	s24 =	sshll.u32 s13, $0x7;
	s13 =	sshll.u32 s13, $0x4;
	s19 =	sadd.s32 s25, s19  }
0x10: {  	s18 =	sshrl.u32 s18, $0x3;
	s26 =	sadd.s32 s25, s20;
	s22 =	smax.u32 s22, $0x1  }
0x11: {  	s15 =	sadd.s32 s17, s5;
	s5 =	sadd.s32 s4, s10;
	s10 =	sadd.s32 s20, s2  }
0x12: {  	s11 =	sadd.s32 s4, s14;
	s12 =	sadd.s32 s23, s2;
	s13 =	sadd.s32 s4, s13  }
0x13: {  	s14 =	sadd.s32 s24, s2;
	s16 =	sadd.s32 s16, s17;
	s19 =	sshrl.u32 s19, $0x3  }
0x14: {  	s17 =	sadd.s32 s21, s18;
	s30 =	sadd.s32 s25, s23;
	s31 =	sadd.s32 s25, s24  }
0x15: {  	s24 =	simm.s32 $0x2;
	s25 =	simm.s32 $0x2800;
	s15 =	sadd.s32 $0xC400, s15  }
0x16: {  	s18 =	sadd.s32 s21, s19;
	s19 =	sshrl.u32 s26, $0x3;
	s20 =	sshrl.u32 s30, $0x3  }
0x17: {  	s23 =	sshrl.u32 s31, $0x3;
	s26 =	simm.s32 $0x80;
	s19 =	sadd.s32 s21, s19  }
0x18: {  	s20 =	sadd.s32 s21, s20;
	s21 =	sadd.s32 s21, s23;
	s23 =	simm.s32 $0x5000  }
.LBB2_1:
0x19: {  	[tilespmem:s23], [sflag:$0x2] =	stream.linear.gather [hbm4b:s5+s3], $0x4000, $0x38;
	[tilespmem:$0x1CC00] =	vst v63  }
0x1a: {  	_ =	swait.ge [sflag:s24], $0x4000  }
0x1b: {  	[sflag:s24] =	ssyncset.done $0x0  }
0x1c: {  	[sflag:s24] =	ssyncadd.s32 $0xFFFFC000  }
0x1d: {  	[spmem:s6] =	stream.linear.scatter [tilespmem:s23], [sflag:$0x2], $0x4000, $0x38;
	[tilespmem:$0x1CC00] =	vst v63  }
0x1e: {  	_ =	swait.ge [sflag:s24], $0x4000  }
0x1f: {  	[sflag:s24] =	ssyncset.done $0x0  }
0x20: {  	[sflag:s24] =	ssyncadd.s32 $0xFFFFC000  }
0x21: {  	[tilespmem:s23], [sflag:$0x2] =	stream.linear.gather [hbm4b:s7+s3], $0x4000, $0x38;
	[tilespmem:$0x1CC00] =	vst v63  }
0x22: {  	_ =	swait.ge [sflag:s24], $0x4000  }
0x23: {  	[sflag:s24] =	ssyncset.done $0x0  }
0x24: {  	[sflag:s24] =	ssyncadd.s32 $0xFFFFC000  }
0x25: {  	[spmem:s8] =	stream.linear.scatter [tilespmem:s23], [sflag:$0x2], $0x4000, $0x38;
	[tilespmem:$0x1CC00] =	vst v63  }
0x26: {  	_ =	swait.ge [sflag:s24], $0x4000  }
0x27: {  	[sflag:s24] =	ssyncset.done $0x0  }
0x28: {  	[sflag:s24] =	ssyncadd.s32 $0xFFFFC000  }
0x29: {  	[tilespmem:s23], [sflag:$0x2] =	stream.linear.gather [hbm4b:s9+s3], $0x4000, $0x38;
	[tilespmem:$0x1CC00] =	vst v63  }
0x2a: {  	_ =	swait.ge [sflag:s24], $0x4000  }
0x2b: {  	[sflag:s24] =	ssyncset.done $0x0  }
0x2c: {  	[sflag:s24] =	ssyncadd.s32 $0xFFFFC000  }
0x2d: {  	[spmem:s10] =	stream.linear.scatter [tilespmem:s23], [sflag:$0x2], $0x4000, $0x38;
	[tilespmem:$0x1CC00] =	vst v63  }
0x2e: {  	_ =	swait.ge [sflag:s24], $0x4000  }
0x2f: {  	[sflag:s24] =	ssyncset.done $0x0  }
0x30: {  	[sflag:s24] =	ssyncadd.s32 $0xFFFFC000  }
0x31: {  	[tilespmem:s23], [sflag:$0x2] =	stream.linear.gather [hbm4b:s11+s3], $0x4000, $0x38;
	[tilespmem:$0x1CC00] =	vst v63  }
0x32: {  	_ =	swait.ge [sflag:s24], $0x4000  }
0x33: {  	[sflag:s24] =	ssyncset.done $0x0  }
0x34: {  	[sflag:s24] =	ssyncadd.s32 $0xFFFFC000  }
0x35: {  	[spmem:s12] =	stream.linear.scatter [tilespmem:s23], [sflag:$0x2], $0x4000, $0x38;
	[tilespmem:$0x1CC00] =	vst v63  }
0x36: {  	_ =	swait.ge [sflag:s24], $0x4000  }
0x37: {  	[sflag:s24] =	ssyncset.done $0x0  }
0x38: {  	[sflag:s24] =	ssyncadd.s32 $0xFFFFC000  }
0x39: {  	[tilespmem:s23], [sflag:$0x2] =	stream.linear.gather [hbm4b:s13+s3], $0x3C00, $0x38;
	[tilespmem:$0x1CC00] =	vst v63  }
0x3a: {  	_ =	swait.ge [sflag:s24], $0x3C00  }
0x3b: {  	[sflag:s24] =	ssyncset.done $0x0  }
0x3c: {  	[sflag:s24] =	ssyncadd.s32 $0xFFFFC400  }
0x3d: {  	[spmem:s14] =	stream.linear.scatter [tilespmem:s23], [sflag:$0x2], $0x3C00, $0x38;
	[tilespmem:$0x1CC00] =	vst v63  }
0x3e: {  	_ =	swait.ge [sflag:s24], $0x3C00  }
0x3f: {  	[sflag:s24] =	ssyncset.done $0x0  }
0x40: {  	[sflag:s24] =	ssyncadd.s32 $0xFFFFC400  }
0x41: {  	[tilespmem:s3], [sflag:$0x2] =	stream.linear.gather [hbm4b:s15+s3], $0x2800, $0x38;
	[tilespmem:$0x1CC00] =	vst v63  }
0x42: {  	_ =	swait.ge [sflag:s24], $0x2800  }
0x43: {  	[sflag:s24] =	ssyncset.done $0x0  }
0x44: {  	[sflag:s24] =	ssyncadd.s32 $0xFFFFD800  }
0x45: {  	[tilespmem:s25], [sflag:$0x2] =	stream.linear.gather [hbm4b:s16+s3], $0x2800, $0x38;
	[tilespmem:$0x1CC00] =	vst v63  }
0x46: {  	_ =	swait.ge [sflag:s24], $0x2800  }
0x47: {  	[sflag:s24] =	ssyncset.done $0x0  }
0x48: {  	[sflag:s24] =	ssyncadd.s32 $0xFFFFD800  }
0x49: {  	s30 =	simm.s32 $0x0;
	[bflag:$0x0] =	sbarrier.arrive $0xFFFF  }
0x4a: {  	[tilespmem:s23], [sflag:$0x1] =	stream.indirect.gather [hbm4b:s4+s26], $0x80, s30, s26, $0xb8;
	[tilespmem:$0x1CC00] =	vst v63  }
0x4b: {  	_ =	swait.ge [sflag:s28], $0x4000  }
0x4c: {  	[sflag:s28] =	ssyncset.done $0x0  }
0x4d: {  	s30 =	simm.s32 $0x2800;
	[sflag:s28] =	ssyncadd.s32 $0xFFFFC000  }
0x4e: {  	[spmem:s2] =	stream.indirect.scatter.add.f32 [tilespmem:s23], [sflag:$0x2], $0x80, s30, s26, $0xb8;
	[tilespmem:$0x1CC00] =	vst v63  }
0x4f: {  	_ =	swait.ge [sflag:s24], $0x4000  }
0x50: {  	s31 =	simm.s32 $0x400;
	s30 =	simm.s32 $0x200;
	[sflag:s24] =	ssyncset.done $0x0  }
.LBB2_2:
0x51: {  	s0 =	sshra.s32 s30, $0x2  }
0x52: {  	[sflag:s24] =	ssyncadd.s32 $0xFFFFC000;
	s30 =	smov.u32 s31;
	s1 =	sadd.s32 $0x200, s31  }
0x53: {  	[tilespmem:s23], [sflag:$0x1] =	stream.indirect.gather [hbm4b:s4+s26], $0x80, s0, s26, $0xb8;
	[tilespmem:$0x1CC00] =	vst v63  }
0x54: {  	p0 =	sne.s32 s31, $0x9E00;
	_ =	swait.ge [sflag:s28], $0x4000  }
.Ltmp0:
0x55: {  	[sflag:s28] =	ssyncset.done $0x0;
	(pc) =	sbr.rel @p0 .LBB2_2-.Ltmp0, $4  }
0x56: {  	s0 =	sadd.s32 $0x2800, s0;
	[sflag:s28] =	ssyncadd.s32 $0xFFFFC000  }
0x57: {  	[spmem:s2] =	stream.indirect.scatter.add.f32 [tilespmem:s23], [sflag:$0x2], $0x80, s0, s26, $0xb8;
	[tilespmem:$0x1CC00] =	vst v63  }
0x58: {  	_ =	swait.ge [sflag:s24], $0x4000  }
0x59: {  	s31 =	smov.u32 s1;
	[sflag:s24] =	ssyncset.done $0x0  }
0x5a: {  	s0 =	sshra.s32 s30, $0x2;
	[sflag:s24] =	ssyncadd.s32 $0xFFFFC000  }
0x5b: {  	[tilespmem:s23], [sflag:$0x1] =	stream.indirect.gather [hbm4b:s4+s26], $0x80, s0, s26, $0xb8;
	[tilespmem:$0x1CC00] =	vst v63  }
0x5c: {  	_ =	swait.ge [sflag:s28], $0x4000  }
0x5d: {  	[sflag:s28] =	ssyncset.done $0x0  }
0x5e: {  	s0 =	sadd.s32 $0x2800, s0;
	[sflag:s28] =	ssyncadd.s32 $0xFFFFC000  }
0x5f: {  	[spmem:s2] =	stream.indirect.scatter.add.f32 [tilespmem:s23], [sflag:$0x2], $0x80, s0, s26, $0xb8;
	[tilespmem:$0x1CC00] =	vst v63  }
0x60: {  	_ =	swait.ge [sflag:s24], $0x4000  }
0x61: {  	[sflag:s24] =	ssyncset.done $0x0  }
0x62: {  	[sflag:s24] =	ssyncadd.s32 $0xFFFFC000  }
0x63: {  	[bflag:$0x0] =	sbarrier.arrive $0xFFFF  }
0x64: {  	[tilespmem:s23], [sflag:$0x2] =	stream.linear.gather [spmem:s6], $0x4000, $0x38;
	[tilespmem:$0x1CC00] =	vst v63  }
0x65: {  	_ =	swait.ge [sflag:s24], $0x4000  }
0x66: {  	[sflag:s24] =	ssyncset.done $0x0  }
0x67: {  	[sflag:s24] =	ssyncadd.s32 $0xFFFFC000  }
0x68: {  	[hbm4b:s17+s3] =	stream.linear.scatter [tilespmem:s23], [sflag:$0x2], $0x4000, $0x38;
	[tilespmem:$0x1CC00] =	vst v63  }
0x69: {  	_ =	swait.ge [sflag:s24], $0x4000  }
0x6a: {  	[sflag:s24] =	ssyncset.done $0x0  }
0x6b: {  	[sflag:s24] =	ssyncadd.s32 $0xFFFFC000  }
0x6c: {  	[tilespmem:s23], [sflag:$0x2] =	stream.linear.gather [spmem:s8], $0x4000, $0x38;
	[tilespmem:$0x1CC00] =	vst v63  }
0x6d: {  	_ =	swait.ge [sflag:s24], $0x4000  }
0x6e: {  	[sflag:s24] =	ssyncset.done $0x0  }
0x6f: {  	[sflag:s24] =	ssyncadd.s32 $0xFFFFC000  }
0x70: {  	[hbm4b:s18+s3] =	stream.linear.scatter [tilespmem:s23], [sflag:$0x2], $0x4000, $0x38;
	[tilespmem:$0x1CC00] =	vst v63  }
0x71: {  	_ =	swait.ge [sflag:s24], $0x4000  }
0x72: {  	[sflag:s24] =	ssyncset.done $0x0  }
0x73: {  	[sflag:s24] =	ssyncadd.s32 $0xFFFFC000  }
0x74: {  	[tilespmem:s23], [sflag:$0x2] =	stream.linear.gather [spmem:s10], $0x4000, $0x38;
	[tilespmem:$0x1CC00] =	vst v63  }
0x75: {  	_ =	swait.ge [sflag:s24], $0x4000  }
0x76: {  	[sflag:s24] =	ssyncset.done $0x0  }
0x77: {  	[sflag:s24] =	ssyncadd.s32 $0xFFFFC000  }
0x78: {  	[hbm4b:s19+s3] =	stream.linear.scatter [tilespmem:s23], [sflag:$0x2], $0x4000, $0x38;
	[tilespmem:$0x1CC00] =	vst v63  }
0x79: {  	_ =	swait.ge [sflag:s24], $0x4000  }
0x7a: {  	[sflag:s24] =	ssyncset.done $0x0  }
0x7b: {  	[sflag:s24] =	ssyncadd.s32 $0xFFFFC000  }
0x7c: {  	[tilespmem:s23], [sflag:$0x2] =	stream.linear.gather [spmem:s12], $0x4000, $0x38;
	[tilespmem:$0x1CC00] =	vst v63  }
0x7d: {  	_ =	swait.ge [sflag:s24], $0x4000  }
0x7e: {  	[sflag:s24] =	ssyncset.done $0x0  }
0x7f: {  	[sflag:s24] =	ssyncadd.s32 $0xFFFFC000  }
0x80: {  	[hbm4b:s20+s3] =	stream.linear.scatter [tilespmem:s23], [sflag:$0x2], $0x4000, $0x38;
	[tilespmem:$0x1CC00] =	vst v63  }
0x81: {  	_ =	swait.ge [sflag:s24], $0x4000  }
0x82: {  	[sflag:s24] =	ssyncset.done $0x0  }
0x83: {  	[sflag:s24] =	ssyncadd.s32 $0xFFFFC000  }
0x84: {  	[tilespmem:s23], [sflag:$0x2] =	stream.linear.gather [spmem:s14], $0x3C00, $0x38;
	[tilespmem:$0x1CC00] =	vst v63  }
0x85: {  	s29 =	sadd.s32 $0x1, s29;
	_ =	swait.ge [sflag:s24], $0x3C00  }
0x86: {  	p0 =	sne.s32 s29, s22;
	[sflag:s24] =	ssyncset.done $0x0  }
.Ltmp1:
0x87: {  	[sflag:s24] =	ssyncadd.s32 $0xFFFFC400;
	(pc) =	sbr.rel @p0 .LBB2_1-.Ltmp1, $4  }
0x88: {  	[hbm4b:s21+s3] =	stream.linear.scatter [tilespmem:s23], [sflag:$0x2], $0x3C00, $0x38;
	[tilespmem:$0x1CC00] =	vst v63  }
0x89: {  	_ =	swait.ge [sflag:s24], $0x3C00  }
0x8a: {  	[sflag:s24] =	ssyncset.done $0x0  }
0x8b: {  	[sflag:s24] =	ssyncadd.s32 $0xFFFFC400  }
0x8c: {  	_ =	sfence.sel $0x180000  }
0x8d: {  	[bflag:$0x0] =	sbarrier.arrive $0xFFFF  }
0x8e: {  	_ =	strace $0x9000004A  }
0x8f: {  	s0 =	stileid.u32;
	[bflag:$0x2] =	sbarrier.arrive $0xFFFF  }
0x90: {  	p0 =	sne.s32 s0, $0x0;
	s0 =	rddreg [dreg:$0x3]  }
0x91: {  	s0 =	sadd.s32 @!p0 $0x100000, s0  }
0x92: {  	[sflag:s0] =	ssyncadd.tile.s32 @!p0 $0x1;
	_ =	shalt  }
.Lfunc_end2:
_tile_overlayer_lowered:
.L_overlay_start_2:
0x93: {  	(tag) =	ssettag $0x2  }
0x94: {  	s0 =	rddreg [dreg:$0x0];
	s2 =	stileid.u32  }
0x95: {  	s1 =	rddreg [dreg:$0x1];
	p0 =	sne.s32 s2, $0x0  }
0x96: {  	s3 =	rddreg [dreg:$0x2];
	[bflag:$0x3] =	sbarrier.arrive $0xFFFF;
	s2 =	simm.s32 @!p0 $0x1C02  }
0x97: {  	[timem:s3], [sflag:s2] =	dma.local @!p0 [hbm:s0], s1  }
0x98: {  	s0 =	simm.s32 @!p0 $0x2  }
0x99: {  	_ =	swait.ge @!p0 [sflag:s0], s1  }
0x9a: {  	s1 =	ssub.s32 @!p0 $0x0, s1;
	[sflag:s0] =	ssyncset.done @!p0 $0x0  }
0x9b: {  	[sflag:s0] =	ssyncadd.s32 @!p0 s1  }
0x9c: {  	[bflag:$0x3] =	sbarrier.arrive $0xFFFF  }
0x9d: {  	_ =	shalt  }

</sc_bundles>
